<compile_context>
chip_gen: v7x
topology: tpu7x:2x2x1
jax: 0.10.2.dev20260603
libtpu: 0.0.44.dev20260713+nightly
codegen_flags: <defaults>
</compile_context>

<pallas_src>
import functools

import jax
import jax.numpy as jnp
from jax import lax
from jax.experimental import pallas as pl
from jax.experimental.pallas import tpu as pltpu
from jax.experimental.pallas import tpu_sc as plsc

HS = 64
ROWW = HS + 1
LPREF = 200
W = 16
NWIN = 13


def _fm_body(items_hbm, feat_hbm, user_hbm, bias_hbm, ui_hbm, pref_hbm,
             res_out, pbias_out, pnz_out, ui_bias_out, ui_nz_out, parts_hbm,
             pref_v, uiv_v, tiles_v, stage64_v, urow_v, psum_v,
             bstage_v, res_v, uistage_v, parts_v, sem):
    cid = lax.axis_index("c")
    sid = lax.axis_index("s")
    lanes = lax.iota(jnp.int32, W)
    colb = jnp.full((W,), HS, jnp.int32)

    @pl.when(cid == 0)
    def _core0():
        @pl.when(sid < NWIN)
        def _pref_windows():
            start = jnp.minimum(sid * W, LPREF - W)
            start = pl.multiple_of(start, 8)
            pltpu.sync_copy(pref_hbm, pref_v)
            idxvec = plsc.load_gather(pref_v, [start + lanes])
            copies = []
            row_in_tile = []
            for j in range(W):
                sj = jnp.max(jnp.where(lanes == j, idxvec, 0))
                g8 = pl.multiple_of(sj & -8, 8)
                copies.append(pltpu.async_copy(
                    feat_hbm.at[pl.ds(g8, 8)],
                    tiles_v.at[pl.ds(j * 8, 8)], sem))
                row_in_tile.append(jnp.full((W,), j * 8, jnp.int32)
                                   + (sj - g8))
            for c in copies:
                c.wait()
            bstage = jnp.zeros((W,), jnp.float32)
            for j in range(W):
                for k in range(HS // W):
                    v = plsc.load_gather(
                        tiles_v, [row_in_tile[j], lanes + (k * W)])
                    stage64_v[j, pl.ds(k * W, W)] = v
                bj = plsc.load_gather(tiles_v, [row_in_tile[j], colb])
                bstage = jnp.where(lanes == j, bj, bstage)
            bstage_v[...] = bstage
            pltpu.sync_copy(stage64_v, pnz_out.at[pl.ds(start, W)])
            pltpu.sync_copy(bstage_v, pbias_out.at[pl.ds(start, W)])
            thresh = sid * W - start
            for k in range(HS // W):
                acc = jnp.zeros((W,), jnp.float32)
                for r in range(W):
                    v = stage64_v[r, pl.ds(k * W, W)]
                    acc = acc + jnp.where(r >= thresh, v, 0.0)
                psum_v[0, pl.ds(k * W, W)] = acc
            pltpu.sync_copy(psum_v, parts_hbm.at[sid, pl.ds(0, 1)])

        @pl.when(sid == NWIN)
        def _ui_rows():
            pltpu.sync_copy(ui_hbm, uiv_v)
            item_vec = plsc.load_gather(uiv_v, [jnp.full((W,), 1, jnp.int32)])
            si = jnp.max(item_vec)
            g8 = pl.multiple_of(si & -8, 8)
            item_copy = pltpu.async_copy(
                items_hbm.at[pl.ds(g8, 8)], tiles_v.at[pl.ds(0, 8)], sem)
            pltpu.sync_copy(user_hbm, urow_v)
            item_copy.wait()
            rit = jnp.zeros((W,), jnp.int32) + (si - g8)
            for k in range(HS // W):
                uistage_v[0, pl.ds(k * W, W)] = urow_v[0, pl.ds(k * W, W)]
                uistage_v[1, pl.ds(k * W, W)] = plsc.load_gather(
                    tiles_v, [rit, lanes + (k * W)])
            pltpu.sync_copy(uistage_v, ui_nz_out)
            ub = plsc.load_gather(urow_v, [jnp.zeros((W,), jnp.int32), colb])
            ib = plsc.load_gather(tiles_v, [rit, colb])
            bstage_v[...] = jnp.where(lanes == 0, ub, ib)
            pltpu.sync_copy(bstage_v.at[pl.ds(0, 2)], ui_bias_out)

        plsc.subcore_barrier()

        @pl.when(sid == NWIN)
        def _finalize():
            pltpu.sync_copy(parts_hbm, parts_v)
            pltpu.sync_copy(bias_hbm, res_v.at[pl.ds(0, 1)])
            acc = jnp.zeros((W,), jnp.float32)
            for k in range(HS // W):
                p = jnp.zeros((W,), jnp.float32)
                for s in range(NWIN):
                    p = p + parts_v[s, 0, pl.ds(k * W, W)]
                u = uistage_v[0, pl.ds(k * W, W)]
                it = uistage_v[1, pl.ds(k * W, W)]
                acc = acc + u * it + (u + it) * p
            total = jnp.sum(acc)
            bvec = plsc.load_gather(res_v, [jnp.zeros((W,), jnp.int32)])
            res_v[...] = bvec + total
            pltpu.sync_copy(res_v.at[pl.ds(0, 1)], res_out)


@functools.partial(
    pl.kernel,
    out_type=(
        jax.ShapeDtypeStruct((1,), jnp.float32),
        jax.ShapeDtypeStruct((LPREF,), jnp.float32),
        jax.ShapeDtypeStruct((LPREF, HS), jnp.float32),
        jax.ShapeDtypeStruct((2,), jnp.float32),
        jax.ShapeDtypeStruct((2, HS), jnp.float32),
        jax.ShapeDtypeStruct((W, 8, HS), jnp.float32),
    ),
    mesh=plsc.VectorSubcoreMesh(
        core_axis_name="c", subcore_axis_name="s", num_cores=2,
        num_subcores=16),
    compiler_params=pltpu.CompilerParams(needs_layout_passes=False),
    scratch_types=(
        pltpu.VMEM((LPREF,), jnp.int32),
        pltpu.VMEM((2,), jnp.int32),
        pltpu.VMEM((8 * W, ROWW), jnp.float32),
        pltpu.VMEM((W, HS), jnp.float32),
        pltpu.VMEM((1, ROWW), jnp.float32),
        pltpu.VMEM((1, HS), jnp.float32),
        pltpu.VMEM((W,), jnp.float32),
        pltpu.VMEM((W,), jnp.float32),
        pltpu.VMEM((2, HS), jnp.float32),
        pltpu.VMEM((W, 8, HS), jnp.float32),
        pltpu.SemaphoreType.DMA,
    ),
)
def _fm_sc(items_hbm, feat_hbm, user_hbm, bias_hbm, ui_hbm, pref_hbm,
           res_out, pbias_out, pnz_out, ui_bias_out, ui_nz_out, parts_hbm,
           *scratch):
    _fm_body(items_hbm, feat_hbm, user_hbm, bias_hbm, ui_hbm, pref_hbm,
             res_out, pbias_out, pnz_out, ui_bias_out, ui_nz_out, parts_hbm,
             *scratch)


def kernel(items_emb, feature_emb, user_emb, Bias, ui_pair, feature_index,
           preference_index):
    del feature_index
    res, pbias, pnz, uibias, uinz, _ = _fm_sc(
        items_emb, feature_emb, user_emb, Bias,
        ui_pair.reshape(2), preference_index.reshape(LPREF))
    fbias = jnp.concatenate([uibias, pbias]).reshape(1, LPREF + 2, 1)
    nz = jnp.concatenate([uinz, pnz], axis=0).reshape(1, LPREF + 2, HS)
    return (res.reshape(1, 1), fbias, nz)

# --- scband reference (transcript-rebuilt; emitter-appended) ---
"""Pipeline reference for scband-factorization-machine-1529008358085 (READ-ONLY COPY).

The authoritative reference and input builder live on the scoring server;
editing this copy changes nothing except your own understanding.
"""

import jax, jax.numpy as jnp
import numpy as np

ITEM_LENGTH = 1000000
FEATURE_LENGTH = 100000
HS = 64
USER_LENGTH = 0
L = 200


def setup_inputs(seed: int = 0) -> dict:
    key = jax.random.key(seed)
    ks = jax.random.split(key, 7)
    items_emb = jax.random.normal(ks[0], (ITEM_LENGTH, HS + 1), dtype=jnp.float32) * 0.01
    feature_emb = jax.random.normal(ks[1], (FEATURE_LENGTH, HS + 1), dtype=jnp.float32) * 0.01
    user_emb = jax.random.normal(ks[2], (1, HS + 1), dtype=jnp.float32) * 0.01
    Bias = jax.random.normal(ks[3], (1,), dtype=jnp.float32) * 0.01
    ui_pair = jax.random.randint(ks[4], (1, 2), 0, ITEM_LENGTH, dtype=jnp.int32)
    feature_index = jax.random.randint(ks[5], (1,), 0, FEATURE_LENGTH, dtype=jnp.int32)
    preference_index = jax.random.randint(ks[6], (1, L), 0, FEATURE_LENGTH, dtype=jnp.int32)
    return {
        "items_emb": items_emb,
        "feature_emb": feature_emb,
        "user_emb": user_emb,
        "Bias": Bias,
        "ui_pair": ui_pair,
        "feature_index": feature_index,
        "preference_index": preference_index,
    }


def reference(items_emb, feature_emb, user_emb, Bias, ui_pair, feature_index, preference_index):
    # user_length global in the original forward; fixed to USER_LENGTH=0 here
    real_idx = ui_pair[0, 1] - USER_LENGTH
    ue = jnp.take(user_emb, jnp.array([0]), axis=0)            # [1, hs+1]
    ie = jnp.take(items_emb, real_idx, axis=0)[None, :]        # [1, hs+1]
    ui_emb = jnp.concatenate([ue, ie], axis=0)[None, ...]      # [1, 2, hs+1]
    nonzero_matrix_ui = ui_emb[..., :-1]
    feature_bias_matrix_ui = ui_emb[..., -1:]
    feature_matrix_preference = jnp.take(feature_emb, preference_index, axis=0)  # [1, L, hs+1]
    nonzero_matrix_preference = feature_matrix_preference[..., :-1]
    feature_bias_matrix_preference = feature_matrix_preference[..., -1:]
    nonzero_matrix = jnp.concatenate((nonzero_matrix_ui, nonzero_matrix_preference), axis=1)
    feature_bias_matrix = jnp.concatenate((feature_bias_matrix_ui, feature_bias_matrix_preference), axis=1)
    summed_features_embedding_squared = jnp.sum(nonzero_matrix, axis=1, keepdims=True) ** 2
    squared_sum_features_embedding = jnp.sum(nonzero_matrix * nonzero_matrix, axis=1, keepdims=True)
    FM = 0.5 * (summed_features_embedding_squared - squared_sum_features_embedding)
    s2 = jnp.sum(nonzero_matrix_preference, axis=1, keepdims=True) ** 2
    q2 = jnp.sum(nonzero_matrix_preference * nonzero_matrix_preference, axis=1, keepdims=True)
    newFM_2 = 0.5 * (s2 - q2)
    FM = FM - newFM_2
    # dropout2 is identity in eval mode
    Bilinear = jnp.sum(FM, axis=2)
    result = Bilinear + Bias
    return (result, feature_bias_matrix, nonzero_matrix)

if __name__ == "__main__":
    import jax
    _d = setup_inputs()
    print(jax.jit(kernel)(*tuple(_d.values())))

</pallas_src>

<mosaic_0001>
#map = affine_map<(d0, d1) -> (0, 0)>
#map1 = affine_map<(d0, d1) -> (0)>
#map2 = affine_map<(d0, d1) -> (0, 0, 0)>
module attributes {stable_mosaic.version = 14 : i64} {
  func.func @_fm_sc(%arg0: i32, %arg1: i32, %arg2: memref<1000000x65xf32, #tpu.memory_space<hbm>>, %arg3: memref<100000x65xf32, #tpu.memory_space<hbm>>, %arg4: memref<1x65xf32, #tpu.memory_space<hbm>>, %arg5: memref<1xf32, #tpu.memory_space<hbm>>, %arg6: memref<2xi32, #tpu.memory_space<hbm>>, %arg7: memref<200xi32, #tpu.memory_space<hbm>>, %arg8: memref<1xf32, #tpu.memory_space<hbm>>, %arg9: memref<200xf32, #tpu.memory_space<hbm>>, %arg10: memref<200x64xf32, #tpu.memory_space<hbm>>, %arg11: memref<2xf32, #tpu.memory_space<hbm>>, %arg12: memref<2x64xf32, #tpu.memory_space<hbm>>, %arg13: memref<16x8x64xf32, #tpu.memory_space<hbm>>, %arg14: memref<200xi32, #tpu.memory_space<vmem>>, %arg15: memref<2xi32, #tpu.memory_space<vmem>>, %arg16: memref<128x65xf32, #tpu.memory_space<vmem>>, %arg17: memref<16x64xf32, #tpu.memory_space<vmem>>, %arg18: memref<1x65xf32, #tpu.memory_space<vmem>>, %arg19: memref<1x64xf32, #tpu.memory_space<vmem>>, %arg20: memref<16xf32, #tpu.memory_space<vmem>>, %arg21: memref<16xf32, #tpu.memory_space<vmem>>, %arg22: memref<2x64xf32, #tpu.memory_space<vmem>>, %arg23: memref<16x8x64xf32, #tpu.memory_space<vmem>>, %arg24: memref<!tpu.dma_semaphore, #tpu.memory_space<semaphore_mem>>) attributes {dimension_semantics = [#tpu.dimension_semantics<core_parallel>, #tpu.dimension_semantics<subcore_parallel>], iteration_bounds = array<i64: 2, 16>, scalar_prefetch = 0 : i64, scratch_operands = 11 : i64, tpu.core_type = #tpu.core_type<sc_vector_subcore>, window_params = [{transform_indices = #map}, {transform_indices = #map}, {transform_indices = #map}, {transform_indices = #map1}, {transform_indices = #map1}, {transform_indices = #map1}, {transform_indices = #map1}, {transform_indices = #map1}, {transform_indices = #map}, {transform_indices = #map1}, {transform_indices = #map}, {transform_indices = #map2}]} {
    %iota3A = tpu.iota {dimensions = array<i32: 0>} : vector<16xi32>
    %broadcast_in_dim3A = arith.constant 64 : i32
    %broadcast_in_dim3A_0 = vector.broadcast %broadcast_in_dim3A : i32 to vector<16xi32>
    %eq3A = arith.constant 0 : i32
    %eq3A_1 = arith.cmpi eq, %arg0, %eq3A : i32
    %convert_element_type3A = arith.extui %eq3A_1 : i1 to i32
    %cond3A = arith.constant 0 : i32
    %cond3A_2 = arith.cmpi ne, %convert_element_type3A, %cond3A : i32
    scf.if %cond3A_2 {
      %lt3A = arith.constant 13 : i32
      %lt3A_3 = arith.cmpi slt, %arg1, %lt3A : i32
      %convert_element_type3A_4 = arith.extui %lt3A_3 : i1 to i32
      %cond3A_5 = arith.constant 0 : i32
      %cond3A_6 = arith.cmpi ne, %convert_element_type3A_4, %cond3A_5 : i32
      scf.if %cond3A_6 {
        %mul3A = arith.constant 16 : i32
        %mul3A_17 = arith.muli %arg1, %mul3A : i32
        %min3A = arith.constant 184 : i32
        %min3A_18 = arith.minsi %mul3A_17, %min3A : i32
        %multiple_of3A = tpu.assume_multiple %min3A_18, 8 : i32
        "tpu.region"() ({
          %run_scoped3A = tpu.sem_alloc : memref<!tpu.dma_semaphore, #tpu.memory_space<semaphore_mem>>
          tpu.enqueue_dma source(%arg7 : memref<200xi32, #tpu.memory_space<hbm>>) target(%arg14 : memref<200xi32, #tpu.memory_space<vmem>>) target_semaphore(%run_scoped3A : memref<!tpu.dma_semaphore, #tpu.memory_space<semaphore_mem>>)
          tpu.wait_dma2 semaphore(%run_scoped3A : memref<!tpu.dma_semaphore, #tpu.memory_space<semaphore_mem>>) src(%arg7 : memref<200xi32, #tpu.memory_space<hbm>>) dst(%arg14 : memref<200xi32, #tpu.memory_space<vmem>>)
          tpu.yield
        }) : () -> ()
        %add3A = vector.broadcast %multiple_of3A : i32 to vector<16xi32>
        %add3A_19 = arith.addi %add3A, %iota3A : vector<16xi32>
        %gather3A = tpu.vector_load_idx %arg14[%add3A_19] : memref<200xi32, #tpu.memory_space<vmem>>[vector<16xi32>], vector<16xi32>,
        %eq3A_20 = arith.constant 0 : i32
        %eq3A_21 = vector.broadcast %eq3A_20 : i32 to vector<16xi32>
        %eq3A_22 = arith.cmpi eq, %iota3A, %eq3A_21 : vector<16xi32>
        %jit3A = arith.constant 0 : i32
        %broadcast_in_dim3A_23 = vector.broadcast %jit3A : i32 to vector<16xi32>
        %select_n3A = arith.select %eq3A_22, %gather3A, %broadcast_in_dim3A_23 : vector<16xi1>, vector<16xi32>
        %reduce_max3A = arith.constant true
        %reduce_max3A_24 = vector.broadcast %reduce_max3A : i1 to vector<16xi1>
        %reduce_max3A_25 = arith.constant -2147483648 : i32
        %reduce_max3A_26 = vector.broadcast %reduce_max3A_25 : i32 to vector<16xi32>
        %reduce_max3A_27 = arith.xori %select_n3A, %reduce_max3A_26 : vector<16xi32>
        %reduce_max3A_28 = tpu.scan <max>, %reduce_max3A_27 masked %reduce_max3A_24 : vector<16xi32>, vector<16xi1> -> vector<16xi32>
        %reduce_max3A_29 = arith.xori %reduce_max3A_28, %reduce_max3A_26 : vector<16xi32>
        %reduce_max3A_30 = vector.extract %reduce_max3A_29[15] : i32 from vector<16xi32>
        %and3A = arith.constant -8 : i32
        %and3A_31 = arith.andi %reduce_max3A_30, %and3A : i32
        %multiple_of3A_32 = tpu.assume_multiple %and3A_31, 8 : i32
        %dma_start3A = arith.constant 0 : i32
        %dma_start3A_33 = arith.constant 0 : i32
        %dma_start3A_34 = tpu.memref_slice %arg16[%dma_start3A, %dma_start3A_33] : memref<128x65xf32, #tpu.memory_space<vmem>> -> memref<8x65xf32, #tpu.memory_space<vmem>>
        %dma_start3A_35 = arith.constant 0 : i32
        %dma_start3A_36 = tpu.memref_slice %arg3[%multiple_of3A_32, %dma_start3A_35] : memref<100000x65xf32, #tpu.memory_space<hbm>> -> memref<8x65xf32, #tpu.memory_space<hbm>>
        %dma_start3A_37 = arith.constant 0 : i32
        %dma_start3A_38 = arith.constant 0 : i32
        %dma_start3A_39 = tpu.memref_slice %arg16[%dma_start3A_37, %dma_start3A_38] : memref<128x65xf32, #tpu.memory_space<vmem>> -> memref<8x65xf32, #tpu.memory_space<vmem>>
        %dma_start3A_40 = arith.constant 0 : i32
        %dma_start3A_41 = tpu.memref_slice %arg3[%multiple_of3A_32, %dma_start3A_40] : memref<100000x65xf32, #tpu.memory_space<hbm>> -> memref<8x65xf32, #tpu.memory_space<hbm>>
        tpu.enqueue_dma source(%dma_start3A_41 : memref<8x65xf32, #tpu.memory_space<hbm>>) target(%dma_start3A_39 : memref<8x65xf32, #tpu.memory_space<vmem>>) target_semaphore(%arg24 : memref<!tpu.dma_semaphore, #tpu.memory_space<semaphore_mem>>)
        %broadcast_in_dim3A_42 = arith.constant 0 : i32
        %broadcast_in_dim3A_43 = vector.broadcast %broadcast_in_dim3A_42 : i32 to vector<16xi32>
        %sub3A = arith.subi %reduce_max3A_30, %multiple_of3A_32 : i32
        %add3A_44 = vector.broadcast %sub3A : i32 to vector<16xi32>
        %add3A_45 = arith.addi %broadcast_in_dim3A_43, %add3A_44 : vector<16xi32>
        %eq3A_46 = arith.constant 1 : i32
        %eq3A_47 = vector.broadcast %eq3A_46 : i32 to vector<16xi32>
        %eq3A_48 = arith.cmpi eq, %iota3A, %eq3A_47 : vector<16xi32>
        %jit3A_49 = arith.constant 0 : i32
        %broadcast_in_dim3A_50 = vector.broadcast %jit3A_49 : i32 to vector<16xi32>
        %select_n3A_51 = arith.select %eq3A_48, %gather3A, %broadcast_in_dim3A_50 : vector<16xi1>, vector<16xi32>
        %reduce_max3A_52 = arith.constant true
        %reduce_max3A_53 = vector.broadcast %reduce_max3A_52 : i1 to vector<16xi1>
        %reduce_max3A_54 = arith.constant -2147483648 : i32
        %reduce_max3A_55 = vector.broadcast %reduce_max3A_54 : i32 to vector<16xi32>
        %reduce_max3A_56 = arith.xori %select_n3A_51, %reduce_max3A_55 : vector<16xi32>
        %reduce_max3A_57 = tpu.scan <max>, %reduce_max3A_56 masked %reduce_max3A_53 : vector<16xi32>, vector<16xi1> -> vector<16xi32>
        %reduce_max3A_58 = arith.xori %reduce_max3A_57, %reduce_max3A_55 : vector<16xi32>
        %reduce_max3A_59 = vector.extract %reduce_max3A_58[15] : i32 from vector<16xi32>
        %and3A_60 = arith.constant -8 : i32
        %and3A_61 = arith.andi %reduce_max3A_59, %and3A_60 : i32
        %multiple_of3A_62 = tpu.assume_multiple %and3A_61, 8 : i32
        %dma_start3A_63 = arith.constant 8 : i32
        %dma_start3A_64 = arith.constant 0 : i32
        %dma_start3A_65 = tpu.memref_slice %arg16[%dma_start3A_63, %dma_start3A_64] : memref<128x65xf32, #tpu.memory_space<vmem>> -> memref<8x65xf32, #tpu.memory_space<vmem>>
        %dma_start3A_66 = arith.constant 0 : i32
        %dma_start3A_67 = tpu.memref_slice %arg3[%multiple_of3A_62, %dma_start3A_66] : memref<100000x65xf32, #tpu.memory_space<hbm>> -> memref<8x65xf32, #tpu.memory_space<hbm>>
        %dma_start3A_68 = arith.constant 8 : i32
        %dma_start3A_69 = arith.constant 0 : i32
        %dma_start3A_70 = tpu.memref_slice %arg16[%dma_start3A_68, %dma_start3A_69] : memref<128x65xf32, #tpu.memory_space<vmem>> -> memref<8x65xf32, #tpu.memory_space<vmem>>
        %dma_start3A_71 = arith.constant 0 : i32
        %dma_start3A_72 = tpu.memref_slice %arg3[%multiple_of3A_62, %dma_start3A_71] : memref<100000x65xf32, #tpu.memory_space<hbm>> -> memref<8x65xf32, #tpu.memory_space<hbm>>
        tpu.enqueue_dma source(%dma_start3A_72 : memref<8x65xf32, #tpu.memory_space<hbm>>) target(%dma_start3A_70 : memref<8x65xf32, #tpu.memory_space<vmem>>) target_semaphore(%arg24 : memref<!tpu.dma_semaphore, #tpu.memory_space<semaphore_mem>>)
        %broadcast_in_dim3A_73 = arith.constant 8 : i32
        %broadcast_in_dim3A_74 = vector.broadcast %broadcast_in_dim3A_73 : i32 to vector<16xi32>
        %sub3A_75 = arith.subi %reduce_max3A_59, %multiple_of3A_62 : i32
        %add3A_76 = vector.broadcast %sub3A_75 : i32 to vector<16xi32>
        %add3A_77 = arith.addi %broadcast_in_dim3A_74, %add3A_76 : vector<16xi32>
        %eq3A_78 = arith.constant 2 : i32
        %eq3A_79 = vector.broadcast %eq3A_78 : i32 to vector<16xi32>
        %eq3A_80 = arith.cmpi eq, %iota3A, %eq3A_79 : vector<16xi32>
        %jit3A_81 = arith.constant 0 : i32
        %broadcast_in_dim3A_82 = vector.broadcast %jit3A_81 : i32 to vector<16xi32>
        %select_n3A_83 = arith.select %eq3A_80, %gather3A, %broadcast_in_dim3A_82 : vector<16xi1>, vector<16xi32>
        %reduce_max3A_84 = arith.constant true
        %reduce_max3A_85 = vector.broadcast %reduce_max3A_84 : i1 to vector<16xi1>
        %reduce_max3A_86 = arith.constant -2147483648 : i32
        %reduce_max3A_87 = vector.broadcast %reduce_max3A_86 : i32 to vector<16xi32>
        %reduce_max3A_88 = arith.xori %select_n3A_83, %reduce_max3A_87 : vector<16xi32>
        %reduce_max3A_89 = tpu.scan <max>, %reduce_max3A_88 masked %reduce_max3A_85 : vector<16xi32>, vector<16xi1> -> vector<16xi32>
        %reduce_max3A_90 = arith.xori %reduce_max3A_89, %reduce_max3A_87 : vector<16xi32>
        %reduce_max3A_91 = vector.extract %reduce_max3A_90[15] : i32 from vector<16xi32>
        %and3A_92 = arith.constant -8 : i32
        %and3A_93 = arith.andi %reduce_max3A_91, %and3A_92 : i32
        %multiple_of3A_94 = tpu.assume_multiple %and3A_93, 8 : i32
        %dma_start3A_95 = arith.constant 16 : i32
        %dma_start3A_96 = arith.constant 0 : i32
        %dma_start3A_97 = tpu.memref_slice %arg16[%dma_start3A_95, %dma_start3A_96] : memref<128x65xf32, #tpu.memory_space<vmem>> -> memref<8x65xf32, #tpu.memory_space<vmem>>
        %dma_start3A_98 = arith.constant 0 : i32
        %dma_start3A_99 = tpu.memref_slice %arg3[%multiple_of3A_94, %dma_start3A_98] : memref<100000x65xf32, #tpu.memory_space<hbm>> -> memref<8x65xf32, #tpu.memory_space<hbm>>
        %dma_start3A_100 = arith.constant 16 : i32
        %dma_start3A_101 = arith.constant 0 : i32
        %dma_start3A_102 = tpu.memref_slice %arg16[%dma_start3A_100, %dma_start3A_101] : memref<128x65xf32, #tpu.memory_space<vmem>> -> memref<8x65xf32, #tpu.memory_space<vmem>>
        %dma_start3A_103 = arith.constant 0 : i32
        %dma_start3A_104 = tpu.memref_slice %arg3[%multiple_of3A_94, %dma_start3A_103] : memref<100000x65xf32, #tpu.memory_space<hbm>> -> memref<8x65xf32, #tpu.memory_space<hbm>>
        tpu.enqueue_dma source(%dma_start3A_104 : memref<8x65xf32, #tpu.memory_space<hbm>>) target(%dma_start3A_102 : memref<8x65xf32, #tpu.memory_space<vmem>>) target_semaphore(%arg24 : memref<!tpu.dma_semaphore, #tpu.memory_space<semaphore_mem>>)
        %broadcast_in_dim3A_105 = arith.constant 16 : i32
        %broadcast_in_dim3A_106 = vector.broadcast %broadcast_in_dim3A_105 : i32 to vector<16xi32>
        %sub3A_107 = arith.subi %reduce_max3A_91, %multiple_of3A_94 : i32
        %add3A_108 = vector.broadcast %sub3A_107 : i32 to vector<16xi32>
        %add3A_109 = arith.addi %broadcast_in_dim3A_106, %add3A_108 : vector<16xi32>
        %eq3A_110 = arith.constant 3 : i32
        %eq3A_111 = vector.broadcast %eq3A_110 : i32 to vector<16xi32>
        %eq3A_112 = arith.cmpi eq, %iota3A, %eq3A_111 : vector<16xi32>
        %jit3A_113 = arith.constant 0 : i32
        %broadcast_in_dim3A_114 = vector.broadcast %jit3A_113 : i32 to vector<16xi32>
        %select_n3A_115 = arith.select %eq3A_112, %gather3A, %broadcast_in_dim3A_114 : vector<16xi1>, vector<16xi32>
        %reduce_max3A_116 = arith.constant true
        %reduce_max3A_117 = vector.broadcast %reduce_max3A_116 : i1 to vector<16xi1>
        %reduce_max3A_118 = arith.constant -2147483648 : i32
        %reduce_max3A_119 = vector.broadcast %reduce_max3A_118 : i32 to vector<16xi32>
        %reduce_max3A_120 = arith.xori %select_n3A_115, %reduce_max3A_119 : vector<16xi32>
        %reduce_max3A_121 = tpu.scan <max>, %reduce_max3A_120 masked %reduce_max3A_117 : vector<16xi32>, vector<16xi1> -> vector<16xi32>
        %reduce_max3A_122 = arith.xori %reduce_max3A_121, %reduce_max3A_119 : vector<16xi32>
        %reduce_max3A_123 = vector.extract %reduce_max3A_122[15] : i32 from vector<16xi32>
        %and3A_124 = arith.constant -8 : i32
        %and3A_125 = arith.andi %reduce_max3A_123, %and3A_124 : i32
        %multiple_of3A_126 = tpu.assume_multiple %and3A_125, 8 : i32
        %dma_start3A_127 = arith.constant 24 : i32
        %dma_start3A_128 = arith.constant 0 : i32
        %dma_start3A_129 = tpu.memref_slice %arg16[%dma_start3A_127, %dma_start3A_128] : memref<128x65xf32, #tpu.memory_space<vmem>> -> memref<8x65xf32, #tpu.memory_space<vmem>>
        %dma_start3A_130 = arith.constant 0 : i32
        %dma_start3A_131 = tpu.memref_slice %arg3[%multiple_of3A_126, %dma_start3A_130] : memref<100000x65xf32, #tpu.memory_space<hbm>> -> memref<8x65xf32, #tpu.memory_space<hbm>>
        %dma_start3A_132 = arith.constant 24 : i32
        %dma_start3A_133 = arith.constant 0 : i32
        %dma_start3A_134 = tpu.memref_slice %arg16[%dma_start3A_132, %dma_start3A_133] : memref<128x65xf32, #tpu.memory_space<vmem>> -> memref<8x65xf32, #tpu.memory_space<vmem>>
        %dma_start3A_135 = arith.constant 0 : i32
        %dma_start3A_136 = tpu.memref_slice %arg3[%multiple_of3A_126, %dma_start3A_135] : memref<100000x65xf32, #tpu.memory_space<hbm>> -> memref<8x65xf32, #tpu.memory_space<hbm>>
        tpu.enqueue_dma source(%dma_start3A_136 : memref<8x65xf32, #tpu.memory_space<hbm>>) target(%dma_start3A_134 : memref<8x65xf32, #tpu.memory_space<vmem>>) target_semaphore(%arg24 : memref<!tpu.dma_semaphore, #tpu.memory_space<semaphore_mem>>)
        %broadcast_in_dim3A_137 = arith.constant 24 : i32
        %broadcast_in_dim3A_138 = vector.broadcast %broadcast_in_dim3A_137 : i32 to vector<16xi32>
        %sub3A_139 = arith.subi %reduce_max3A_123, %multiple_of3A_126 : i32
        %add3A_140 = vector.broadcast %sub3A_139 : i32 to vector<16xi32>
        %add3A_141 = arith.addi %broadcast_in_dim3A_138, %add3A_140 : vector<16xi32>
        %eq3A_142 = arith.constant 4 : i32
        %eq3A_143 = vector.broadcast %eq3A_142 : i32 to vector<16xi32>
        %eq3A_144 = arith.cmpi eq, %iota3A, %eq3A_143 : vector<16xi32>
        %jit3A_145 = arith.constant 0 : i32
        %broadcast_in_dim3A_146 = vector.broadcast %jit3A_145 : i32 to vector<16xi32>
        %select_n3A_147 = arith.select %eq3A_144, %gather3A, %broadcast_in_dim3A_146 : vector<16xi1>, vector<16xi32>
        %reduce_max3A_148 = arith.constant true
        %reduce_max3A_149 = vector.broadcast %reduce_max3A_148 : i1 to vector<16xi1>
        %reduce_max3A_150 = arith.constant -2147483648 : i32
        %reduce_max3A_151 = vector.broadcast %reduce_max3A_150 : i32 to vector<16xi32>
        %reduce_max3A_152 = arith.xori %select_n3A_147, %reduce_max3A_151 : vector<16xi32>
        %reduce_max3A_153 = tpu.scan <max>, %reduce_max3A_152 masked %reduce_max3A_149 : vector<16xi32>, vector<16xi1> -> vector<16xi32>
        %reduce_max3A_154 = arith.xori %reduce_max3A_153, %reduce_max3A_151 : vector<16xi32>
        %reduce_max3A_155 = vector.extract %reduce_max3A_154[15] : i32 from vector<16xi32>
        %and3A_156 = arith.constant -8 : i32
        %and3A_157 = arith.andi %reduce_max3A_155, %and3A_156 : i32
        %multiple_of3A_158 = tpu.assume_multiple %and3A_157, 8 : i32
        %dma_start3A_159 = arith.constant 32 : i32
        %dma_start3A_160 = arith.constant 0 : i32
        %dma_start3A_161 = tpu.memref_slice %arg16[%dma_start3A_159, %dma_start3A_160] : memref<128x65xf32, #tpu.memory_space<vmem>> -> memref<8x65xf32, #tpu.memory_space<vmem>>
        %dma_start3A_162 = arith.constant 0 : i32
        %dma_start3A_163 = tpu.memref_slice %arg3[%multiple_of3A_158, %dma_start3A_162] : memref<100000x65xf32, #tpu.memory_space<hbm>> -> memref<8x65xf32, #tpu.memory_space<hbm>>
        %dma_start3A_164 = arith.constant 32 : i32
        %dma_start3A_165 = arith.constant 0 : i32
        %dma_start3A_166 = tpu.memref_slice %arg16[%dma_start3A_164, %dma_start3A_165] : memref<128x65xf32, #tpu.memory_space<vmem>> -> memref<8x65xf32, #tpu.memory_space<vmem>>
        %dma_start3A_167 = arith.constant 0 : i32
        %dma_start3A_168 = tpu.memref_slice %arg3[%multiple_of3A_158, %dma_start3A_167] : memref<100000x65xf32, #tpu.memory_space<hbm>> -> memref<8x65xf32, #tpu.memory_space<hbm>>
        tpu.enqueue_dma source(%dma_start3A_168 : memref<8x65xf32, #tpu.memory_space<hbm>>) target(%dma_start3A_166 : memref<8x65xf32, #tpu.memory_space<vmem>>) target_semaphore(%arg24 : memref<!tpu.dma_semaphore, #tpu.memory_space<semaphore_mem>>)
        %broadcast_in_dim3A_169 = arith.constant 32 : i32
        %broadcast_in_dim3A_170 = vector.broadcast %broadcast_in_dim3A_169 : i32 to vector<16xi32>
        %sub3A_171 = arith.subi %reduce_max3A_155, %multiple_of3A_158 : i32
        %add3A_172 = vector.broadcast %sub3A_171 : i32 to vector<16xi32>
        %add3A_173 = arith.addi %broadcast_in_dim3A_170, %add3A_172 : vector<16xi32>
        %eq3A_174 = arith.constant 5 : i32
        %eq3A_175 = vector.broadcast %eq3A_174 : i32 to vector<16xi32>
        %eq3A_176 = arith.cmpi eq, %iota3A, %eq3A_175 : vector<16xi32>
        %jit3A_177 = arith.constant 0 : i32
        %broadcast_in_dim3A_178 = vector.broadcast %jit3A_177 : i32 to vector<16xi32>
        %select_n3A_179 = arith.select %eq3A_176, %gather3A, %broadcast_in_dim3A_178 : vector<16xi1>, vector<16xi32>
        %reduce_max3A_180 = arith.constant true
        %reduce_max3A_181 = vector.broadcast %reduce_max3A_180 : i1 to vector<16xi1>
        %reduce_max3A_182 = arith.constant -2147483648 : i32
        %reduce_max3A_183 = vector.broadcast %reduce_max3A_182 : i32 to vector<16xi32>
        %reduce_max3A_184 = arith.xori %select_n3A_179, %reduce_max3A_183 : vector<16xi32>
        %reduce_max3A_185 = tpu.scan <max>, %reduce_max3A_184 masked %reduce_max3A_181 : vector<16xi32>, vector<16xi1> -> vector<16xi32>
        %reduce_max3A_186 = arith.xori %reduce_max3A_185, %reduce_max3A_183 : vector<16xi32>
        %reduce_max3A_187 = vector.extract %reduce_max3A_186[15] : i32 from vector<16xi32>
        %and3A_188 = arith.constant -8 : i32
        %and3A_189 = arith.andi %reduce_max3A_187, %and3A_188 : i32
        %multiple_of3A_190 = tpu.assume_multiple %and3A_189, 8 : i32
        %dma_start3A_191 = arith.constant 40 : i32
        %dma_start3A_192 = arith.constant 0 : i32
        %dma_start3A_193 = tpu.memref_slice %arg16[%dma_start3A_191, %dma_start3A_192] : memref<128x65xf32, #tpu.memory_space<vmem>> -> memref<8x65xf32, #tpu.memory_space<vmem>>
        %dma_start3A_194 = arith.constant 0 : i32
        %dma_start3A_195 = tpu.memref_slice %arg3[%multiple_of3A_190, %dma_start3A_194] : memref<100000x65xf32, #tpu.memory_space<hbm>> -> memref<8x65xf32, #tpu.memory_space<hbm>>
        %dma_start3A_196 = arith.constant 40 : i32
        %dma_start3A_197 = arith.constant 0 : i32
        %dma_start3A_198 = tpu.memref_slice %arg16[%dma_start3A_196, %dma_start3A_197] : memref<128x65xf32, #tpu.memory_space<vmem>> -> memref<8x65xf32, #tpu.memory_space<vmem>>
        %dma_start3A_199 = arith.constant 0 : i32
        %dma_start3A_200 = tpu.memref_slice %arg3[%multiple_of3A_190, %dma_start3A_199] : memref<100000x65xf32, #tpu.memory_space<hbm>> -> memref<8x65xf32, #tpu.memory_space<hbm>>
        tpu.enqueue_dma source(%dma_start3A_200 : memref<8x65xf32, #tpu.memory_space<hbm>>) target(%dma_start3A_198 : memref<8x65xf32, #tpu.memory_space<vmem>>) target_semaphore(%arg24 : memref<!tpu.dma_semaphore, #tpu.memory_space<semaphore_mem>>)
        %broadcast_in_dim3A_201 = arith.constant 40 : i32
        %broadcast_in_dim3A_202 = vector.broadcast %broadcast_in_dim3A_201 : i32 to vector<16xi32>
        %sub3A_203 = arith.subi %reduce_max3A_187, %multiple_of3A_190 : i32
        %add3A_204 = vector.broadcast %sub3A_203 : i32 to vector<16xi32>
        %add3A_205 = arith.addi %broadcast_in_dim3A_202, %add3A_204 : vector<16xi32>
        %eq3A_206 = arith.constant 6 : i32
        %eq3A_207 = vector.broadcast %eq3A_206 : i32 to vector<16xi32>
        %eq3A_208 = arith.cmpi eq, %iota3A, %eq3A_207 : vector<16xi32>
        %jit3A_209 = arith.constant 0 : i32
        %broadcast_in_dim3A_210 = vector.broadcast %jit3A_209 : i32 to vector<16xi32>
        %select_n3A_211 = arith.select %eq3A_208, %gather3A, %broadcast_in_dim3A_210 : vector<16xi1>, vector<16xi32>
        %reduce_max3A_212 = arith.constant true
        %reduce_max3A_213 = vector.broadcast %reduce_max3A_212 : i1 to vector<16xi1>
        %reduce_max3A_214 = arith.constant -2147483648 : i32
        %reduce_max3A_215 = vector.broadcast %reduce_max3A_214 : i32 to vector<16xi32>
        %reduce_max3A_216 = arith.xori %select_n3A_211, %reduce_max3A_215 : vector<16xi32>
        %reduce_max3A_217 = tpu.scan <max>, %reduce_max3A_216 masked %reduce_max3A_213 : vector<16xi32>, vector<16xi1> -> vector<16xi32>
        %reduce_max3A_218 = arith.xori %reduce_max3A_217, %reduce_max3A_215 : vector<16xi32>
        %reduce_max3A_219 = vector.extract %reduce_max3A_218[15] : i32 from vector<16xi32>
        %and3A_220 = arith.constant -8 : i32
        %and3A_221 = arith.andi %reduce_max3A_219, %and3A_220 : i32
        %multiple_of3A_222 = tpu.assume_multiple %and3A_221, 8 : i32
        %dma_start3A_223 = arith.constant 48 : i32
        %dma_start3A_224 = arith.constant 0 : i32
        %dma_start3A_225 = tpu.memref_slice %arg16[%dma_start3A_223, %dma_start3A_224] : memref<128x65xf32, #tpu.memory_space<vmem>> -> memref<8x65xf32, #tpu.memory_space<vmem>>
        %dma_start3A_226 = arith.constant 0 : i32
        %dma_start3A_227 = tpu.memref_slice %arg3[%multiple_of3A_222, %dma_start3A_226] : memref<100000x65xf32, #tpu.memory_space<hbm>> -> memref<8x65xf32, #tpu.memory_space<hbm>>
        %dma_start3A_228 = arith.constant 48 : i32
        %dma_start3A_229 = arith.constant 0 : i32
        %dma_start3A_230 = tpu.memref_slice %arg16[%dma_start3A_228, %dma_start3A_229] : memref<128x65xf32, #tpu.memory_space<vmem>> -> memref<8x65xf32, #tpu.memory_space<vmem>>
        %dma_start3A_231 = arith.constant 0 : i32
        %dma_start3A_232 = tpu.memref_slice %arg3[%multiple_of3A_222, %dma_start3A_231] : memref<100000x65xf32, #tpu.memory_space<hbm>> -> memref<8x65xf32, #tpu.memory_space<hbm>>
        tpu.enqueue_dma source(%dma_start3A_232 : memref<8x65xf32, #tpu.memory_space<hbm>>) target(%dma_start3A_230 : memref<8x65xf32, #tpu.memory_space<vmem>>) target_semaphore(%arg24 : memref<!tpu.dma_semaphore, #tpu.memory_space<semaphore_mem>>)
        %broadcast_in_dim3A_233 = arith.constant 48 : i32
        %broadcast_in_dim3A_234 = vector.broadcast %broadcast_in_dim3A_233 : i32 to vector<16xi32>
        %sub3A_235 = arith.subi %reduce_max3A_219, %multiple_of3A_222 : i32
        %add3A_236 = vector.broadcast %sub3A_235 : i32 to vector<16xi32>
        %add3A_237 = arith.addi %broadcast_in_dim3A_234, %add3A_236 : vector<16xi32>
        %eq3A_238 = arith.constant 7 : i32
        %eq3A_239 = vector.broadcast %eq3A_238 : i32 to vector<16xi32>
        %eq3A_240 = arith.cmpi eq, %iota3A, %eq3A_239 : vector<16xi32>
        %jit3A_241 = arith.constant 0 : i32
        %broadcast_in_dim3A_242 = vector.broadcast %jit3A_241 : i32 to vector<16xi32>
        %select_n3A_243 = arith.select %eq3A_240, %gather3A, %broadcast_in_dim3A_242 : vector<16xi1>, vector<16xi32>
        %reduce_max3A_244 = arith.constant true
        %reduce_max3A_245 = vector.broadcast %reduce_max3A_244 : i1 to vector<16xi1>
        %reduce_max3A_246 = arith.constant -2147483648 : i32
        %reduce_max3A_247 = vector.broadcast %reduce_max3A_246 : i32 to vector<16xi32>
        %reduce_max3A_248 = arith.xori %select_n3A_243, %reduce_max3A_247 : vector<16xi32>
        %reduce_max3A_249 = tpu.scan <max>, %reduce_max3A_248 masked %reduce_max3A_245 : vector<16xi32>, vector<16xi1> -> vector<16xi32>
        %reduce_max3A_250 = arith.xori %reduce_max3A_249, %reduce_max3A_247 : vector<16xi32>
        %reduce_max3A_251 = vector.extract %reduce_max3A_250[15] : i32 from vector<16xi32>
        %and3A_252 = arith.constant -8 : i32
        %and3A_253 = arith.andi %reduce_max3A_251, %and3A_252 : i32
        %multiple_of3A_254 = tpu.assume_multiple %and3A_253, 8 : i32
        %dma_start3A_255 = arith.constant 56 : i32
        %dma_start3A_256 = arith.constant 0 : i32
        %dma_start3A_257 = tpu.memref_slice %arg16[%dma_start3A_255, %dma_start3A_256] : memref<128x65xf32, #tpu.memory_space<vmem>> -> memref<8x65xf32, #tpu.memory_space<vmem>>
        %dma_start3A_258 = arith.constant 0 : i32
        %dma_start3A_259 = tpu.memref_slice %arg3[%multiple_of3A_254, %dma_start3A_258] : memref<100000x65xf32, #tpu.memory_space<hbm>> -> memref<8x65xf32, #tpu.memory_space<hbm>>
        %dma_start3A_260 = arith.constant 56 : i32
        %dma_start3A_261 = arith.constant 0 : i32
        %dma_start3A_262 = tpu.memref_slice %arg16[%dma_start3A_260, %dma_start3A_261] : memref<128x65xf32, #tpu.memory_space<vmem>> -> memref<8x65xf32, #tpu.memory_space<vmem>>
        %dma_start3A_263 = arith.constant 0 : i32
        %dma_start3A_264 = tpu.memref_slice %arg3[%multiple_of3A_254, %dma_start3A_263] : memref<100000x65xf32, #tpu.memory_space<hbm>> -> memref<8x65xf32, #tpu.memory_space<hbm>>
        tpu.enqueue_dma source(%dma_start3A_264 : memref<8x65xf32, #tpu.memory_space<hbm>>) target(%dma_start3A_262 : memref<8x65xf32, #tpu.memory_space<vmem>>) target_semaphore(%arg24 : memref<!tpu.dma_semaphore, #tpu.memory_space<semaphore_mem>>)
        %broadcast_in_dim3A_265 = arith.constant 56 : i32
        %broadcast_in_dim3A_266 = vector.broadcast %broadcast_in_dim3A_265 : i32 to vector<16xi32>
        %sub3A_267 = arith.subi %reduce_max3A_251, %multiple_of3A_254 : i32
        %add3A_268 = vector.broadcast %sub3A_267 : i32 to vector<16xi32>
        %add3A_269 = arith.addi %broadcast_in_dim3A_266, %add3A_268 : vector<16xi32>
        %eq3A_270 = arith.constant 8 : i32
        %eq3A_271 = vector.broadcast %eq3A_270 : i32 to vector<16xi32>
        %eq3A_272 = arith.cmpi eq, %iota3A, %eq3A_271 : vector<16xi32>
        %jit3A_273 = arith.constant 0 : i32
        %broadcast_in_dim3A_274 = vector.broadcast %jit3A_273 : i32 to vector<16xi32>
        %select_n3A_275 = arith.select %eq3A_272, %gather3A, %broadcast_in_dim3A_274 : vector<16xi1>, vector<16xi32>
        %reduce_max3A_276 = arith.constant true
        %reduce_max3A_277 = vector.broadcast %reduce_max3A_276 : i1 to vector<16xi1>
        %reduce_max3A_278 = arith.constant -2147483648 : i32
        %reduce_max3A_279 = vector.broadcast %reduce_max3A_278 : i32 to vector<16xi32>
        %reduce_max3A_280 = arith.xori %select_n3A_275, %reduce_max3A_279 : vector<16xi32>
        %reduce_max3A_281 = tpu.scan <max>, %reduce_max3A_280 masked %reduce_max3A_277 : vector<16xi32>, vector<16xi1> -> vector<16xi32>
        %reduce_max3A_282 = arith.xori %reduce_max3A_281, %reduce_max3A_279 : vector<16xi32>
        %reduce_max3A_283 = vector.extract %reduce_max3A_282[15] : i32 from vector<16xi32>
        %and3A_284 = arith.constant -8 : i32
        %and3A_285 = arith.andi %reduce_max3A_283, %and3A_284 : i32
        %multiple_of3A_286 = tpu.assume_multiple %and3A_285, 8 : i32
        %dma_start3A_287 = arith.constant 64 : i32
        %dma_start3A_288 = arith.constant 0 : i32
        %dma_start3A_289 = tpu.memref_slice %arg16[%dma_start3A_287, %dma_start3A_288] : memref<128x65xf32, #tpu.memory_space<vmem>> -> memref<8x65xf32, #tpu.memory_space<vmem>>
        %dma_start3A_290 = arith.constant 0 : i32
        %dma_start3A_291 = tpu.memref_slice %arg3[%multiple_of3A_286, %dma_start3A_290] : memref<100000x65xf32, #tpu.memory_space<hbm>> -> memref<8x65xf32, #tpu.memory_space<hbm>>
        %dma_start3A_292 = arith.constant 64 : i32
        %dma_start3A_293 = arith.constant 0 : i32
        %dma_start3A_294 = tpu.memref_slice %arg16[%dma_start3A_292, %dma_start3A_293] : memref<128x65xf32, #tpu.memory_space<vmem>> -> memref<8x65xf32, #tpu.memory_space<vmem>>
        %dma_start3A_295 = arith.constant 0 : i32
        %dma_start3A_296 = tpu.memref_slice %arg3[%multiple_of3A_286, %dma_start3A_295] : memref<100000x65xf32, #tpu.memory_space<hbm>> -> memref<8x65xf32, #tpu.memory_space<hbm>>
        tpu.enqueue_dma source(%dma_start3A_296 : memref<8x65xf32, #tpu.memory_space<hbm>>) target(%dma_start3A_294 : memref<8x65xf32, #tpu.memory_space<vmem>>) target_semaphore(%arg24 : memref<!tpu.dma_semaphore, #tpu.memory_space<semaphore_mem>>)
        %broadcast_in_dim3A_297 = arith.constant 64 : i32
        %broadcast_in_dim3A_298 = vector.broadcast %broadcast_in_dim3A_297 : i32 to vector<16xi32>
        %sub3A_299 = arith.subi %reduce_max3A_283, %multiple_of3A_286 : i32
        %add3A_300 = vector.broadcast %sub3A_299 : i32 to vector<16xi32>
        %add3A_301 = arith.addi %broadcast_in_dim3A_298, %add3A_300 : vector<16xi32>
        %eq3A_302 = arith.constant 9 : i32
        %eq3A_303 = vector.broadcast %eq3A_302 : i32 to vector<16xi32>
        %eq3A_304 = arith.cmpi eq, %iota3A, %eq3A_303 : vector<16xi32>
        %jit3A_305 = arith.constant 0 : i32
        %broadcast_in_dim3A_306 = vector.broadcast %jit3A_305 : i32 to vector<16xi32>
        %select_n3A_307 = arith.select %eq3A_304, %gather3A, %broadcast_in_dim3A_306 : vector<16xi1>, vector<16xi32>
        %reduce_max3A_308 = arith.constant true
        %reduce_max3A_309 = vector.broadcast %reduce_max3A_308 : i1 to vector<16xi1>
        %reduce_max3A_310 = arith.constant -2147483648 : i32
        %reduce_max3A_311 = vector.broadcast %reduce_max3A_310 : i32 to vector<16xi32>
        %reduce_max3A_312 = arith.xori %select_n3A_307, %reduce_max3A_311 : vector<16xi32>
        %reduce_max3A_313 = tpu.scan <max>, %reduce_max3A_312 masked %reduce_max3A_309 : vector<16xi32>, vector<16xi1> -> vector<16xi32>
        %reduce_max3A_314 = arith.xori %reduce_max3A_313, %reduce_max3A_311 : vector<16xi32>
        %reduce_max3A_315 = vector.extract %reduce_max3A_314[15] : i32 from vector<16xi32>
        %and3A_316 = arith.constant -8 : i32
        %and3A_317 = arith.andi %reduce_max3A_315, %and3A_316 : i32
        %multiple_of3A_318 = tpu.assume_multiple %and3A_317, 8 : i32
        %dma_start3A_319 = arith.constant 72 : i32
        %dma_start3A_320 = arith.constant 0 : i32
        %dma_start3A_321 = tpu.memref_slice %arg16[%dma_start3A_319, %dma_start3A_320] : memref<128x65xf32, #tpu.memory_space<vmem>> -> memref<8x65xf32, #tpu.memory_space<vmem>>
        %dma_start3A_322 = arith.constant 0 : i32
        %dma_start3A_323 = tpu.memref_slice %arg3[%multiple_of3A_318, %dma_start3A_322] : memref<100000x65xf32, #tpu.memory_space<hbm>> -> memref<8x65xf32, #tpu.memory_space<hbm>>
        %dma_start3A_324 = arith.constant 72 : i32
        %dma_start3A_325 = arith.constant 0 : i32
        %dma_start3A_326 = tpu.memref_slice %arg16[%dma_start3A_324, %dma_start3A_325] : memref<128x65xf32, #tpu.memory_space<vmem>> -> memref<8x65xf32, #tpu.memory_space<vmem>>
        %dma_start3A_327 = arith.constant 0 : i32
        %dma_start3A_328 = tpu.memref_slice %arg3[%multiple_of3A_318, %dma_start3A_327] : memref<100000x65xf32, #tpu.memory_space<hbm>> -> memref<8x65xf32, #tpu.memory_space<hbm>>
        tpu.enqueue_dma source(%dma_start3A_328 : memref<8x65xf32, #tpu.memory_space<hbm>>) target(%dma_start3A_326 : memref<8x65xf32, #tpu.memory_space<vmem>>) target_semaphore(%arg24 : memref<!tpu.dma_semaphore, #tpu.memory_space<semaphore_mem>>)
        %broadcast_in_dim3A_329 = arith.constant 72 : i32
        %broadcast_in_dim3A_330 = vector.broadcast %broadcast_in_dim3A_329 : i32 to vector<16xi32>
        %sub3A_331 = arith.subi %reduce_max3A_315, %multiple_of3A_318 : i32
        %add3A_332 = vector.broadcast %sub3A_331 : i32 to vector<16xi32>
        %add3A_333 = arith.addi %broadcast_in_dim3A_330, %add3A_332 : vector<16xi32>
        %eq3A_334 = arith.constant 10 : i32
        %eq3A_335 = vector.broadcast %eq3A_334 : i32 to vector<16xi32>
        %eq3A_336 = arith.cmpi eq, %iota3A, %eq3A_335 : vector<16xi32>
        %jit3A_337 = arith.constant 0 : i32
        %broadcast_in_dim3A_338 = vector.broadcast %jit3A_337 : i32 to vector<16xi32>
        %select_n3A_339 = arith.select %eq3A_336, %gather3A, %broadcast_in_dim3A_338 : vector<16xi1>, vector<16xi32>
        %reduce_max3A_340 = arith.constant true
        %reduce_max3A_341 = vector.broadcast %reduce_max3A_340 : i1 to vector<16xi1>
        %reduce_max3A_342 = arith.constant -2147483648 : i32
        %reduce_max3A_343 = vector.broadcast %reduce_max3A_342 : i32 to vector<16xi32>
        %reduce_max3A_344 = arith.xori %select_n3A_339, %reduce_max3A_343 : vector<16xi32>
        %reduce_max3A_345 = tpu.scan <max>, %reduce_max3A_344 masked %reduce_max3A_341 : vector<16xi32>, vector<16xi1> -> vector<16xi32>
        %reduce_max3A_346 = arith.xori %reduce_max3A_345, %reduce_max3A_343 : vector<16xi32>
        %reduce_max3A_347 = vector.extract %reduce_max3A_346[15] : i32 from vector<16xi32>
        %and3A_348 = arith.constant -8 : i32
        %and3A_349 = arith.andi %reduce_max3A_347, %and3A_348 : i32
        %multiple_of3A_350 = tpu.assume_multiple %and3A_349, 8 : i32
        %dma_start3A_351 = arith.constant 80 : i32
        %dma_start3A_352 = arith.constant 0 : i32
        %dma_start3A_353 = tpu.memref_slice %arg16[%dma_start3A_351, %dma_start3A_352] : memref<128x65xf32, #tpu.memory_space<vmem>> -> memref<8x65xf32, #tpu.memory_space<vmem>>
        %dma_start3A_354 = arith.constant 0 : i32
        %dma_start3A_355 = tpu.memref_slice %arg3[%multiple_of3A_350, %dma_start3A_354] : memref<100000x65xf32, #tpu.memory_space<hbm>> -> memref<8x65xf32, #tpu.memory_space<hbm>>
        %dma_start3A_356 = arith.constant 80 : i32
        %dma_start3A_357 = arith.constant 0 : i32
        %dma_start3A_358 = tpu.memref_slice %arg16[%dma_start3A_356, %dma_start3A_357] : memref<128x65xf32, #tpu.memory_space<vmem>> -> memref<8x65xf32, #tpu.memory_space<vmem>>
        %dma_start3A_359 = arith.constant 0 : i32
        %dma_start3A_360 = tpu.memref_slice %arg3[%multiple_of3A_350, %dma_start3A_359] : memref<100000x65xf32, #tpu.memory_space<hbm>> -> memref<8x65xf32, #tpu.memory_space<hbm>>
        tpu.enqueue_dma source(%dma_start3A_360 : memref<8x65xf32, #tpu.memory_space<hbm>>) target(%dma_start3A_358 : memref<8x65xf32, #tpu.memory_space<vmem>>) target_semaphore(%arg24 : memref<!tpu.dma_semaphore, #tpu.memory_space<semaphore_mem>>)
        %broadcast_in_dim3A_361 = arith.constant 80 : i32
        %broadcast_in_dim3A_362 = vector.broadcast %broadcast_in_dim3A_361 : i32 to vector<16xi32>
        %sub3A_363 = arith.subi %reduce_max3A_347, %multiple_of3A_350 : i32
        %add3A_364 = vector.broadcast %sub3A_363 : i32 to vector<16xi32>
        %add3A_365 = arith.addi %broadcast_in_dim3A_362, %add3A_364 : vector<16xi32>
        %eq3A_366 = arith.constant 11 : i32
        %eq3A_367 = vector.broadcast %eq3A_366 : i32 to vector<16xi32>
        %eq3A_368 = arith.cmpi eq, %iota3A, %eq3A_367 : vector<16xi32>
        %jit3A_369 = arith.constant 0 : i32
        %broadcast_in_dim3A_370 = vector.broadcast %jit3A_369 : i32 to vector<16xi32>
        %select_n3A_371 = arith.select %eq3A_368, %gather3A, %broadcast_in_dim3A_370 : vector<16xi1>, vector<16xi32>
        %reduce_max3A_372 = arith.constant true
        %reduce_max3A_373 = vector.broadcast %reduce_max3A_372 : i1 to vector<16xi1>
        %reduce_max3A_374 = arith.constant -2147483648 : i32
        %reduce_max3A_375 = vector.broadcast %reduce_max3A_374 : i32 to vector<16xi32>
        %reduce_max3A_376 = arith.xori %select_n3A_371, %reduce_max3A_375 : vector<16xi32>
        %reduce_max3A_377 = tpu.scan <max>, %reduce_max3A_376 masked %reduce_max3A_373 : vector<16xi32>, vector<16xi1> -> vector<16xi32>
        %reduce_max3A_378 = arith.xori %reduce_max3A_377, %reduce_max3A_375 : vector<16xi32>
        %reduce_max3A_379 = vector.extract %reduce_max3A_378[15] : i32 from vector<16xi32>
        %and3A_380 = arith.constant -8 : i32
        %and3A_381 = arith.andi %reduce_max3A_379, %and3A_380 : i32
        %multiple_of3A_382 = tpu.assume_multiple %and3A_381, 8 : i32
        %dma_start3A_383 = arith.constant 88 : i32
        %dma_start3A_384 = arith.constant 0 : i32
        %dma_start3A_385 = tpu.memref_slice %arg16[%dma_start3A_383, %dma_start3A_384] : memref<128x65xf32, #tpu.memory_space<vmem>> -> memref<8x65xf32, #tpu.memory_space<vmem>>
        %dma_start3A_386 = arith.constant 0 : i32
        %dma_start3A_387 = tpu.memref_slice %arg3[%multiple_of3A_382, %dma_start3A_386] : memref<100000x65xf32, #tpu.memory_space<hbm>> -> memref<8x65xf32, #tpu.memory_space<hbm>>
        %dma_start3A_388 = arith.constant 88 : i32
        %dma_start3A_389 = arith.constant 0 : i32
        %dma_start3A_390 = tpu.memref_slice %arg16[%dma_start3A_388, %dma_start3A_389] : memref<128x65xf32, #tpu.memory_space<vmem>> -> memref<8x65xf32, #tpu.memory_space<vmem>>
        %dma_start3A_391 = arith.constant 0 : i32
        %dma_start3A_392 = tpu.memref_slice %arg3[%multiple_of3A_382, %dma_start3A_391] : memref<100000x65xf32, #tpu.memory_space<hbm>> -> memref<8x65xf32, #tpu.memory_space<hbm>>
        tpu.enqueue_dma source(%dma_start3A_392 : memref<8x65xf32, #tpu.memory_space<hbm>>) target(%dma_start3A_390 : memref<8x65xf32, #tpu.memory_space<vmem>>) target_semaphore(%arg24 : memref<!tpu.dma_semaphore, #tpu.memory_space<semaphore_mem>>)
        %broadcast_in_dim3A_393 = arith.constant 88 : i32
        %broadcast_in_dim3A_394 = vector.broadcast %broadcast_in_dim3A_393 : i32 to vector<16xi32>
        %sub3A_395 = arith.subi %reduce_max3A_379, %multiple_of3A_382 : i32
        %add3A_396 = vector.broadcast %sub3A_395 : i32 to vector<16xi32>
        %add3A_397 = arith.addi %broadcast_in_dim3A_394, %add3A_396 : vector<16xi32>
        %eq3A_398 = arith.constant 12 : i32
        %eq3A_399 = vector.broadcast %eq3A_398 : i32 to vector<16xi32>
        %eq3A_400 = arith.cmpi eq, %iota3A, %eq3A_399 : vector<16xi32>
        %jit3A_401 = arith.constant 0 : i32
        %broadcast_in_dim3A_402 = vector.broadcast %jit3A_401 : i32 to vector<16xi32>
        %select_n3A_403 = arith.select %eq3A_400, %gather3A, %broadcast_in_dim3A_402 : vector<16xi1>, vector<16xi32>
        %reduce_max3A_404 = arith.constant true
        %reduce_max3A_405 = vector.broadcast %reduce_max3A_404 : i1 to vector<16xi1>
        %reduce_max3A_406 = arith.constant -2147483648 : i32
        %reduce_max3A_407 = vector.broadcast %reduce_max3A_406 : i32 to vector<16xi32>
        %reduce_max3A_408 = arith.xori %select_n3A_403, %reduce_max3A_407 : vector<16xi32>
        %reduce_max3A_409 = tpu.scan <max>, %reduce_max3A_408 masked %reduce_max3A_405 : vector<16xi32>, vector<16xi1> -> vector<16xi32>
        %reduce_max3A_410 = arith.xori %reduce_max3A_409, %reduce_max3A_407 : vector<16xi32>
        %reduce_max3A_411 = vector.extract %reduce_max3A_410[15] : i32 from vector<16xi32>
        %and3A_412 = arith.constant -8 : i32
        %and3A_413 = arith.andi %reduce_max3A_411, %and3A_412 : i32
        %multiple_of3A_414 = tpu.assume_multiple %and3A_413, 8 : i32
        %dma_start3A_415 = arith.constant 96 : i32
        %dma_start3A_416 = arith.constant 0 : i32
        %dma_start3A_417 = tpu.memref_slice %arg16[%dma_start3A_415, %dma_start3A_416] : memref<128x65xf32, #tpu.memory_space<vmem>> -> memref<8x65xf32, #tpu.memory_space<vmem>>
        %dma_start3A_418 = arith.constant 0 : i32
        %dma_start3A_419 = tpu.memref_slice %arg3[%multiple_of3A_414, %dma_start3A_418] : memref<100000x65xf32, #tpu.memory_space<hbm>> -> memref<8x65xf32, #tpu.memory_space<hbm>>
        %dma_start3A_420 = arith.constant 96 : i32
        %dma_start3A_421 = arith.constant 0 : i32
        %dma_start3A_422 = tpu.memref_slice %arg16[%dma_start3A_420, %dma_start3A_421] : memref<128x65xf32, #tpu.memory_space<vmem>> -> memref<8x65xf32, #tpu.memory_space<vmem>>
        %dma_start3A_423 = arith.constant 0 : i32
        %dma_start3A_424 = tpu.memref_slice %arg3[%multiple_of3A_414, %dma_start3A_423] : memref<100000x65xf32, #tpu.memory_space<hbm>> -> memref<8x65xf32, #tpu.memory_space<hbm>>
        tpu.enqueue_dma source(%dma_start3A_424 : memref<8x65xf32, #tpu.memory_space<hbm>>) target(%dma_start3A_422 : memref<8x65xf32, #tpu.memory_space<vmem>>) target_semaphore(%arg24 : memref<!tpu.dma_semaphore, #tpu.memory_space<semaphore_mem>>)
        %broadcast_in_dim3A_425 = arith.constant 96 : i32
        %broadcast_in_dim3A_426 = vector.broadcast %broadcast_in_dim3A_425 : i32 to vector<16xi32>
        %sub3A_427 = arith.subi %reduce_max3A_411, %multiple_of3A_414 : i32
        %add3A_428 = vector.broadcast %sub3A_427 : i32 to vector<16xi32>
        %add3A_429 = arith.addi %broadcast_in_dim3A_426, %add3A_428 : vector<16xi32>
        %eq3A_430 = arith.constant 13 : i32
        %eq3A_431 = vector.broadcast %eq3A_430 : i32 to vector<16xi32>
        %eq3A_432 = arith.cmpi eq, %iota3A, %eq3A_431 : vector<16xi32>
        %jit3A_433 = arith.constant 0 : i32
        %broadcast_in_dim3A_434 = vector.broadcast %jit3A_433 : i32 to vector<16xi32>
        %select_n3A_435 = arith.select %eq3A_432, %gather3A, %broadcast_in_dim3A_434 : vector<16xi1>, vector<16xi32>
        %reduce_max3A_436 = arith.constant true
        %reduce_max3A_437 = vector.broadcast %reduce_max3A_436 : i1 to vector<16xi1>
        %reduce_max3A_438 = arith.constant -2147483648 : i32
        %reduce_max3A_439 = vector.broadcast %reduce_max3A_438 : i32 to vector<16xi32>
        %reduce_max3A_440 = arith.xori %select_n3A_435, %reduce_max3A_439 : vector<16xi32>
        %reduce_max3A_441 = tpu.scan <max>, %reduce_max3A_440 masked %reduce_max3A_437 : vector<16xi32>, vector<16xi1> -> vector<16xi32>
        %reduce_max3A_442 = arith.xori %reduce_max3A_441, %reduce_max3A_439 : vector<16xi32>
        %reduce_max3A_443 = vector.extract %reduce_max3A_442[15] : i32 from vector<16xi32>
        %and3A_444 = arith.constant -8 : i32
        %and3A_445 = arith.andi %reduce_max3A_443, %and3A_444 : i32
        %multiple_of3A_446 = tpu.assume_multiple %and3A_445, 8 : i32
        %dma_start3A_447 = arith.constant 104 : i32
        %dma_start3A_448 = arith.constant 0 : i32
        %dma_start3A_449 = tpu.memref_slice %arg16[%dma_start3A_447, %dma_start3A_448] : memref<128x65xf32, #tpu.memory_space<vmem>> -> memref<8x65xf32, #tpu.memory_space<vmem>>
        %dma_start3A_450 = arith.constant 0 : i32
        %dma_start3A_451 = tpu.memref_slice %arg3[%multiple_of3A_446, %dma_start3A_450] : memref<100000x65xf32, #tpu.memory_space<hbm>> -> memref<8x65xf32, #tpu.memory_space<hbm>>
        %dma_start3A_452 = arith.constant 104 : i32
        %dma_start3A_453 = arith.constant 0 : i32
        %dma_start3A_454 = tpu.memref_slice %arg16[%dma_start3A_452, %dma_start3A_453] : memref<128x65xf32, #tpu.memory_space<vmem>> -> memref<8x65xf32, #tpu.memory_space<vmem>>
        %dma_start3A_455 = arith.constant 0 : i32
        %dma_start3A_456 = tpu.memref_slice %arg3[%multiple_of3A_446, %dma_start3A_455] : memref<100000x65xf32, #tpu.memory_space<hbm>> -> memref<8x65xf32, #tpu.memory_space<hbm>>
        tpu.enqueue_dma source(%dma_start3A_456 : memref<8x65xf32, #tpu.memory_space<hbm>>) target(%dma_start3A_454 : memref<8x65xf32, #tpu.memory_space<vmem>>) target_semaphore(%arg24 : memref<!tpu.dma_semaphore, #tpu.memory_space<semaphore_mem>>)
        %broadcast_in_dim3A_457 = arith.constant 104 : i32
        %broadcast_in_dim3A_458 = vector.broadcast %broadcast_in_dim3A_457 : i32 to vector<16xi32>
        %sub3A_459 = arith.subi %reduce_max3A_443, %multiple_of3A_446 : i32
        %add3A_460 = vector.broadcast %sub3A_459 : i32 to vector<16xi32>
        %add3A_461 = arith.addi %broadcast_in_dim3A_458, %add3A_460 : vector<16xi32>
        %eq3A_462 = arith.constant 14 : i32
        %eq3A_463 = vector.broadcast %eq3A_462 : i32 to vector<16xi32>
        %eq3A_464 = arith.cmpi eq, %iota3A, %eq3A_463 : vector<16xi32>
        %jit3A_465 = arith.constant 0 : i32
        %broadcast_in_dim3A_466 = vector.broadcast %jit3A_465 : i32 to vector<16xi32>
        %select_n3A_467 = arith.select %eq3A_464, %gather3A, %broadcast_in_dim3A_466 : vector<16xi1>, vector<16xi32>
        %reduce_max3A_468 = arith.constant true
        %reduce_max3A_469 = vector.broadcast %reduce_max3A_468 : i1 to vector<16xi1>
        %reduce_max3A_470 = arith.constant -2147483648 : i32
        %reduce_max3A_471 = vector.broadcast %reduce_max3A_470 : i32 to vector<16xi32>
        %reduce_max3A_472 = arith.xori %select_n3A_467, %reduce_max3A_471 : vector<16xi32>
        %reduce_max3A_473 = tpu.scan <max>, %reduce_max3A_472 masked %reduce_max3A_469 : vector<16xi32>, vector<16xi1> -> vector<16xi32>
        %reduce_max3A_474 = arith.xori %reduce_max3A_473, %reduce_max3A_471 : vector<16xi32>
        %reduce_max3A_475 = vector.extract %reduce_max3A_474[15] : i32 from vector<16xi32>
        %and3A_476 = arith.constant -8 : i32
        %and3A_477 = arith.andi %reduce_max3A_475, %and3A_476 : i32
        %multiple_of3A_478 = tpu.assume_multiple %and3A_477, 8 : i32
        %dma_start3A_479 = arith.constant 112 : i32
        %dma_start3A_480 = arith.constant 0 : i32
        %dma_start3A_481 = tpu.memref_slice %arg16[%dma_start3A_479, %dma_start3A_480] : memref<128x65xf32, #tpu.memory_space<vmem>> -> memref<8x65xf32, #tpu.memory_space<vmem>>
        %dma_start3A_482 = arith.constant 0 : i32
        %dma_start3A_483 = tpu.memref_slice %arg3[%multiple_of3A_478, %dma_start3A_482] : memref<100000x65xf32, #tpu.memory_space<hbm>> -> memref<8x65xf32, #tpu.memory_space<hbm>>
        %dma_start3A_484 = arith.constant 112 : i32
        %dma_start3A_485 = arith.constant 0 : i32
        %dma_start3A_486 = tpu.memref_slice %arg16[%dma_start3A_484, %dma_start3A_485] : memref<128x65xf32, #tpu.memory_space<vmem>> -> memref<8x65xf32, #tpu.memory_space<vmem>>
        %dma_start3A_487 = arith.constant 0 : i32
        %dma_start3A_488 = tpu.memref_slice %arg3[%multiple_of3A_478, %dma_start3A_487] : memref<100000x65xf32, #tpu.memory_space<hbm>> -> memref<8x65xf32, #tpu.memory_space<hbm>>
        tpu.enqueue_dma source(%dma_start3A_488 : memref<8x65xf32, #tpu.memory_space<hbm>>) target(%dma_start3A_486 : memref<8x65xf32, #tpu.memory_space<vmem>>) target_semaphore(%arg24 : memref<!tpu.dma_semaphore, #tpu.memory_space<semaphore_mem>>)
        %broadcast_in_dim3A_489 = arith.constant 112 : i32
        %broadcast_in_dim3A_490 = vector.broadcast %broadcast_in_dim3A_489 : i32 to vector<16xi32>
        %sub3A_491 = arith.subi %reduce_max3A_475, %multiple_of3A_478 : i32
        %add3A_492 = vector.broadcast %sub3A_491 : i32 to vector<16xi32>
        %add3A_493 = arith.addi %broadcast_in_dim3A_490, %add3A_492 : vector<16xi32>
        %eq3A_494 = arith.constant 15 : i32
        %eq3A_495 = vector.broadcast %eq3A_494 : i32 to vector<16xi32>
        %eq3A_496 = arith.cmpi eq, %iota3A, %eq3A_495 : vector<16xi32>
        %jit3A_497 = arith.constant 0 : i32
        %broadcast_in_dim3A_498 = vector.broadcast %jit3A_497 : i32 to vector<16xi32>
        %select_n3A_499 = arith.select %eq3A_496, %gather3A, %broadcast_in_dim3A_498 : vector<16xi1>, vector<16xi32>
        %reduce_max3A_500 = arith.constant true
        %reduce_max3A_501 = vector.broadcast %reduce_max3A_500 : i1 to vector<16xi1>
        %reduce_max3A_502 = arith.constant -2147483648 : i32
        %reduce_max3A_503 = vector.broadcast %reduce_max3A_502 : i32 to vector<16xi32>
        %reduce_max3A_504 = arith.xori %select_n3A_499, %reduce_max3A_503 : vector<16xi32>
        %reduce_max3A_505 = tpu.scan <max>, %reduce_max3A_504 masked %reduce_max3A_501 : vector<16xi32>, vector<16xi1> -> vector<16xi32>
        %reduce_max3A_506 = arith.xori %reduce_max3A_505, %reduce_max3A_503 : vector<16xi32>
        %reduce_max3A_507 = vector.extract %reduce_max3A_506[15] : i32 from vector<16xi32>
        %and3A_508 = arith.constant -8 : i32
        %and3A_509 = arith.andi %reduce_max3A_507, %and3A_508 : i32
        %multiple_of3A_510 = tpu.assume_multiple %and3A_509, 8 : i32
        %dma_start3A_511 = arith.constant 120 : i32
        %dma_start3A_512 = arith.constant 0 : i32
        %dma_start3A_513 = tpu.memref_slice %arg16[%dma_start3A_511, %dma_start3A_512] : memref<128x65xf32, #tpu.memory_space<vmem>> -> memref<8x65xf32, #tpu.memory_space<vmem>>
        %dma_start3A_514 = arith.constant 0 : i32
        %dma_start3A_515 = tpu.memref_slice %arg3[%multiple_of3A_510, %dma_start3A_514] : memref<100000x65xf32, #tpu.memory_space<hbm>> -> memref<8x65xf32, #tpu.memory_space<hbm>>
        %dma_start3A_516 = arith.constant 120 : i32
        %dma_start3A_517 = arith.constant 0 : i32
        %dma_start3A_518 = tpu.memref_slice %arg16[%dma_start3A_516, %dma_start3A_517] : memref<128x65xf32, #tpu.memory_space<vmem>> -> memref<8x65xf32, #tpu.memory_space<vmem>>
        %dma_start3A_519 = arith.constant 0 : i32
        %dma_start3A_520 = tpu.memref_slice %arg3[%multiple_of3A_510, %dma_start3A_519] : memref<100000x65xf32, #tpu.memory_space<hbm>> -> memref<8x65xf32, #tpu.memory_space<hbm>>
        tpu.enqueue_dma source(%dma_start3A_520 : memref<8x65xf32, #tpu.memory_space<hbm>>) target(%dma_start3A_518 : memref<8x65xf32, #tpu.memory_space<vmem>>) target_semaphore(%arg24 : memref<!tpu.dma_semaphore, #tpu.memory_space<semaphore_mem>>)
        %broadcast_in_dim3A_521 = arith.constant 120 : i32
        %broadcast_in_dim3A_522 = vector.broadcast %broadcast_in_dim3A_521 : i32 to vector<16xi32>
        %sub3A_523 = arith.subi %reduce_max3A_507, %multiple_of3A_510 : i32
        %add3A_524 = vector.broadcast %sub3A_523 : i32 to vector<16xi32>
        %add3A_525 = arith.addi %broadcast_in_dim3A_522, %add3A_524 : vector<16xi32>
        %dma_wait3A = arith.constant 0 : i32
        %dma_wait3A_526 = arith.constant 0 : i32
        %dma_wait3A_527 = tpu.memref_slice %arg16[%dma_wait3A, %dma_wait3A_526] : memref<128x65xf32, #tpu.memory_space<vmem>> -> memref<8x65xf32, #tpu.memory_space<vmem>>
        %dma_wait3A_528 = arith.constant 0 : i32
        %dma_wait3A_529 = tpu.memref_slice %arg3[%multiple_of3A_32, %dma_wait3A_528] : memref<100000x65xf32, #tpu.memory_space<hbm>> -> memref<8x65xf32, #tpu.memory_space<hbm>>
        %dma_wait3A_530 = arith.constant 0 : i32
        %dma_wait3A_531 = arith.constant 0 : i32
        %dma_wait3A_532 = tpu.memref_slice %arg16[%dma_wait3A_530, %dma_wait3A_531] : memref<128x65xf32, #tpu.memory_space<vmem>> -> memref<8x65xf32, #tpu.memory_space<vmem>>
        %dma_wait3A_533 = arith.constant 0 : i32
        %dma_wait3A_534 = tpu.memref_slice %arg3[%multiple_of3A_32, %dma_wait3A_533] : memref<100000x65xf32, #tpu.memory_space<hbm>> -> memref<8x65xf32, #tpu.memory_space<hbm>>
        tpu.wait_dma2 semaphore(%arg24 : memref<!tpu.dma_semaphore, #tpu.memory_space<semaphore_mem>>) src(%dma_wait3A_534 : memref<8x65xf32, #tpu.memory_space<hbm>>) dst(%dma_wait3A_532 : memref<8x65xf32, #tpu.memory_space<vmem>>)
        %dma_wait3A_535 = arith.constant 8 : i32
        %dma_wait3A_536 = arith.constant 0 : i32
        %dma_wait3A_537 = tpu.memref_slice %arg16[%dma_wait3A_535, %dma_wait3A_536] : memref<128x65xf32, #tpu.memory_space<vmem>> -> memref<8x65xf32, #tpu.memory_space<vmem>>
        %dma_wait3A_538 = arith.constant 0 : i32
        %dma_wait3A_539 = tpu.memref_slice %arg3[%multiple_of3A_62, %dma_wait3A_538] : memref<100000x65xf32, #tpu.memory_space<hbm>> -> memref<8x65xf32, #tpu.memory_space<hbm>>
        %dma_wait3A_540 = arith.constant 8 : i32
        %dma_wait3A_541 = arith.constant 0 : i32
        %dma_wait3A_542 = tpu.memref_slice %arg16[%dma_wait3A_540, %dma_wait3A_541] : memref<128x65xf32, #tpu.memory_space<vmem>> -> memref<8x65xf32, #tpu.memory_space<vmem>>
        %dma_wait3A_543 = arith.constant 0 : i32
        %dma_wait3A_544 = tpu.memref_slice %arg3[%multiple_of3A_62, %dma_wait3A_543] : memref<100000x65xf32, #tpu.memory_space<hbm>> -> memref<8x65xf32, #tpu.memory_space<hbm>>
        tpu.wait_dma2 semaphore(%arg24 : memref<!tpu.dma_semaphore, #tpu.memory_space<semaphore_mem>>) src(%dma_wait3A_544 : memref<8x65xf32, #tpu.memory_space<hbm>>) dst(%dma_wait3A_542 : memref<8x65xf32, #tpu.memory_space<vmem>>)
        %dma_wait3A_545 = arith.constant 16 : i32
        %dma_wait3A_546 = arith.constant 0 : i32
        %dma_wait3A_547 = tpu.memref_slice %arg16[%dma_wait3A_545, %dma_wait3A_546] : memref<128x65xf32, #tpu.memory_space<vmem>> -> memref<8x65xf32, #tpu.memory_space<vmem>>
        %dma_wait3A_548 = arith.constant 0 : i32
        %dma_wait3A_549 = tpu.memref_slice %arg3[%multiple_of3A_94, %dma_wait3A_548] : memref<100000x65xf32, #tpu.memory_space<hbm>> -> memref<8x65xf32, #tpu.memory_space<hbm>>
        %dma_wait3A_550 = arith.constant 16 : i32
        %dma_wait3A_551 = arith.constant 0 : i32
        %dma_wait3A_552 = tpu.memref_slice %arg16[%dma_wait3A_550, %dma_wait3A_551] : memref<128x65xf32, #tpu.memory_space<vmem>> -> memref<8x65xf32, #tpu.memory_space<vmem>>
        %dma_wait3A_553 = arith.constant 0 : i32
        %dma_wait3A_554 = tpu.memref_slice %arg3[%multiple_of3A_94, %dma_wait3A_553] : memref<100000x65xf32, #tpu.memory_space<hbm>> -> memref<8x65xf32, #tpu.memory_space<hbm>>
        tpu.wait_dma2 semaphore(%arg24 : memref<!tpu.dma_semaphore, #tpu.memory_space<semaphore_mem>>) src(%dma_wait3A_554 : memref<8x65xf32, #tpu.memory_space<hbm>>) dst(%dma_wait3A_552 : memref<8x65xf32, #tpu.memory_space<vmem>>)
        %dma_wait3A_555 = arith.constant 24 : i32
        %dma_wait3A_556 = arith.constant 0 : i32
        %dma_wait3A_557 = tpu.memref_slice %arg16[%dma_wait3A_555, %dma_wait3A_556] : memref<128x65xf32, #tpu.memory_space<vmem>> -> memref<8x65xf32, #tpu.memory_space<vmem>>
        %dma_wait3A_558 = arith.constant 0 : i32
        %dma_wait3A_559 = tpu.memref_slice %arg3[%multiple_of3A_126, %dma_wait3A_558] : memref<100000x65xf32, #tpu.memory_space<hbm>> -> memref<8x65xf32, #tpu.memory_space<hbm>>
        %dma_wait3A_560 = arith.constant 24 : i32
        %dma_wait3A_561 = arith.constant 0 : i32
        %dma_wait3A_562 = tpu.memref_slice %arg16[%dma_wait3A_560, %dma_wait3A_561] : memref<128x65xf32, #tpu.memory_space<vmem>> -> memref<8x65xf32, #tpu.memory_space<vmem>>
        %dma_wait3A_563 = arith.constant 0 : i32
        %dma_wait3A_564 = tpu.memref_slice %arg3[%multiple_of3A_126, %dma_wait3A_563] : memref<100000x65xf32, #tpu.memory_space<hbm>> -> memref<8x65xf32, #tpu.memory_space<hbm>>
        tpu.wait_dma2 semaphore(%arg24 : memref<!tpu.dma_semaphore, #tpu.memory_space<semaphore_mem>>) src(%dma_wait3A_564 : memref<8x65xf32, #tpu.memory_space<hbm>>) dst(%dma_wait3A_562 : memref<8x65xf32, #tpu.memory_space<vmem>>)
        %dma_wait3A_565 = arith.constant 32 : i32
        %dma_wait3A_566 = arith.constant 0 : i32
        %dma_wait3A_567 = tpu.memref_slice %arg16[%dma_wait3A_565, %dma_wait3A_566] : memref<128x65xf32, #tpu.memory_space<vmem>> -> memref<8x65xf32, #tpu.memory_space<vmem>>
        %dma_wait3A_568 = arith.constant 0 : i32
        %dma_wait3A_569 = tpu.memref_slice %arg3[%multiple_of3A_158, %dma_wait3A_568] : memref<100000x65xf32, #tpu.memory_space<hbm>> -> memref<8x65xf32, #tpu.memory_space<hbm>>
        %dma_wait3A_570 = arith.constant 32 : i32
        %dma_wait3A_571 = arith.constant 0 : i32
        %dma_wait3A_572 = tpu.memref_slice %arg16[%dma_wait3A_570, %dma_wait3A_571] : memref<128x65xf32, #tpu.memory_space<vmem>> -> memref<8x65xf32, #tpu.memory_space<vmem>>
        %dma_wait3A_573 = arith.constant 0 : i32
        %dma_wait3A_574 = tpu.memref_slice %arg3[%multiple_of3A_158, %dma_wait3A_573] : memref<100000x65xf32, #tpu.memory_space<hbm>> -> memref<8x65xf32, #tpu.memory_space<hbm>>
        tpu.wait_dma2 semaphore(%arg24 : memref<!tpu.dma_semaphore, #tpu.memory_space<semaphore_mem>>) src(%dma_wait3A_574 : memref<8x65xf32, #tpu.memory_space<hbm>>) dst(%dma_wait3A_572 : memref<8x65xf32, #tpu.memory_space<vmem>>)
        %dma_wait3A_575 = arith.constant 40 : i32
        %dma_wait3A_576 = arith.constant 0 : i32
        %dma_wait3A_577 = tpu.memref_slice %arg16[%dma_wait3A_575, %dma_wait3A_576] : memref<128x65xf32, #tpu.memory_space<vmem>> -> memref<8x65xf32, #tpu.memory_space<vmem>>
        %dma_wait3A_578 = arith.constant 0 : i32
        %dma_wait3A_579 = tpu.memref_slice %arg3[%multiple_of3A_190, %dma_wait3A_578] : memref<100000x65xf32, #tpu.memory_space<hbm>> -> memref<8x65xf32, #tpu.memory_space<hbm>>
        %dma_wait3A_580 = arith.constant 40 : i32
        %dma_wait3A_581 = arith.constant 0 : i32
        %dma_wait3A_582 = tpu.memref_slice %arg16[%dma_wait3A_580, %dma_wait3A_581] : memref<128x65xf32, #tpu.memory_space<vmem>> -> memref<8x65xf32, #tpu.memory_space<vmem>>
        %dma_wait3A_583 = arith.constant 0 : i32
        %dma_wait3A_584 = tpu.memref_slice %arg3[%multiple_of3A_190, %dma_wait3A_583] : memref<100000x65xf32, #tpu.memory_space<hbm>> -> memref<8x65xf32, #tpu.memory_space<hbm>>
        tpu.wait_dma2 semaphore(%arg24 : memref<!tpu.dma_semaphore, #tpu.memory_space<semaphore_mem>>) src(%dma_wait3A_584 : memref<8x65xf32, #tpu.memory_space<hbm>>) dst(%dma_wait3A_582 : memref<8x65xf32, #tpu.memory_space<vmem>>)
        %dma_wait3A_585 = arith.constant 48 : i32
        %dma_wait3A_586 = arith.constant 0 : i32
        %dma_wait3A_587 = tpu.memref_slice %arg16[%dma_wait3A_585, %dma_wait3A_586] : memref<128x65xf32, #tpu.memory_space<vmem>> -> memref<8x65xf32, #tpu.memory_space<vmem>>
        %dma_wait3A_588 = arith.constant 0 : i32
        %dma_wait3A_589 = tpu.memref_slice %arg3[%multiple_of3A_222, %dma_wait3A_588] : memref<100000x65xf32, #tpu.memory_space<hbm>> -> memref<8x65xf32, #tpu.memory_space<hbm>>
        %dma_wait3A_590 = arith.constant 48 : i32
        %dma_wait3A_591 = arith.constant 0 : i32
        %dma_wait3A_592 = tpu.memref_slice %arg16[%dma_wait3A_590, %dma_wait3A_591] : memref<128x65xf32, #tpu.memory_space<vmem>> -> memref<8x65xf32, #tpu.memory_space<vmem>>
        %dma_wait3A_593 = arith.constant 0 : i32
        %dma_wait3A_594 = tpu.memref_slice %arg3[%multiple_of3A_222, %dma_wait3A_593] : memref<100000x65xf32, #tpu.memory_space<hbm>> -> memref<8x65xf32, #tpu.memory_space<hbm>>
        tpu.wait_dma2 semaphore(%arg24 : memref<!tpu.dma_semaphore, #tpu.memory_space<semaphore_mem>>) src(%dma_wait3A_594 : memref<8x65xf32, #tpu.memory_space<hbm>>) dst(%dma_wait3A_592 : memref<8x65xf32, #tpu.memory_space<vmem>>)
        %dma_wait3A_595 = arith.constant 56 : i32
        %dma_wait3A_596 = arith.constant 0 : i32
        %dma_wait3A_597 = tpu.memref_slice %arg16[%dma_wait3A_595, %dma_wait3A_596] : memref<128x65xf32, #tpu.memory_space<vmem>> -> memref<8x65xf32, #tpu.memory_space<vmem>>
        %dma_wait3A_598 = arith.constant 0 : i32
        %dma_wait3A_599 = tpu.memref_slice %arg3[%multiple_of3A_254, %dma_wait3A_598] : memref<100000x65xf32, #tpu.memory_space<hbm>> -> memref<8x65xf32, #tpu.memory_space<hbm>>
        %dma_wait3A_600 = arith.constant 56 : i32
        %dma_wait3A_601 = arith.constant 0 : i32
        %dma_wait3A_602 = tpu.memref_slice %arg16[%dma_wait3A_600, %dma_wait3A_601] : memref<128x65xf32, #tpu.memory_space<vmem>> -> memref<8x65xf32, #tpu.memory_space<vmem>>
        %dma_wait3A_603 = arith.constant 0 : i32
        %dma_wait3A_604 = tpu.memref_slice %arg3[%multiple_of3A_254, %dma_wait3A_603] : memref<100000x65xf32, #tpu.memory_space<hbm>> -> memref<8x65xf32, #tpu.memory_space<hbm>>
        tpu.wait_dma2 semaphore(%arg24 : memref<!tpu.dma_semaphore, #tpu.memory_space<semaphore_mem>>) src(%dma_wait3A_604 : memref<8x65xf32, #tpu.memory_space<hbm>>) dst(%dma_wait3A_602 : memref<8x65xf32, #tpu.memory_space<vmem>>)
        %dma_wait3A_605 = arith.constant 64 : i32
        %dma_wait3A_606 = arith.constant 0 : i32
        %dma_wait3A_607 = tpu.memref_slice %arg16[%dma_wait3A_605, %dma_wait3A_606] : memref<128x65xf32, #tpu.memory_space<vmem>> -> memref<8x65xf32, #tpu.memory_space<vmem>>
        %dma_wait3A_608 = arith.constant 0 : i32
        %dma_wait3A_609 = tpu.memref_slice %arg3[%multiple_of3A_286, %dma_wait3A_608] : memref<100000x65xf32, #tpu.memory_space<hbm>> -> memref<8x65xf32, #tpu.memory_space<hbm>>
        %dma_wait3A_610 = arith.constant 64 : i32
        %dma_wait3A_611 = arith.constant 0 : i32
        %dma_wait3A_612 = tpu.memref_slice %arg16[%dma_wait3A_610, %dma_wait3A_611] : memref<128x65xf32, #tpu.memory_space<vmem>> -> memref<8x65xf32, #tpu.memory_space<vmem>>
        %dma_wait3A_613 = arith.constant 0 : i32
        %dma_wait3A_614 = tpu.memref_slice %arg3[%multiple_of3A_286, %dma_wait3A_613] : memref<100000x65xf32, #tpu.memory_space<hbm>> -> memref<8x65xf32, #tpu.memory_space<hbm>>
        tpu.wait_dma2 semaphore(%arg24 : memref<!tpu.dma_semaphore, #tpu.memory_space<semaphore_mem>>) src(%dma_wait3A_614 : memref<8x65xf32, #tpu.memory_space<hbm>>) dst(%dma_wait3A_612 : memref<8x65xf32, #tpu.memory_space<vmem>>)
        %dma_wait3A_615 = arith.constant 72 : i32
        %dma_wait3A_616 = arith.constant 0 : i32
        %dma_wait3A_617 = tpu.memref_slice %arg16[%dma_wait3A_615, %dma_wait3A_616] : memref<128x65xf32, #tpu.memory_space<vmem>> -> memref<8x65xf32, #tpu.memory_space<vmem>>
        %dma_wait3A_618 = arith.constant 0 : i32
        %dma_wait3A_619 = tpu.memref_slice %arg3[%multiple_of3A_318, %dma_wait3A_618] : memref<100000x65xf32, #tpu.memory_space<hbm>> -> memref<8x65xf32, #tpu.memory_space<hbm>>
        %dma_wait3A_620 = arith.constant 72 : i32
        %dma_wait3A_621 = arith.constant 0 : i32
        %dma_wait3A_622 = tpu.memref_slice %arg16[%dma_wait3A_620, %dma_wait3A_621] : memref<128x65xf32, #tpu.memory_space<vmem>> -> memref<8x65xf32, #tpu.memory_space<vmem>>
        %dma_wait3A_623 = arith.constant 0 : i32
        %dma_wait3A_624 = tpu.memref_slice %arg3[%multiple_of3A_318, %dma_wait3A_623] : memref<100000x65xf32, #tpu.memory_space<hbm>> -> memref<8x65xf32, #tpu.memory_space<hbm>>
        tpu.wait_dma2 semaphore(%arg24 : memref<!tpu.dma_semaphore, #tpu.memory_space<semaphore_mem>>) src(%dma_wait3A_624 : memref<8x65xf32, #tpu.memory_space<hbm>>) dst(%dma_wait3A_622 : memref<8x65xf32, #tpu.memory_space<vmem>>)
        %dma_wait3A_625 = arith.constant 80 : i32
        %dma_wait3A_626 = arith.constant 0 : i32
        %dma_wait3A_627 = tpu.memref_slice %arg16[%dma_wait3A_625, %dma_wait3A_626] : memref<128x65xf32, #tpu.memory_space<vmem>> -> memref<8x65xf32, #tpu.memory_space<vmem>>
        %dma_wait3A_628 = arith.constant 0 : i32
        %dma_wait3A_629 = tpu.memref_slice %arg3[%multiple_of3A_350, %dma_wait3A_628] : memref<100000x65xf32, #tpu.memory_space<hbm>> -> memref<8x65xf32, #tpu.memory_space<hbm>>
        %dma_wait3A_630 = arith.constant 80 : i32
        %dma_wait3A_631 = arith.constant 0 : i32
        %dma_wait3A_632 = tpu.memref_slice %arg16[%dma_wait3A_630, %dma_wait3A_631] : memref<128x65xf32, #tpu.memory_space<vmem>> -> memref<8x65xf32, #tpu.memory_space<vmem>>
        %dma_wait3A_633 = arith.constant 0 : i32
        %dma_wait3A_634 = tpu.memref_slice %arg3[%multiple_of3A_350, %dma_wait3A_633] : memref<100000x65xf32, #tpu.memory_space<hbm>> -> memref<8x65xf32, #tpu.memory_space<hbm>>
        tpu.wait_dma2 semaphore(%arg24 : memref<!tpu.dma_semaphore, #tpu.memory_space<semaphore_mem>>) src(%dma_wait3A_634 : memref<8x65xf32, #tpu.memory_space<hbm>>) dst(%dma_wait3A_632 : memref<8x65xf32, #tpu.memory_space<vmem>>)
        %dma_wait3A_635 = arith.constant 88 : i32
        %dma_wait3A_636 = arith.constant 0 : i32
        %dma_wait3A_637 = tpu.memref_slice %arg16[%dma_wait3A_635, %dma_wait3A_636] : memref<128x65xf32, #tpu.memory_space<vmem>> -> memref<8x65xf32, #tpu.memory_space<vmem>>
        %dma_wait3A_638 = arith.constant 0 : i32
        %dma_wait3A_639 = tpu.memref_slice %arg3[%multiple_of3A_382, %dma_wait3A_638] : memref<100000x65xf32, #tpu.memory_space<hbm>> -> memref<8x65xf32, #tpu.memory_space<hbm>>
        %dma_wait3A_640 = arith.constant 88 : i32
        %dma_wait3A_641 = arith.constant 0 : i32
        %dma_wait3A_642 = tpu.memref_slice %arg16[%dma_wait3A_640, %dma_wait3A_641] : memref<128x65xf32, #tpu.memory_space<vmem>> -> memref<8x65xf32, #tpu.memory_space<vmem>>
        %dma_wait3A_643 = arith.constant 0 : i32
        %dma_wait3A_644 = tpu.memref_slice %arg3[%multiple_of3A_382, %dma_wait3A_643] : memref<100000x65xf32, #tpu.memory_space<hbm>> -> memref<8x65xf32, #tpu.memory_space<hbm>>
        tpu.wait_dma2 semaphore(%arg24 : memref<!tpu.dma_semaphore, #tpu.memory_space<semaphore_mem>>) src(%dma_wait3A_644 : memref<8x65xf32, #tpu.memory_space<hbm>>) dst(%dma_wait3A_642 : memref<8x65xf32, #tpu.memory_space<vmem>>)
        %dma_wait3A_645 = arith.constant 96 : i32
        %dma_wait3A_646 = arith.constant 0 : i32
        %dma_wait3A_647 = tpu.memref_slice %arg16[%dma_wait3A_645, %dma_wait3A_646] : memref<128x65xf32, #tpu.memory_space<vmem>> -> memref<8x65xf32, #tpu.memory_space<vmem>>
        %dma_wait3A_648 = arith.constant 0 : i32
        %dma_wait3A_649 = tpu.memref_slice %arg3[%multiple_of3A_414, %dma_wait3A_648] : memref<100000x65xf32, #tpu.memory_space<hbm>> -> memref<8x65xf32, #tpu.memory_space<hbm>>
        %dma_wait3A_650 = arith.constant 96 : i32
        %dma_wait3A_651 = arith.constant 0 : i32
        %dma_wait3A_652 = tpu.memref_slice %arg16[%dma_wait3A_650, %dma_wait3A_651] : memref<128x65xf32, #tpu.memory_space<vmem>> -> memref<8x65xf32, #tpu.memory_space<vmem>>
        %dma_wait3A_653 = arith.constant 0 : i32
        %dma_wait3A_654 = tpu.memref_slice %arg3[%multiple_of3A_414, %dma_wait3A_653] : memref<100000x65xf32, #tpu.memory_space<hbm>> -> memref<8x65xf32, #tpu.memory_space<hbm>>
        tpu.wait_dma2 semaphore(%arg24 : memref<!tpu.dma_semaphore, #tpu.memory_space<semaphore_mem>>) src(%dma_wait3A_654 : memref<8x65xf32, #tpu.memory_space<hbm>>) dst(%dma_wait3A_652 : memref<8x65xf32, #tpu.memory_space<vmem>>)
        %dma_wait3A_655 = arith.constant 104 : i32
        %dma_wait3A_656 = arith.constant 0 : i32
        %dma_wait3A_657 = tpu.memref_slice %arg16[%dma_wait3A_655, %dma_wait3A_656] : memref<128x65xf32, #tpu.memory_space<vmem>> -> memref<8x65xf32, #tpu.memory_space<vmem>>
        %dma_wait3A_658 = arith.constant 0 : i32
        %dma_wait3A_659 = tpu.memref_slice %arg3[%multiple_of3A_446, %dma_wait3A_658] : memref<100000x65xf32, #tpu.memory_space<hbm>> -> memref<8x65xf32, #tpu.memory_space<hbm>>
        %dma_wait3A_660 = arith.constant 104 : i32
        %dma_wait3A_661 = arith.constant 0 : i32
        %dma_wait3A_662 = tpu.memref_slice %arg16[%dma_wait3A_660, %dma_wait3A_661] : memref<128x65xf32, #tpu.memory_space<vmem>> -> memref<8x65xf32, #tpu.memory_space<vmem>>
        %dma_wait3A_663 = arith.constant 0 : i32
        %dma_wait3A_664 = tpu.memref_slice %arg3[%multiple_of3A_446, %dma_wait3A_663] : memref<100000x65xf32, #tpu.memory_space<hbm>> -> memref<8x65xf32, #tpu.memory_space<hbm>>
        tpu.wait_dma2 semaphore(%arg24 : memref<!tpu.dma_semaphore, #tpu.memory_space<semaphore_mem>>) src(%dma_wait3A_664 : memref<8x65xf32, #tpu.memory_space<hbm>>) dst(%dma_wait3A_662 : memref<8x65xf32, #tpu.memory_space<vmem>>)
        %dma_wait3A_665 = arith.constant 112 : i32
        %dma_wait3A_666 = arith.constant 0 : i32
        %dma_wait3A_667 = tpu.memref_slice %arg16[%dma_wait3A_665, %dma_wait3A_666] : memref<128x65xf32, #tpu.memory_space<vmem>> -> memref<8x65xf32, #tpu.memory_space<vmem>>
        %dma_wait3A_668 = arith.constant 0 : i32
        %dma_wait3A_669 = tpu.memref_slice %arg3[%multiple_of3A_478, %dma_wait3A_668] : memref<100000x65xf32, #tpu.memory_space<hbm>> -> memref<8x65xf32, #tpu.memory_space<hbm>>
        %dma_wait3A_670 = arith.constant 112 : i32
        %dma_wait3A_671 = arith.constant 0 : i32
        %dma_wait3A_672 = tpu.memref_slice %arg16[%dma_wait3A_670, %dma_wait3A_671] : memref<128x65xf32, #tpu.memory_space<vmem>> -> memref<8x65xf32, #tpu.memory_space<vmem>>
        %dma_wait3A_673 = arith.constant 0 : i32
        %dma_wait3A_674 = tpu.memref_slice %arg3[%multiple_of3A_478, %dma_wait3A_673] : memref<100000x65xf32, #tpu.memory_space<hbm>> -> memref<8x65xf32, #tpu.memory_space<hbm>>
        tpu.wait_dma2 semaphore(%arg24 : memref<!tpu.dma_semaphore, #tpu.memory_space<semaphore_mem>>) src(%dma_wait3A_674 : memref<8x65xf32, #tpu.memory_space<hbm>>) dst(%dma_wait3A_672 : memref<8x65xf32, #tpu.memory_space<vmem>>)
        %dma_wait3A_675 = arith.constant 120 : i32
        %dma_wait3A_676 = arith.constant 0 : i32
        %dma_wait3A_677 = tpu.memref_slice %arg16[%dma_wait3A_675, %dma_wait3A_676] : memref<128x65xf32, #tpu.memory_space<vmem>> -> memref<8x65xf32, #tpu.memory_space<vmem>>
        %dma_wait3A_678 = arith.constant 0 : i32
        %dma_wait3A_679 = tpu.memref_slice %arg3[%multiple_of3A_510, %dma_wait3A_678] : memref<100000x65xf32, #tpu.memory_space<hbm>> -> memref<8x65xf32, #tpu.memory_space<hbm>>
        %dma_wait3A_680 = arith.constant 120 : i32
        %dma_wait3A_681 = arith.constant 0 : i32
        %dma_wait3A_682 = tpu.memref_slice %arg16[%dma_wait3A_680, %dma_wait3A_681] : memref<128x65xf32, #tpu.memory_space<vmem>> -> memref<8x65xf32, #tpu.memory_space<vmem>>
        %dma_wait3A_683 = arith.constant 0 : i32
        %dma_wait3A_684 = tpu.memref_slice %arg3[%multiple_of3A_510, %dma_wait3A_683] : memref<100000x65xf32, #tpu.memory_space<hbm>> -> memref<8x65xf32, #tpu.memory_space<hbm>>
        tpu.wait_dma2 semaphore(%arg24 : memref<!tpu.dma_semaphore, #tpu.memory_space<semaphore_mem>>) src(%dma_wait3A_684 : memref<8x65xf32, #tpu.memory_space<hbm>>) dst(%dma_wait3A_682 : memref<8x65xf32, #tpu.memory_space<vmem>>)
        %broadcast_in_dim3A_685 = arith.constant 0.000000e+00 : f32
        %broadcast_in_dim3A_686 = vector.broadcast %broadcast_in_dim3A_685 : f32 to vector<16xf32>
        %add3A_687 = arith.constant 0 : i32
        %add3A_688 = vector.broadcast %add3A_687 : i32 to vector<16xi32>
        %add3A_689 = arith.addi %iota3A, %add3A_688 : vector<16xi32>
        %gather3A_690 = tpu.vector_load_idx %arg16[%add3A_45, %add3A_689] : memref<128x65xf32, #tpu.memory_space<vmem>>[vector<16xi32>, vector<16xi32>], vector<16xf32>,
        %swap3A = arith.constant 0 : i32
        %swap3A_691 = arith.index_cast %swap3A : i32 to index
        %swap3A_692 = arith.constant 0 : index
        %swap3A_693 = tpu.vector_load %arg17[%swap3A_691, %swap3A_692] {strides = array<i32>} : memref<16x64xf32, #tpu.memory_space<vmem>>, vector<16xf32>,
        tpu.vector_store %arg17[%swap3A_691, %swap3A_692], %gather3A_690 {strides = array<i32>} : memref<16x64xf32, #tpu.memory_space<vmem>>, vector<16xf32>,
        %add3A_694 = arith.constant 16 : i32
        %add3A_695 = vector.broadcast %add3A_694 : i32 to vector<16xi32>
        %add3A_696 = arith.addi %iota3A, %add3A_695 : vector<16xi32>
        %gather3A_697 = tpu.vector_load_idx %arg16[%add3A_45, %add3A_696] : memref<128x65xf32, #tpu.memory_space<vmem>>[vector<16xi32>, vector<16xi32>], vector<16xf32>,
        %swap3A_698 = arith.constant 0 : i32
        %swap3A_699 = arith.index_cast %swap3A_698 : i32 to index
        %swap3A_700 = arith.constant 16 : index
        %swap3A_701 = tpu.vector_load %arg17[%swap3A_699, %swap3A_700] {strides = array<i32>} : memref<16x64xf32, #tpu.memory_space<vmem>>, vector<16xf32>,
        tpu.vector_store %arg17[%swap3A_699, %swap3A_700], %gather3A_697 {strides = array<i32>} : memref<16x64xf32, #tpu.memory_space<vmem>>, vector<16xf32>,
        %add3A_702 = arith.constant 32 : i32
        %add3A_703 = vector.broadcast %add3A_702 : i32 to vector<16xi32>
        %add3A_704 = arith.addi %iota3A, %add3A_703 : vector<16xi32>
        %gather3A_705 = tpu.vector_load_idx %arg16[%add3A_45, %add3A_704] : memref<128x65xf32, #tpu.memory_space<vmem>>[vector<16xi32>, vector<16xi32>], vector<16xf32>,
        %swap3A_706 = arith.constant 0 : i32
        %swap3A_707 = arith.index_cast %swap3A_706 : i32 to index
        %swap3A_708 = arith.constant 32 : index
        %swap3A_709 = tpu.vector_load %arg17[%swap3A_707, %swap3A_708] {strides = array<i32>} : memref<16x64xf32, #tpu.memory_space<vmem>>, vector<16xf32>,
        tpu.vector_store %arg17[%swap3A_707, %swap3A_708], %gather3A_705 {strides = array<i32>} : memref<16x64xf32, #tpu.memory_space<vmem>>, vector<16xf32>,
        %add3A_710 = arith.constant 48 : i32
        %add3A_711 = vector.broadcast %add3A_710 : i32 to vector<16xi32>
        %add3A_712 = arith.addi %iota3A, %add3A_711 : vector<16xi32>
        %gather3A_713 = tpu.vector_load_idx %arg16[%add3A_45, %add3A_712] : memref<128x65xf32, #tpu.memory_space<vmem>>[vector<16xi32>, vector<16xi32>], vector<16xf32>,
        %swap3A_714 = arith.constant 0 : i32
        %swap3A_715 = arith.index_cast %swap3A_714 : i32 to index
        %swap3A_716 = arith.constant 48 : index
        %swap3A_717 = tpu.vector_load %arg17[%swap3A_715, %swap3A_716] {strides = array<i32>} : memref<16x64xf32, #tpu.memory_space<vmem>>, vector<16xf32>,
        tpu.vector_store %arg17[%swap3A_715, %swap3A_716], %gather3A_713 {strides = array<i32>} : memref<16x64xf32, #tpu.memory_space<vmem>>, vector<16xf32>,
        %gather3A_718 = tpu.vector_load_idx %arg16[%add3A_45, %broadcast_in_dim3A_0] : memref<128x65xf32, #tpu.memory_space<vmem>>[vector<16xi32>, vector<16xi32>], vector<16xf32>,
        %eq3A_719 = arith.constant 0 : i32
        %eq3A_720 = vector.broadcast %eq3A_719 : i32 to vector<16xi32>
        %eq3A_721 = arith.cmpi eq, %iota3A, %eq3A_720 : vector<16xi32>
        %select_n3A_722 = arith.select %eq3A_721, %gather3A_718, %broadcast_in_dim3A_686 : vector<16xi1>, vector<16xf32>
        %add3A_723 = arith.constant 0 : i32
        %add3A_724 = vector.broadcast %add3A_723 : i32 to vector<16xi32>
        %add3A_725 = arith.addi %iota3A, %add3A_724 : vector<16xi32>
        %gather3A_726 = tpu.vector_load_idx %arg16[%add3A_77, %add3A_725] : memref<128x65xf32, #tpu.memory_space<vmem>>[vector<16xi32>, vector<16xi32>], vector<16xf32>,
        %swap3A_727 = arith.constant 1 : i32
        %swap3A_728 = arith.index_cast %swap3A_727 : i32 to index
        %swap3A_729 = arith.constant 0 : index
        %swap3A_730 = tpu.vector_load %arg17[%swap3A_728, %swap3A_729] {strides = array<i32>} : memref<16x64xf32, #tpu.memory_space<vmem>>, vector<16xf32>,
        tpu.vector_store %arg17[%swap3A_728, %swap3A_729], %gather3A_726 {strides = array<i32>} : memref<16x64xf32, #tpu.memory_space<vmem>>, vector<16xf32>,
        %add3A_731 = arith.constant 16 : i32
        %add3A_732 = vector.broadcast %add3A_731 : i32 to vector<16xi32>
        %add3A_733 = arith.addi %iota3A, %add3A_732 : vector<16xi32>
        %gather3A_734 = tpu.vector_load_idx %arg16[%add3A_77, %add3A_733] : memref<128x65xf32, #tpu.memory_space<vmem>>[vector<16xi32>, vector<16xi32>], vector<16xf32>,
        %swap3A_735 = arith.constant 1 : i32
        %swap3A_736 = arith.index_cast %swap3A_735 : i32 to index
        %swap3A_737 = arith.constant 16 : index
        %swap3A_738 = tpu.vector_load %arg17[%swap3A_736, %swap3A_737] {strides = array<i32>} : memref<16x64xf32, #tpu.memory_space<vmem>>, vector<16xf32>,
        tpu.vector_store %arg17[%swap3A_736, %swap3A_737], %gather3A_734 {strides = array<i32>} : memref<16x64xf32, #tpu.memory_space<vmem>>, vector<16xf32>,
        %add3A_739 = arith.constant 32 : i32
        %add3A_740 = vector.broadcast %add3A_739 : i32 to vector<16xi32>
        %add3A_741 = arith.addi %iota3A, %add3A_740 : vector<16xi32>
        %gather3A_742 = tpu.vector_load_idx %arg16[%add3A_77, %add3A_741] : memref<128x65xf32, #tpu.memory_space<vmem>>[vector<16xi32>, vector<16xi32>], vector<16xf32>,
        %swap3A_743 = arith.constant 1 : i32
        %swap3A_744 = arith.index_cast %swap3A_743 : i32 to index
        %swap3A_745 = arith.constant 32 : index
        %swap3A_746 = tpu.vector_load %arg17[%swap3A_744, %swap3A_745] {strides = array<i32>} : memref<16x64xf32, #tpu.memory_space<vmem>>, vector<16xf32>,
        tpu.vector_store %arg17[%swap3A_744, %swap3A_745], %gather3A_742 {strides = array<i32>} : memref<16x64xf32, #tpu.memory_space<vmem>>, vector<16xf32>,
        %add3A_747 = arith.constant 48 : i32
        %add3A_748 = vector.broadcast %add3A_747 : i32 to vector<16xi32>
        %add3A_749 = arith.addi %iota3A, %add3A_748 : vector<16xi32>
        %gather3A_750 = tpu.vector_load_idx %arg16[%add3A_77, %add3A_749] : memref<128x65xf32, #tpu.memory_space<vmem>>[vector<16xi32>, vector<16xi32>], vector<16xf32>,
        %swap3A_751 = arith.constant 1 : i32
        %swap3A_752 = arith.index_cast %swap3A_751 : i32 to index
        %swap3A_753 = arith.constant 48 : index
        %swap3A_754 = tpu.vector_load %arg17[%swap3A_752, %swap3A_753] {strides = array<i32>} : memref<16x64xf32, #tpu.memory_space<vmem>>, vector<16xf32>,
        tpu.vector_store %arg17[%swap3A_752, %swap3A_753], %gather3A_750 {strides = array<i32>} : memref<16x64xf32, #tpu.memory_space<vmem>>, vector<16xf32>,
        %gather3A_755 = tpu.vector_load_idx %arg16[%add3A_77, %broadcast_in_dim3A_0] : memref<128x65xf32, #tpu.memory_space<vmem>>[vector<16xi32>, vector<16xi32>], vector<16xf32>,
        %eq3A_756 = arith.constant 1 : i32
        %eq3A_757 = vector.broadcast %eq3A_756 : i32 to vector<16xi32>
        %eq3A_758 = arith.cmpi eq, %iota3A, %eq3A_757 : vector<16xi32>
        %select_n3A_759 = arith.select %eq3A_758, %gather3A_755, %select_n3A_722 : vector<16xi1>, vector<16xf32>
        %add3A_760 = arith.constant 0 : i32
        %add3A_761 = vector.broadcast %add3A_760 : i32 to vector<16xi32>
        %add3A_762 = arith.addi %iota3A, %add3A_761 : vector<16xi32>
        %gather3A_763 = tpu.vector_load_idx %arg16[%add3A_109, %add3A_762] : memref<128x65xf32, #tpu.memory_space<vmem>>[vector<16xi32>, vector<16xi32>], vector<16xf32>,
        %swap3A_764 = arith.constant 2 : i32
        %swap3A_765 = arith.index_cast %swap3A_764 : i32 to index
        %swap3A_766 = arith.constant 0 : index
        %swap3A_767 = tpu.vector_load %arg17[%swap3A_765, %swap3A_766] {strides = array<i32>} : memref<16x64xf32, #tpu.memory_space<vmem>>, vector<16xf32>,
        tpu.vector_store %arg17[%swap3A_765, %swap3A_766], %gather3A_763 {strides = array<i32>} : memref<16x64xf32, #tpu.memory_space<vmem>>, vector<16xf32>,
        %add3A_768 = arith.constant 16 : i32
        %add3A_769 = vector.broadcast %add3A_768 : i32 to vector<16xi32>
        %add3A_770 = arith.addi %iota3A, %add3A_769 : vector<16xi32>
        %gather3A_771 = tpu.vector_load_idx %arg16[%add3A_109, %add3A_770] : memref<128x65xf32, #tpu.memory_space<vmem>>[vector<16xi32>, vector<16xi32>], vector<16xf32>,
        %swap3A_772 = arith.constant 2 : i32
        %swap3A_773 = arith.index_cast %swap3A_772 : i32 to index
        %swap3A_774 = arith.constant 16 : index
        %swap3A_775 = tpu.vector_load %arg17[%swap3A_773, %swap3A_774] {strides = array<i32>} : memref<16x64xf32, #tpu.memory_space<vmem>>, vector<16xf32>,
        tpu.vector_store %arg17[%swap3A_773, %swap3A_774], %gather3A_771 {strides = array<i32>} : memref<16x64xf32, #tpu.memory_space<vmem>>, vector<16xf32>,
        %add3A_776 = arith.constant 32 : i32
        %add3A_777 = vector.broadcast %add3A_776 : i32 to vector<16xi32>
        %add3A_778 = arith.addi %iota3A, %add3A_777 : vector<16xi32>
        %gather3A_779 = tpu.vector_load_idx %arg16[%add3A_109, %add3A_778] : memref<128x65xf32, #tpu.memory_space<vmem>>[vector<16xi32>, vector<16xi32>], vector<16xf32>,
        %swap3A_780 = arith.constant 2 : i32
        %swap3A_781 = arith.index_cast %swap3A_780 : i32 to index
        %swap3A_782 = arith.constant 32 : index
        %swap3A_783 = tpu.vector_load %arg17[%swap3A_781, %swap3A_782] {strides = array<i32>} : memref<16x64xf32, #tpu.memory_space<vmem>>, vector<16xf32>,
        tpu.vector_store %arg17[%swap3A_781, %swap3A_782], %gather3A_779 {strides = array<i32>} : memref<16x64xf32, #tpu.memory_space<vmem>>, vector<16xf32>,
        %add3A_784 = arith.constant 48 : i32
        %add3A_785 = vector.broadcast %add3A_784 : i32 to vector<16xi32>
        %add3A_786 = arith.addi %iota3A, %add3A_785 : vector<16xi32>
        %gather3A_787 = tpu.vector_load_idx %arg16[%add3A_109, %add3A_786] : memref<128x65xf32, #tpu.memory_space<vmem>>[vector<16xi32>, vector<16xi32>], vector<16xf32>,
        %swap3A_788 = arith.constant 2 : i32
        %swap3A_789 = arith.index_cast %swap3A_788 : i32 to index
        %swap3A_790 = arith.constant 48 : index
        %swap3A_791 = tpu.vector_load %arg17[%swap3A_789, %swap3A_790] {strides = array<i32>} : memref<16x64xf32, #tpu.memory_space<vmem>>, vector<16xf32>,
        tpu.vector_store %arg17[%swap3A_789, %swap3A_790], %gather3A_787 {strides = array<i32>} : memref<16x64xf32, #tpu.memory_space<vmem>>, vector<16xf32>,
        %gather3A_792 = tpu.vector_load_idx %arg16[%add3A_109, %broadcast_in_dim3A_0] : memref<128x65xf32, #tpu.memory_space<vmem>>[vector<16xi32>, vector<16xi32>], vector<16xf32>,
        %eq3A_793 = arith.constant 2 : i32
        %eq3A_794 = vector.broadcast %eq3A_793 : i32 to vector<16xi32>
        %eq3A_795 = arith.cmpi eq, %iota3A, %eq3A_794 : vector<16xi32>
        %select_n3A_796 = arith.select %eq3A_795, %gather3A_792, %select_n3A_759 : vector<16xi1>, vector<16xf32>
        %add3A_797 = arith.constant 0 : i32
        %add3A_798 = vector.broadcast %add3A_797 : i32 to vector<16xi32>
        %add3A_799 = arith.addi %iota3A, %add3A_798 : vector<16xi32>
        %gather3A_800 = tpu.vector_load_idx %arg16[%add3A_141, %add3A_799] : memref<128x65xf32, #tpu.memory_space<vmem>>[vector<16xi32>, vector<16xi32>], vector<16xf32>,
        %swap3A_801 = arith.constant 3 : i32
        %swap3A_802 = arith.index_cast %swap3A_801 : i32 to index
        %swap3A_803 = arith.constant 0 : index
        %swap3A_804 = tpu.vector_load %arg17[%swap3A_802, %swap3A_803] {strides = array<i32>} : memref<16x64xf32, #tpu.memory_space<vmem>>, vector<16xf32>,
        tpu.vector_store %arg17[%swap3A_802, %swap3A_803], %gather3A_800 {strides = array<i32>} : memref<16x64xf32, #tpu.memory_space<vmem>>, vector<16xf32>,
        %add3A_805 = arith.constant 16 : i32
        %add3A_806 = vector.broadcast %add3A_805 : i32 to vector<16xi32>
        %add3A_807 = arith.addi %iota3A, %add3A_806 : vector<16xi32>
        %gather3A_808 = tpu.vector_load_idx %arg16[%add3A_141, %add3A_807] : memref<128x65xf32, #tpu.memory_space<vmem>>[vector<16xi32>, vector<16xi32>], vector<16xf32>,
        %swap3A_809 = arith.constant 3 : i32
        %swap3A_810 = arith.index_cast %swap3A_809 : i32 to index
        %swap3A_811 = arith.constant 16 : index
        %swap3A_812 = tpu.vector_load %arg17[%swap3A_810, %swap3A_811] {strides = array<i32>} : memref<16x64xf32, #tpu.memory_space<vmem>>, vector<16xf32>,
        tpu.vector_store %arg17[%swap3A_810, %swap3A_811], %gather3A_808 {strides = array<i32>} : memref<16x64xf32, #tpu.memory_space<vmem>>, vector<16xf32>,
        %add3A_813 = arith.constant 32 : i32
        %add3A_814 = vector.broadcast %add3A_813 : i32 to vector<16xi32>
        %add3A_815 = arith.addi %iota3A, %add3A_814 : vector<16xi32>
        %gather3A_816 = tpu.vector_load_idx %arg16[%add3A_141, %add3A_815] : memref<128x65xf32, #tpu.memory_space<vmem>>[vector<16xi32>, vector<16xi32>], vector<16xf32>,
        %swap3A_817 = arith.constant 3 : i32
        %swap3A_818 = arith.index_cast %swap3A_817 : i32 to index
        %swap3A_819 = arith.constant 32 : index
        %swap3A_820 = tpu.vector_load %arg17[%swap3A_818, %swap3A_819] {strides = array<i32>} : memref<16x64xf32, #tpu.memory_space<vmem>>, vector<16xf32>,
        tpu.vector_store %arg17[%swap3A_818, %swap3A_819], %gather3A_816 {strides = array<i32>} : memref<16x64xf32, #tpu.memory_space<vmem>>, vector<16xf32>,
        %add3A_821 = arith.constant 48 : i32
        %add3A_822 = vector.broadcast %add3A_821 : i32 to vector<16xi32>
        %add3A_823 = arith.addi %iota3A, %add3A_822 : vector<16xi32>
        %gather3A_824 = tpu.vector_load_idx %arg16[%add3A_141, %add3A_823] : memref<128x65xf32, #tpu.memory_space<vmem>>[vector<16xi32>, vector<16xi32>], vector<16xf32>,
        %swap3A_825 = arith.constant 3 : i32
        %swap3A_826 = arith.index_cast %swap3A_825 : i32 to index
        %swap3A_827 = arith.constant 48 : index
        %swap3A_828 = tpu.vector_load %arg17[%swap3A_826, %swap3A_827] {strides = array<i32>} : memref<16x64xf32, #tpu.memory_space<vmem>>, vector<16xf32>,
        tpu.vector_store %arg17[%swap3A_826, %swap3A_827], %gather3A_824 {strides = array<i32>} : memref<16x64xf32, #tpu.memory_space<vmem>>, vector<16xf32>,
        %gather3A_829 = tpu.vector_load_idx %arg16[%add3A_141, %broadcast_in_dim3A_0] : memref<128x65xf32, #tpu.memory_space<vmem>>[vector<16xi32>, vector<16xi32>], vector<16xf32>,
        %eq3A_830 = arith.constant 3 : i32
        %eq3A_831 = vector.broadcast %eq3A_830 : i32 to vector<16xi32>
        %eq3A_832 = arith.cmpi eq, %iota3A, %eq3A_831 : vector<16xi32>
        %select_n3A_833 = arith.select %eq3A_832, %gather3A_829, %select_n3A_796 : vector<16xi1>, vector<16xf32>
        %add3A_834 = arith.constant 0 : i32
        %add3A_835 = vector.broadcast %add3A_834 : i32 to vector<16xi32>
        %add3A_836 = arith.addi %iota3A, %add3A_835 : vector<16xi32>
        %gather3A_837 = tpu.vector_load_idx %arg16[%add3A_173, %add3A_836] : memref<128x65xf32, #tpu.memory_space<vmem>>[vector<16xi32>, vector<16xi32>], vector<16xf32>,
        %swap3A_838 = arith.constant 4 : i32
        %swap3A_839 = arith.index_cast %swap3A_838 : i32 to index
        %swap3A_840 = arith.constant 0 : index
        %swap3A_841 = tpu.vector_load %arg17[%swap3A_839, %swap3A_840] {strides = array<i32>} : memref<16x64xf32, #tpu.memory_space<vmem>>, vector<16xf32>,
        tpu.vector_store %arg17[%swap3A_839, %swap3A_840], %gather3A_837 {strides = array<i32>} : memref<16x64xf32, #tpu.memory_space<vmem>>, vector<16xf32>,
        %add3A_842 = arith.constant 16 : i32
        %add3A_843 = vector.broadcast %add3A_842 : i32 to vector<16xi32>
        %add3A_844 = arith.addi %iota3A, %add3A_843 : vector<16xi32>
        %gather3A_845 = tpu.vector_load_idx %arg16[%add3A_173, %add3A_844] : memref<128x65xf32, #tpu.memory_space<vmem>>[vector<16xi32>, vector<16xi32>], vector<16xf32>,
        %swap3A_846 = arith.constant 4 : i32
        %swap3A_847 = arith.index_cast %swap3A_846 : i32 to index
        %swap3A_848 = arith.constant 16 : index
        %swap3A_849 = tpu.vector_load %arg17[%swap3A_847, %swap3A_848] {strides = array<i32>} : memref<16x64xf32, #tpu.memory_space<vmem>>, vector<16xf32>,
        tpu.vector_store %arg17[%swap3A_847, %swap3A_848], %gather3A_845 {strides = array<i32>} : memref<16x64xf32, #tpu.memory_space<vmem>>, vector<16xf32>,
        %add3A_850 = arith.constant 32 : i32
        %add3A_851 = vector.broadcast %add3A_850 : i32 to vector<16xi32>
        %add3A_852 = arith.addi %iota3A, %add3A_851 : vector<16xi32>
        %gather3A_853 = tpu.vector_load_idx %arg16[%add3A_173, %add3A_852] : memref<128x65xf32, #tpu.memory_space<vmem>>[vector<16xi32>, vector<16xi32>], vector<16xf32>,
        %swap3A_854 = arith.constant 4 : i32
        %swap3A_855 = arith.index_cast %swap3A_854 : i32 to index
        %swap3A_856 = arith.constant 32 : index
        %swap3A_857 = tpu.vector_load %arg17[%swap3A_855, %swap3A_856] {strides = array<i32>} : memref<16x64xf32, #tpu.memory_space<vmem>>, vector<16xf32>,
        tpu.vector_store %arg17[%swap3A_855, %swap3A_856], %gather3A_853 {strides = array<i32>} : memref<16x64xf32, #tpu.memory_space<vmem>>, vector<16xf32>,
        %add3A_858 = arith.constant 48 : i32
        %add3A_859 = vector.broadcast %add3A_858 : i32 to vector<16xi32>
        %add3A_860 = arith.addi %iota3A, %add3A_859 : vector<16xi32>
        %gather3A_861 = tpu.vector_load_idx %arg16[%add3A_173, %add3A_860] : memref<128x65xf32, #tpu.memory_space<vmem>>[vector<16xi32>, vector<16xi32>], vector<16xf32>,
        %swap3A_862 = arith.constant 4 : i32
        %swap3A_863 = arith.index_cast %swap3A_862 : i32 to index
        %swap3A_864 = arith.constant 48 : index
        %swap3A_865 = tpu.vector_load %arg17[%swap3A_863, %swap3A_864] {strides = array<i32>} : memref<16x64xf32, #tpu.memory_space<vmem>>, vector<16xf32>,
        tpu.vector_store %arg17[%swap3A_863, %swap3A_864], %gather3A_861 {strides = array<i32>} : memref<16x64xf32, #tpu.memory_space<vmem>>, vector<16xf32>,
        %gather3A_866 = tpu.vector_load_idx %arg16[%add3A_173, %broadcast_in_dim3A_0] : memref<128x65xf32, #tpu.memory_space<vmem>>[vector<16xi32>, vector<16xi32>], vector<16xf32>,
        %eq3A_867 = arith.constant 4 : i32
        %eq3A_868 = vector.broadcast %eq3A_867 : i32 to vector<16xi32>
        %eq3A_869 = arith.cmpi eq, %iota3A, %eq3A_868 : vector<16xi32>
        %select_n3A_870 = arith.select %eq3A_869, %gather3A_866, %select_n3A_833 : vector<16xi1>, vector<16xf32>
        %add3A_871 = arith.constant 0 : i32
        %add3A_872 = vector.broadcast %add3A_871 : i32 to vector<16xi32>
        %add3A_873 = arith.addi %iota3A, %add3A_872 : vector<16xi32>
        %gather3A_874 = tpu.vector_load_idx %arg16[%add3A_205, %add3A_873] : memref<128x65xf32, #tpu.memory_space<vmem>>[vector<16xi32>, vector<16xi32>], vector<16xf32>,
        %swap3A_875 = arith.constant 5 : i32
        %swap3A_876 = arith.index_cast %swap3A_875 : i32 to index
        %swap3A_877 = arith.constant 0 : index
        %swap3A_878 = tpu.vector_load %arg17[%swap3A_876, %swap3A_877] {strides = array<i32>} : memref<16x64xf32, #tpu.memory_space<vmem>>, vector<16xf32>,
        tpu.vector_store %arg17[%swap3A_876, %swap3A_877], %gather3A_874 {strides = array<i32>} : memref<16x64xf32, #tpu.memory_space<vmem>>, vector<16xf32>,
        %add3A_879 = arith.constant 16 : i32
        %add3A_880 = vector.broadcast %add3A_879 : i32 to vector<16xi32>
        %add3A_881 = arith.addi %iota3A, %add3A_880 : vector<16xi32>
        %gather3A_882 = tpu.vector_load_idx %arg16[%add3A_205, %add3A_881] : memref<128x65xf32, #tpu.memory_space<vmem>>[vector<16xi32>, vector<16xi32>], vector<16xf32>,
        %swap3A_883 = arith.constant 5 : i32
        %swap3A_884 = arith.index_cast %swap3A_883 : i32 to index
        %swap3A_885 = arith.constant 16 : index
        %swap3A_886 = tpu.vector_load %arg17[%swap3A_884, %swap3A_885] {strides = array<i32>} : memref<16x64xf32, #tpu.memory_space<vmem>>, vector<16xf32>,
        tpu.vector_store %arg17[%swap3A_884, %swap3A_885], %gather3A_882 {strides = array<i32>} : memref<16x64xf32, #tpu.memory_space<vmem>>, vector<16xf32>,
        %add3A_887 = arith.constant 32 : i32
        %add3A_888 = vector.broadcast %add3A_887 : i32 to vector<16xi32>
        %add3A_889 = arith.addi %iota3A, %add3A_888 : vector<16xi32>
        %gather3A_890 = tpu.vector_load_idx %arg16[%add3A_205, %add3A_889] : memref<128x65xf32, #tpu.memory_space<vmem>>[vector<16xi32>, vector<16xi32>], vector<16xf32>,
        %swap3A_891 = arith.constant 5 : i32
        %swap3A_892 = arith.index_cast %swap3A_891 : i32 to index
        %swap3A_893 = arith.constant 32 : index
        %swap3A_894 = tpu.vector_load %arg17[%swap3A_892, %swap3A_893] {strides = array<i32>} : memref<16x64xf32, #tpu.memory_space<vmem>>, vector<16xf32>,
        tpu.vector_store %arg17[%swap3A_892, %swap3A_893], %gather3A_890 {strides = array<i32>} : memref<16x64xf32, #tpu.memory_space<vmem>>, vector<16xf32>,
        %add3A_895 = arith.constant 48 : i32
        %add3A_896 = vector.broadcast %add3A_895 : i32 to vector<16xi32>
        %add3A_897 = arith.addi %iota3A, %add3A_896 : vector<16xi32>
        %gather3A_898 = tpu.vector_load_idx %arg16[%add3A_205, %add3A_897] : memref<128x65xf32, #tpu.memory_space<vmem>>[vector<16xi32>, vector<16xi32>], vector<16xf32>,
        %swap3A_899 = arith.constant 5 : i32
        %swap3A_900 = arith.index_cast %swap3A_899 : i32 to index
        %swap3A_901 = arith.constant 48 : index
        %swap3A_902 = tpu.vector_load %arg17[%swap3A_900, %swap3A_901] {strides = array<i32>} : memref<16x64xf32, #tpu.memory_space<vmem>>, vector<16xf32>,
        tpu.vector_store %arg17[%swap3A_900, %swap3A_901], %gather3A_898 {strides = array<i32>} : memref<16x64xf32, #tpu.memory_space<vmem>>, vector<16xf32>,
        %gather3A_903 = tpu.vector_load_idx %arg16[%add3A_205, %broadcast_in_dim3A_0] : memref<128x65xf32, #tpu.memory_space<vmem>>[vector<16xi32>, vector<16xi32>], vector<16xf32>,
        %eq3A_904 = arith.constant 5 : i32
        %eq3A_905 = vector.broadcast %eq3A_904 : i32 to vector<16xi32>
        %eq3A_906 = arith.cmpi eq, %iota3A, %eq3A_905 : vector<16xi32>
        %select_n3A_907 = arith.select %eq3A_906, %gather3A_903, %select_n3A_870 : vector<16xi1>, vector<16xf32>
        %add3A_908 = arith.constant 0 : i32
        %add3A_909 = vector.broadcast %add3A_908 : i32 to vector<16xi32>
        %add3A_910 = arith.addi %iota3A, %add3A_909 : vector<16xi32>
        %gather3A_911 = tpu.vector_load_idx %arg16[%add3A_237, %add3A_910] : memref<128x65xf32, #tpu.memory_space<vmem>>[vector<16xi32>, vector<16xi32>], vector<16xf32>,
        %swap3A_912 = arith.constant 6 : i32
        %swap3A_913 = arith.index_cast %swap3A_912 : i32 to index
        %swap3A_914 = arith.constant 0 : index
        %swap3A_915 = tpu.vector_load %arg17[%swap3A_913, %swap3A_914] {strides = array<i32>} : memref<16x64xf32, #tpu.memory_space<vmem>>, vector<16xf32>,
        tpu.vector_store %arg17[%swap3A_913, %swap3A_914], %gather3A_911 {strides = array<i32>} : memref<16x64xf32, #tpu.memory_space<vmem>>, vector<16xf32>,
        %add3A_916 = arith.constant 16 : i32
        %add3A_917 = vector.broadcast %add3A_916 : i32 to vector<16xi32>
        %add3A_918 = arith.addi %iota3A, %add3A_917 : vector<16xi32>
        %gather3A_919 = tpu.vector_load_idx %arg16[%add3A_237, %add3A_918] : memref<128x65xf32, #tpu.memory_space<vmem>>[vector<16xi32>, vector<16xi32>], vector<16xf32>,
        %swap3A_920 = arith.constant 6 : i32
        %swap3A_921 = arith.index_cast %swap3A_920 : i32 to index
        %swap3A_922 = arith.constant 16 : index
        %swap3A_923 = tpu.vector_load %arg17[%swap3A_921, %swap3A_922] {strides = array<i32>} : memref<16x64xf32, #tpu.memory_space<vmem>>, vector<16xf32>,
        tpu.vector_store %arg17[%swap3A_921, %swap3A_922], %gather3A_919 {strides = array<i32>} : memref<16x64xf32, #tpu.memory_space<vmem>>, vector<16xf32>,
        %add3A_924 = arith.constant 32 : i32
        %add3A_925 = vector.broadcast %add3A_924 : i32 to vector<16xi32>
        %add3A_926 = arith.addi %iota3A, %add3A_925 : vector<16xi32>
        %gather3A_927 = tpu.vector_load_idx %arg16[%add3A_237, %add3A_926] : memref<128x65xf32, #tpu.memory_space<vmem>>[vector<16xi32>, vector<16xi32>], vector<16xf32>,
        %swap3A_928 = arith.constant 6 : i32
        %swap3A_929 = arith.index_cast %swap3A_928 : i32 to index
        %swap3A_930 = arith.constant 32 : index
        %swap3A_931 = tpu.vector_load %arg17[%swap3A_929, %swap3A_930] {strides = array<i32>} : memref<16x64xf32, #tpu.memory_space<vmem>>, vector<16xf32>,
        tpu.vector_store %arg17[%swap3A_929, %swap3A_930], %gather3A_927 {strides = array<i32>} : memref<16x64xf32, #tpu.memory_space<vmem>>, vector<16xf32>,
        %add3A_932 = arith.constant 48 : i32
        %add3A_933 = vector.broadcast %add3A_932 : i32 to vector<16xi32>
        %add3A_934 = arith.addi %iota3A, %add3A_933 : vector<16xi32>
        %gather3A_935 = tpu.vector_load_idx %arg16[%add3A_237, %add3A_934] : memref<128x65xf32, #tpu.memory_space<vmem>>[vector<16xi32>, vector<16xi32>], vector<16xf32>,
        %swap3A_936 = arith.constant 6 : i32
        %swap3A_937 = arith.index_cast %swap3A_936 : i32 to index
        %swap3A_938 = arith.constant 48 : index
        %swap3A_939 = tpu.vector_load %arg17[%swap3A_937, %swap3A_938] {strides = array<i32>} : memref<16x64xf32, #tpu.memory_space<vmem>>, vector<16xf32>,
        tpu.vector_store %arg17[%swap3A_937, %swap3A_938], %gather3A_935 {strides = array<i32>} : memref<16x64xf32, #tpu.memory_space<vmem>>, vector<16xf32>,
        %gather3A_940 = tpu.vector_load_idx %arg16[%add3A_237, %broadcast_in_dim3A_0] : memref<128x65xf32, #tpu.memory_space<vmem>>[vector<16xi32>, vector<16xi32>], vector<16xf32>,
        %eq3A_941 = arith.constant 6 : i32
        %eq3A_942 = vector.broadcast %eq3A_941 : i32 to vector<16xi32>
        %eq3A_943 = arith.cmpi eq, %iota3A, %eq3A_942 : vector<16xi32>
        %select_n3A_944 = arith.select %eq3A_943, %gather3A_940, %select_n3A_907 : vector<16xi1>, vector<16xf32>
        %add3A_945 = arith.constant 0 : i32
        %add3A_946 = vector.broadcast %add3A_945 : i32 to vector<16xi32>
        %add3A_947 = arith.addi %iota3A, %add3A_946 : vector<16xi32>
        %gather3A_948 = tpu.vector_load_idx %arg16[%add3A_269, %add3A_947] : memref<128x65xf32, #tpu.memory_space<vmem>>[vector<16xi32>, vector<16xi32>], vector<16xf32>,
        %swap3A_949 = arith.constant 7 : i32
        %swap3A_950 = arith.index_cast %swap3A_949 : i32 to index
        %swap3A_951 = arith.constant 0 : index
        %swap3A_952 = tpu.vector_load %arg17[%swap3A_950, %swap3A_951] {strides = array<i32>} : memref<16x64xf32, #tpu.memory_space<vmem>>, vector<16xf32>,
        tpu.vector_store %arg17[%swap3A_950, %swap3A_951], %gather3A_948 {strides = array<i32>} : memref<16x64xf32, #tpu.memory_space<vmem>>, vector<16xf32>,
        %add3A_953 = arith.constant 16 : i32
        %add3A_954 = vector.broadcast %add3A_953 : i32 to vector<16xi32>
        %add3A_955 = arith.addi %iota3A, %add3A_954 : vector<16xi32>
        %gather3A_956 = tpu.vector_load_idx %arg16[%add3A_269, %add3A_955] : memref<128x65xf32, #tpu.memory_space<vmem>>[vector<16xi32>, vector<16xi32>], vector<16xf32>,
        %swap3A_957 = arith.constant 7 : i32
        %swap3A_958 = arith.index_cast %swap3A_957 : i32 to index
        %swap3A_959 = arith.constant 16 : index
        %swap3A_960 = tpu.vector_load %arg17[%swap3A_958, %swap3A_959] {strides = array<i32>} : memref<16x64xf32, #tpu.memory_space<vmem>>, vector<16xf32>,
        tpu.vector_store %arg17[%swap3A_958, %swap3A_959], %gather3A_956 {strides = array<i32>} : memref<16x64xf32, #tpu.memory_space<vmem>>, vector<16xf32>,
        %add3A_961 = arith.constant 32 : i32
        %add3A_962 = vector.broadcast %add3A_961 : i32 to vector<16xi32>
        %add3A_963 = arith.addi %iota3A, %add3A_962 : vector<16xi32>
        %gather3A_964 = tpu.vector_load_idx %arg16[%add3A_269, %add3A_963] : memref<128x65xf32, #tpu.memory_space<vmem>>[vector<16xi32>, vector<16xi32>], vector<16xf32>,
        %swap3A_965 = arith.constant 7 : i32
        %swap3A_966 = arith.index_cast %swap3A_965 : i32 to index
        %swap3A_967 = arith.constant 32 : index
        %swap3A_968 = tpu.vector_load %arg17[%swap3A_966, %swap3A_967] {strides = array<i32>} : memref<16x64xf32, #tpu.memory_space<vmem>>, vector<16xf32>,
        tpu.vector_store %arg17[%swap3A_966, %swap3A_967], %gather3A_964 {strides = array<i32>} : memref<16x64xf32, #tpu.memory_space<vmem>>, vector<16xf32>,
        %add3A_969 = arith.constant 48 : i32
        %add3A_970 = vector.broadcast %add3A_969 : i32 to vector<16xi32>
        %add3A_971 = arith.addi %iota3A, %add3A_970 : vector<16xi32>
        %gather3A_972 = tpu.vector_load_idx %arg16[%add3A_269, %add3A_971] : memref<128x65xf32, #tpu.memory_space<vmem>>[vector<16xi32>, vector<16xi32>], vector<16xf32>,
        %swap3A_973 = arith.constant 7 : i32
        %swap3A_974 = arith.index_cast %swap3A_973 : i32 to index
        %swap3A_975 = arith.constant 48 : index
        %swap3A_976 = tpu.vector_load %arg17[%swap3A_974, %swap3A_975] {strides = array<i32>} : memref<16x64xf32, #tpu.memory_space<vmem>>, vector<16xf32>,
        tpu.vector_store %arg17[%swap3A_974, %swap3A_975], %gather3A_972 {strides = array<i32>} : memref<16x64xf32, #tpu.memory_space<vmem>>, vector<16xf32>,
        %gather3A_977 = tpu.vector_load_idx %arg16[%add3A_269, %broadcast_in_dim3A_0] : memref<128x65xf32, #tpu.memory_space<vmem>>[vector<16xi32>, vector<16xi32>], vector<16xf32>,
        %eq3A_978 = arith.constant 7 : i32
        %eq3A_979 = vector.broadcast %eq3A_978 : i32 to vector<16xi32>
        %eq3A_980 = arith.cmpi eq, %iota3A, %eq3A_979 : vector<16xi32>
        %select_n3A_981 = arith.select %eq3A_980, %gather3A_977, %select_n3A_944 : vector<16xi1>, vector<16xf32>
        %add3A_982 = arith.constant 0 : i32
        %add3A_983 = vector.broadcast %add3A_982 : i32 to vector<16xi32>
        %add3A_984 = arith.addi %iota3A, %add3A_983 : vector<16xi32>
        %gather3A_985 = tpu.vector_load_idx %arg16[%add3A_301, %add3A_984] : memref<128x65xf32, #tpu.memory_space<vmem>>[vector<16xi32>, vector<16xi32>], vector<16xf32>,
        %swap3A_986 = arith.constant 8 : i32
        %swap3A_987 = arith.index_cast %swap3A_986 : i32 to index
        %swap3A_988 = arith.constant 0 : index
        %swap3A_989 = tpu.vector_load %arg17[%swap3A_987, %swap3A_988] {strides = array<i32>} : memref<16x64xf32, #tpu.memory_space<vmem>>, vector<16xf32>,
        tpu.vector_store %arg17[%swap3A_987, %swap3A_988], %gather3A_985 {strides = array<i32>} : memref<16x64xf32, #tpu.memory_space<vmem>>, vector<16xf32>,
        %add3A_990 = arith.constant 16 : i32
        %add3A_991 = vector.broadcast %add3A_990 : i32 to vector<16xi32>
        %add3A_992 = arith.addi %iota3A, %add3A_991 : vector<16xi32>
        %gather3A_993 = tpu.vector_load_idx %arg16[%add3A_301, %add3A_992] : memref<128x65xf32, #tpu.memory_space<vmem>>[vector<16xi32>, vector<16xi32>], vector<16xf32>,
        %swap3A_994 = arith.constant 8 : i32
        %swap3A_995 = arith.index_cast %swap3A_994 : i32 to index
        %swap3A_996 = arith.constant 16 : index
        %swap3A_997 = tpu.vector_load %arg17[%swap3A_995, %swap3A_996] {strides = array<i32>} : memref<16x64xf32, #tpu.memory_space<vmem>>, vector<16xf32>,
        tpu.vector_store %arg17[%swap3A_995, %swap3A_996], %gather3A_993 {strides = array<i32>} : memref<16x64xf32, #tpu.memory_space<vmem>>, vector<16xf32>,
        %add3A_998 = arith.constant 32 : i32
        %add3A_999 = vector.broadcast %add3A_998 : i32 to vector<16xi32>
        %add3A_1000 = arith.addi %iota3A, %add3A_999 : vector<16xi32>
        %gather3A_1001 = tpu.vector_load_idx %arg16[%add3A_301, %add3A_1000] : memref<128x65xf32, #tpu.memory_space<vmem>>[vector<16xi32>, vector<16xi32>], vector<16xf32>,
        %swap3A_1002 = arith.constant 8 : i32
        %swap3A_1003 = arith.index_cast %swap3A_1002 : i32 to index
        %swap3A_1004 = arith.constant 32 : index
        %swap3A_1005 = tpu.vector_load %arg17[%swap3A_1003, %swap3A_1004] {strides = array<i32>} : memref<16x64xf32, #tpu.memory_space<vmem>>, vector<16xf32>,
        tpu.vector_store %arg17[%swap3A_1003, %swap3A_1004], %gather3A_1001 {strides = array<i32>} : memref<16x64xf32, #tpu.memory_space<vmem>>, vector<16xf32>,
        %add3A_1006 = arith.constant 48 : i32
        %add3A_1007 = vector.broadcast %add3A_1006 : i32 to vector<16xi32>
        %add3A_1008 = arith.addi %iota3A, %add3A_1007 : vector<16xi32>
        %gather3A_1009 = tpu.vector_load_idx %arg16[%add3A_301, %add3A_1008] : memref<128x65xf32, #tpu.memory_space<vmem>>[vector<16xi32>, vector<16xi32>], vector<16xf32>,
        %swap3A_1010 = arith.constant 8 : i32
        %swap3A_1011 = arith.index_cast %swap3A_1010 : i32 to index
        %swap3A_1012 = arith.constant 48 : index
        %swap3A_1013 = tpu.vector_load %arg17[%swap3A_1011, %swap3A_1012] {strides = array<i32>} : memref<16x64xf32, #tpu.memory_space<vmem>>, vector<16xf32>,
        tpu.vector_store %arg17[%swap3A_1011, %swap3A_1012], %gather3A_1009 {strides = array<i32>} : memref<16x64xf32, #tpu.memory_space<vmem>>, vector<16xf32>,
        %gather3A_1014 = tpu.vector_load_idx %arg16[%add3A_301, %broadcast_in_dim3A_0] : memref<128x65xf32, #tpu.memory_space<vmem>>[vector<16xi32>, vector<16xi32>], vector<16xf32>,
        %eq3A_1015 = arith.constant 8 : i32
        %eq3A_1016 = vector.broadcast %eq3A_1015 : i32 to vector<16xi32>
        %eq3A_1017 = arith.cmpi eq, %iota3A, %eq3A_1016 : vector<16xi32>
        %select_n3A_1018 = arith.select %eq3A_1017, %gather3A_1014, %select_n3A_981 : vector<16xi1>, vector<16xf32>
        %add3A_1019 = arith.constant 0 : i32
        %add3A_1020 = vector.broadcast %add3A_1019 : i32 to vector<16xi32>
        %add3A_1021 = arith.addi %iota3A, %add3A_1020 : vector<16xi32>
        %gather3A_1022 = tpu.vector_load_idx %arg16[%add3A_333, %add3A_1021] : memref<128x65xf32, #tpu.memory_space<vmem>>[vector<16xi32>, vector<16xi32>], vector<16xf32>,
        %swap3A_1023 = arith.constant 9 : i32
        %swap3A_1024 = arith.index_cast %swap3A_1023 : i32 to index
        %swap3A_1025 = arith.constant 0 : index
        %swap3A_1026 = tpu.vector_load %arg17[%swap3A_1024, %swap3A_1025] {strides = array<i32>} : memref<16x64xf32, #tpu.memory_space<vmem>>, vector<16xf32>,
        tpu.vector_store %arg17[%swap3A_1024, %swap3A_1025], %gather3A_1022 {strides = array<i32>} : memref<16x64xf32, #tpu.memory_space<vmem>>, vector<16xf32>,
        %add3A_1027 = arith.constant 16 : i32
        %add3A_1028 = vector.broadcast %add3A_1027 : i32 to vector<16xi32>
        %add3A_1029 = arith.addi %iota3A, %add3A_1028 : vector<16xi32>
        %gather3A_1030 = tpu.vector_load_idx %arg16[%add3A_333, %add3A_1029] : memref<128x65xf32, #tpu.memory_space<vmem>>[vector<16xi32>, vector<16xi32>], vector<16xf32>,
        %swap3A_1031 = arith.constant 9 : i32
        %swap3A_1032 = arith.index_cast %swap3A_1031 : i32 to index
        %swap3A_1033 = arith.constant 16 : index
        %swap3A_1034 = tpu.vector_load %arg17[%swap3A_1032, %swap3A_1033] {strides = array<i32>} : memref<16x64xf32, #tpu.memory_space<vmem>>, vector<16xf32>,
        tpu.vector_store %arg17[%swap3A_1032, %swap3A_1033], %gather3A_1030 {strides = array<i32>} : memref<16x64xf32, #tpu.memory_space<vmem>>, vector<16xf32>,
        %add3A_1035 = arith.constant 32 : i32
        %add3A_1036 = vector.broadcast %add3A_1035 : i32 to vector<16xi32>
        %add3A_1037 = arith.addi %iota3A, %add3A_1036 : vector<16xi32>
        %gather3A_1038 = tpu.vector_load_idx %arg16[%add3A_333, %add3A_1037] : memref<128x65xf32, #tpu.memory_space<vmem>>[vector<16xi32>, vector<16xi32>], vector<16xf32>,
        %swap3A_1039 = arith.constant 9 : i32
        %swap3A_1040 = arith.index_cast %swap3A_1039 : i32 to index
        %swap3A_1041 = arith.constant 32 : index
        %swap3A_1042 = tpu.vector_load %arg17[%swap3A_1040, %swap3A_1041] {strides = array<i32>} : memref<16x64xf32, #tpu.memory_space<vmem>>, vector<16xf32>,
        tpu.vector_store %arg17[%swap3A_1040, %swap3A_1041], %gather3A_1038 {strides = array<i32>} : memref<16x64xf32, #tpu.memory_space<vmem>>, vector<16xf32>,
        %add3A_1043 = arith.constant 48 : i32
        %add3A_1044 = vector.broadcast %add3A_1043 : i32 to vector<16xi32>
        %add3A_1045 = arith.addi %iota3A, %add3A_1044 : vector<16xi32>
        %gather3A_1046 = tpu.vector_load_idx %arg16[%add3A_333, %add3A_1045] : memref<128x65xf32, #tpu.memory_space<vmem>>[vector<16xi32>, vector<16xi32>], vector<16xf32>,
        %swap3A_1047 = arith.constant 9 : i32
        %swap3A_1048 = arith.index_cast %swap3A_1047 : i32 to index
        %swap3A_1049 = arith.constant 48 : index
        %swap3A_1050 = tpu.vector_load %arg17[%swap3A_1048, %swap3A_1049] {strides = array<i32>} : memref<16x64xf32, #tpu.memory_space<vmem>>, vector<16xf32>,
        tpu.vector_store %arg17[%swap3A_1048, %swap3A_1049], %gather3A_1046 {strides = array<i32>} : memref<16x64xf32, #tpu.memory_space<vmem>>, vector<16xf32>,
        %gather3A_1051 = tpu.vector_load_idx %arg16[%add3A_333, %broadcast_in_dim3A_0] : memref<128x65xf32, #tpu.memory_space<vmem>>[vector<16xi32>, vector<16xi32>], vector<16xf32>,
        %eq3A_1052 = arith.constant 9 : i32
        %eq3A_1053 = vector.broadcast %eq3A_1052 : i32 to vector<16xi32>
        %eq3A_1054 = arith.cmpi eq, %iota3A, %eq3A_1053 : vector<16xi32>
        %select_n3A_1055 = arith.select %eq3A_1054, %gather3A_1051, %select_n3A_1018 : vector<16xi1>, vector<16xf32>
        %add3A_1056 = arith.constant 0 : i32
        %add3A_1057 = vector.broadcast %add3A_1056 : i32 to vector<16xi32>
        %add3A_1058 = arith.addi %iota3A, %add3A_1057 : vector<16xi32>
        %gather3A_1059 = tpu.vector_load_idx %arg16[%add3A_365, %add3A_1058] : memref<128x65xf32, #tpu.memory_space<vmem>>[vector<16xi32>, vector<16xi32>], vector<16xf32>,
        %swap3A_1060 = arith.constant 10 : i32
        %swap3A_1061 = arith.index_cast %swap3A_1060 : i32 to index
        %swap3A_1062 = arith.constant 0 : index
        %swap3A_1063 = tpu.vector_load %arg17[%swap3A_1061, %swap3A_1062] {strides = array<i32>} : memref<16x64xf32, #tpu.memory_space<vmem>>, vector<16xf32>,
        tpu.vector_store %arg17[%swap3A_1061, %swap3A_1062], %gather3A_1059 {strides = array<i32>} : memref<16x64xf32, #tpu.memory_space<vmem>>, vector<16xf32>,
        %add3A_1064 = arith.constant 16 : i32
        %add3A_1065 = vector.broadcast %add3A_1064 : i32 to vector<16xi32>
        %add3A_1066 = arith.addi %iota3A, %add3A_1065 : vector<16xi32>
        %gather3A_1067 = tpu.vector_load_idx %arg16[%add3A_365, %add3A_1066] : memref<128x65xf32, #tpu.memory_space<vmem>>[vector<16xi32>, vector<16xi32>], vector<16xf32>,
        %swap3A_1068 = arith.constant 10 : i32
        %swap3A_1069 = arith.index_cast %swap3A_1068 : i32 to index
        %swap3A_1070 = arith.constant 16 : index
        %swap3A_1071 = tpu.vector_load %arg17[%swap3A_1069, %swap3A_1070] {strides = array<i32>} : memref<16x64xf32, #tpu.memory_space<vmem>>, vector<16xf32>,
        tpu.vector_store %arg17[%swap3A_1069, %swap3A_1070], %gather3A_1067 {strides = array<i32>} : memref<16x64xf32, #tpu.memory_space<vmem>>, vector<16xf32>,
        %add3A_1072 = arith.constant 32 : i32
        %add3A_1073 = vector.broadcast %add3A_1072 : i32 to vector<16xi32>
        %add3A_1074 = arith.addi %iota3A, %add3A_1073 : vector<16xi32>
        %gather3A_1075 = tpu.vector_load_idx %arg16[%add3A_365, %add3A_1074] : memref<128x65xf32, #tpu.memory_space<vmem>>[vector<16xi32>, vector<16xi32>], vector<16xf32>,
        %swap3A_1076 = arith.constant 10 : i32
        %swap3A_1077 = arith.index_cast %swap3A_1076 : i32 to index
        %swap3A_1078 = arith.constant 32 : index
        %swap3A_1079 = tpu.vector_load %arg17[%swap3A_1077, %swap3A_1078] {strides = array<i32>} : memref<16x64xf32, #tpu.memory_space<vmem>>, vector<16xf32>,
        tpu.vector_store %arg17[%swap3A_1077, %swap3A_1078], %gather3A_1075 {strides = array<i32>} : memref<16x64xf32, #tpu.memory_space<vmem>>, vector<16xf32>,
        %add3A_1080 = arith.constant 48 : i32
        %add3A_1081 = vector.broadcast %add3A_1080 : i32 to vector<16xi32>
        %add3A_1082 = arith.addi %iota3A, %add3A_1081 : vector<16xi32>
        %gather3A_1083 = tpu.vector_load_idx %arg16[%add3A_365, %add3A_1082] : memref<128x65xf32, #tpu.memory_space<vmem>>[vector<16xi32>, vector<16xi32>], vector<16xf32>,
        %swap3A_1084 = arith.constant 10 : i32
        %swap3A_1085 = arith.index_cast %swap3A_1084 : i32 to index
        %swap3A_1086 = arith.constant 48 : index
        %swap3A_1087 = tpu.vector_load %arg17[%swap3A_1085, %swap3A_1086] {strides = array<i32>} : memref<16x64xf32, #tpu.memory_space<vmem>>, vector<16xf32>,
        tpu.vector_store %arg17[%swap3A_1085, %swap3A_1086], %gather3A_1083 {strides = array<i32>} : memref<16x64xf32, #tpu.memory_space<vmem>>, vector<16xf32>,
        %gather3A_1088 = tpu.vector_load_idx %arg16[%add3A_365, %broadcast_in_dim3A_0] : memref<128x65xf32, #tpu.memory_space<vmem>>[vector<16xi32>, vector<16xi32>], vector<16xf32>,
        %eq3A_1089 = arith.constant 10 : i32
        %eq3A_1090 = vector.broadcast %eq3A_1089 : i32 to vector<16xi32>
        %eq3A_1091 = arith.cmpi eq, %iota3A, %eq3A_1090 : vector<16xi32>
        %select_n3A_1092 = arith.select %eq3A_1091, %gather3A_1088, %select_n3A_1055 : vector<16xi1>, vector<16xf32>
        %add3A_1093 = arith.constant 0 : i32
        %add3A_1094 = vector.broadcast %add3A_1093 : i32 to vector<16xi32>
        %add3A_1095 = arith.addi %iota3A, %add3A_1094 : vector<16xi32>
        %gather3A_1096 = tpu.vector_load_idx %arg16[%add3A_397, %add3A_1095] : memref<128x65xf32, #tpu.memory_space<vmem>>[vector<16xi32>, vector<16xi32>], vector<16xf32>,
        %swap3A_1097 = arith.constant 11 : i32
        %swap3A_1098 = arith.index_cast %swap3A_1097 : i32 to index
        %swap3A_1099 = arith.constant 0 : index
        %swap3A_1100 = tpu.vector_load %arg17[%swap3A_1098, %swap3A_1099] {strides = array<i32>} : memref<16x64xf32, #tpu.memory_space<vmem>>, vector<16xf32>,
        tpu.vector_store %arg17[%swap3A_1098, %swap3A_1099], %gather3A_1096 {strides = array<i32>} : memref<16x64xf32, #tpu.memory_space<vmem>>, vector<16xf32>,
        %add3A_1101 = arith.constant 16 : i32
        %add3A_1102 = vector.broadcast %add3A_1101 : i32 to vector<16xi32>
        %add3A_1103 = arith.addi %iota3A, %add3A_1102 : vector<16xi32>
        %gather3A_1104 = tpu.vector_load_idx %arg16[%add3A_397, %add3A_1103] : memref<128x65xf32, #tpu.memory_space<vmem>>[vector<16xi32>, vector<16xi32>], vector<16xf32>,
        %swap3A_1105 = arith.constant 11 : i32
        %swap3A_1106 = arith.index_cast %swap3A_1105 : i32 to index
        %swap3A_1107 = arith.constant 16 : index
        %swap3A_1108 = tpu.vector_load %arg17[%swap3A_1106, %swap3A_1107] {strides = array<i32>} : memref<16x64xf32, #tpu.memory_space<vmem>>, vector<16xf32>,
        tpu.vector_store %arg17[%swap3A_1106, %swap3A_1107], %gather3A_1104 {strides = array<i32>} : memref<16x64xf32, #tpu.memory_space<vmem>>, vector<16xf32>,
        %add3A_1109 = arith.constant 32 : i32
        %add3A_1110 = vector.broadcast %add3A_1109 : i32 to vector<16xi32>
        %add3A_1111 = arith.addi %iota3A, %add3A_1110 : vector<16xi32>
        %gather3A_1112 = tpu.vector_load_idx %arg16[%add3A_397, %add3A_1111] : memref<128x65xf32, #tpu.memory_space<vmem>>[vector<16xi32>, vector<16xi32>], vector<16xf32>,
        %swap3A_1113 = arith.constant 11 : i32
        %swap3A_1114 = arith.index_cast %swap3A_1113 : i32 to index
        %swap3A_1115 = arith.constant 32 : index
        %swap3A_1116 = tpu.vector_load %arg17[%swap3A_1114, %swap3A_1115] {strides = array<i32>} : memref<16x64xf32, #tpu.memory_space<vmem>>, vector<16xf32>,
        tpu.vector_store %arg17[%swap3A_1114, %swap3A_1115], %gather3A_1112 {strides = array<i32>} : memref<16x64xf32, #tpu.memory_space<vmem>>, vector<16xf32>,
        %add3A_1117 = arith.constant 48 : i32
        %add3A_1118 = vector.broadcast %add3A_1117 : i32 to vector<16xi32>
        %add3A_1119 = arith.addi %iota3A, %add3A_1118 : vector<16xi32>
        %gather3A_1120 = tpu.vector_load_idx %arg16[%add3A_397, %add3A_1119] : memref<128x65xf32, #tpu.memory_space<vmem>>[vector<16xi32>, vector<16xi32>], vector<16xf32>,
        %swap3A_1121 = arith.constant 11 : i32
        %swap3A_1122 = arith.index_cast %swap3A_1121 : i32 to index
        %swap3A_1123 = arith.constant 48 : index
        %swap3A_1124 = tpu.vector_load %arg17[%swap3A_1122, %swap3A_1123] {strides = array<i32>} : memref<16x64xf32, #tpu.memory_space<vmem>>, vector<16xf32>,
        tpu.vector_store %arg17[%swap3A_1122, %swap3A_1123], %gather3A_1120 {strides = array<i32>} : memref<16x64xf32, #tpu.memory_space<vmem>>, vector<16xf32>,
        %gather3A_1125 = tpu.vector_load_idx %arg16[%add3A_397, %broadcast_in_dim3A_0] : memref<128x65xf32, #tpu.memory_space<vmem>>[vector<16xi32>, vector<16xi32>], vector<16xf32>,
        %eq3A_1126 = arith.constant 11 : i32
        %eq3A_1127 = vector.broadcast %eq3A_1126 : i32 to vector<16xi32>
        %eq3A_1128 = arith.cmpi eq, %iota3A, %eq3A_1127 : vector<16xi32>
        %select_n3A_1129 = arith.select %eq3A_1128, %gather3A_1125, %select_n3A_1092 : vector<16xi1>, vector<16xf32>
        %add3A_1130 = arith.constant 0 : i32
        %add3A_1131 = vector.broadcast %add3A_1130 : i32 to vector<16xi32>
        %add3A_1132 = arith.addi %iota3A, %add3A_1131 : vector<16xi32>
        %gather3A_1133 = tpu.vector_load_idx %arg16[%add3A_429, %add3A_1132] : memref<128x65xf32, #tpu.memory_space<vmem>>[vector<16xi32>, vector<16xi32>], vector<16xf32>,
        %swap3A_1134 = arith.constant 12 : i32
        %swap3A_1135 = arith.index_cast %swap3A_1134 : i32 to index
        %swap3A_1136 = arith.constant 0 : index
        %swap3A_1137 = tpu.vector_load %arg17[%swap3A_1135, %swap3A_1136] {strides = array<i32>} : memref<16x64xf32, #tpu.memory_space<vmem>>, vector<16xf32>,
        tpu.vector_store %arg17[%swap3A_1135, %swap3A_1136], %gather3A_1133 {strides = array<i32>} : memref<16x64xf32, #tpu.memory_space<vmem>>, vector<16xf32>,
        %add3A_1138 = arith.constant 16 : i32
        %add3A_1139 = vector.broadcast %add3A_1138 : i32 to vector<16xi32>
        %add3A_1140 = arith.addi %iota3A, %add3A_1139 : vector<16xi32>
        %gather3A_1141 = tpu.vector_load_idx %arg16[%add3A_429, %add3A_1140] : memref<128x65xf32, #tpu.memory_space<vmem>>[vector<16xi32>, vector<16xi32>], vector<16xf32>,
        %swap3A_1142 = arith.constant 12 : i32
        %swap3A_1143 = arith.index_cast %swap3A_1142 : i32 to index
        %swap3A_1144 = arith.constant 16 : index
        %swap3A_1145 = tpu.vector_load %arg17[%swap3A_1143, %swap3A_1144] {strides = array<i32>} : memref<16x64xf32, #tpu.memory_space<vmem>>, vector<16xf32>,
        tpu.vector_store %arg17[%swap3A_1143, %swap3A_1144], %gather3A_1141 {strides = array<i32>} : memref<16x64xf32, #tpu.memory_space<vmem>>, vector<16xf32>,
        %add3A_1146 = arith.constant 32 : i32
        %add3A_1147 = vector.broadcast %add3A_1146 : i32 to vector<16xi32>
        %add3A_1148 = arith.addi %iota3A, %add3A_1147 : vector<16xi32>
        %gather3A_1149 = tpu.vector_load_idx %arg16[%add3A_429, %add3A_1148] : memref<128x65xf32, #tpu.memory_space<vmem>>[vector<16xi32>, vector<16xi32>], vector<16xf32>,
        %swap3A_1150 = arith.constant 12 : i32
        %swap3A_1151 = arith.index_cast %swap3A_1150 : i32 to index
        %swap3A_1152 = arith.constant 32 : index
        %swap3A_1153 = tpu.vector_load %arg17[%swap3A_1151, %swap3A_1152] {strides = array<i32>} : memref<16x64xf32, #tpu.memory_space<vmem>>, vector<16xf32>,
        tpu.vector_store %arg17[%swap3A_1151, %swap3A_1152], %gather3A_1149 {strides = array<i32>} : memref<16x64xf32, #tpu.memory_space<vmem>>, vector<16xf32>,
        %add3A_1154 = arith.constant 48 : i32
        %add3A_1155 = vector.broadcast %add3A_1154 : i32 to vector<16xi32>
        %add3A_1156 = arith.addi %iota3A, %add3A_1155 : vector<16xi32>
        %gather3A_1157 = tpu.vector_load_idx %arg16[%add3A_429, %add3A_1156] : memref<128x65xf32, #tpu.memory_space<vmem>>[vector<16xi32>, vector<16xi32>], vector<16xf32>,
        %swap3A_1158 = arith.constant 12 : i32
        %swap3A_1159 = arith.index_cast %swap3A_1158 : i32 to index
        %swap3A_1160 = arith.constant 48 : index
        %swap3A_1161 = tpu.vector_load %arg17[%swap3A_1159, %swap3A_1160] {strides = array<i32>} : memref<16x64xf32, #tpu.memory_space<vmem>>, vector<16xf32>,
        tpu.vector_store %arg17[%swap3A_1159, %swap3A_1160], %gather3A_1157 {strides = array<i32>} : memref<16x64xf32, #tpu.memory_space<vmem>>, vector<16xf32>,
        %gather3A_1162 = tpu.vector_load_idx %arg16[%add3A_429, %broadcast_in_dim3A_0] : memref<128x65xf32, #tpu.memory_space<vmem>>[vector<16xi32>, vector<16xi32>], vector<16xf32>,
        %eq3A_1163 = arith.constant 12 : i32
        %eq3A_1164 = vector.broadcast %eq3A_1163 : i32 to vector<16xi32>
        %eq3A_1165 = arith.cmpi eq, %iota3A, %eq3A_1164 : vector<16xi32>
        %select_n3A_1166 = arith.select %eq3A_1165, %gather3A_1162, %select_n3A_1129 : vector<16xi1>, vector<16xf32>
        %add3A_1167 = arith.constant 0 : i32
        %add3A_1168 = vector.broadcast %add3A_1167 : i32 to vector<16xi32>
        %add3A_1169 = arith.addi %iota3A, %add3A_1168 : vector<16xi32>
        %gather3A_1170 = tpu.vector_load_idx %arg16[%add3A_461, %add3A_1169] : memref<128x65xf32, #tpu.memory_space<vmem>>[vector<16xi32>, vector<16xi32>], vector<16xf32>,
        %swap3A_1171 = arith.constant 13 : i32
        %swap3A_1172 = arith.index_cast %swap3A_1171 : i32 to index
        %swap3A_1173 = arith.constant 0 : index
        %swap3A_1174 = tpu.vector_load %arg17[%swap3A_1172, %swap3A_1173] {strides = array<i32>} : memref<16x64xf32, #tpu.memory_space<vmem>>, vector<16xf32>,
        tpu.vector_store %arg17[%swap3A_1172, %swap3A_1173], %gather3A_1170 {strides = array<i32>} : memref<16x64xf32, #tpu.memory_space<vmem>>, vector<16xf32>,
        %add3A_1175 = arith.constant 16 : i32
        %add3A_1176 = vector.broadcast %add3A_1175 : i32 to vector<16xi32>
        %add3A_1177 = arith.addi %iota3A, %add3A_1176 : vector<16xi32>
        %gather3A_1178 = tpu.vector_load_idx %arg16[%add3A_461, %add3A_1177] : memref<128x65xf32, #tpu.memory_space<vmem>>[vector<16xi32>, vector<16xi32>], vector<16xf32>,
        %swap3A_1179 = arith.constant 13 : i32
        %swap3A_1180 = arith.index_cast %swap3A_1179 : i32 to index
        %swap3A_1181 = arith.constant 16 : index
        %swap3A_1182 = tpu.vector_load %arg17[%swap3A_1180, %swap3A_1181] {strides = array<i32>} : memref<16x64xf32, #tpu.memory_space<vmem>>, vector<16xf32>,
        tpu.vector_store %arg17[%swap3A_1180, %swap3A_1181], %gather3A_1178 {strides = array<i32>} : memref<16x64xf32, #tpu.memory_space<vmem>>, vector<16xf32>,
        %add3A_1183 = arith.constant 32 : i32
        %add3A_1184 = vector.broadcast %add3A_1183 : i32 to vector<16xi32>
        %add3A_1185 = arith.addi %iota3A, %add3A_1184 : vector<16xi32>
        %gather3A_1186 = tpu.vector_load_idx %arg16[%add3A_461, %add3A_1185] : memref<128x65xf32, #tpu.memory_space<vmem>>[vector<16xi32>, vector<16xi32>], vector<16xf32>,
        %swap3A_1187 = arith.constant 13 : i32
        %swap3A_1188 = arith.index_cast %swap3A_1187 : i32 to index
        %swap3A_1189 = arith.constant 32 : index
        %swap3A_1190 = tpu.vector_load %arg17[%swap3A_1188, %swap3A_1189] {strides = array<i32>} : memref<16x64xf32, #tpu.memory_space<vmem>>, vector<16xf32>,
        tpu.vector_store %arg17[%swap3A_1188, %swap3A_1189], %gather3A_1186 {strides = array<i32>} : memref<16x64xf32, #tpu.memory_space<vmem>>, vector<16xf32>,
        %add3A_1191 = arith.constant 48 : i32
        %add3A_1192 = vector.broadcast %add3A_1191 : i32 to vector<16xi32>
        %add3A_1193 = arith.addi %iota3A, %add3A_1192 : vector<16xi32>
        %gather3A_1194 = tpu.vector_load_idx %arg16[%add3A_461, %add3A_1193] : memref<128x65xf32, #tpu.memory_space<vmem>>[vector<16xi32>, vector<16xi32>], vector<16xf32>,
        %swap3A_1195 = arith.constant 13 : i32
        %swap3A_1196 = arith.index_cast %swap3A_1195 : i32 to index
        %swap3A_1197 = arith.constant 48 : index
        %swap3A_1198 = tpu.vector_load %arg17[%swap3A_1196, %swap3A_1197] {strides = array<i32>} : memref<16x64xf32, #tpu.memory_space<vmem>>, vector<16xf32>,
        tpu.vector_store %arg17[%swap3A_1196, %swap3A_1197], %gather3A_1194 {strides = array<i32>} : memref<16x64xf32, #tpu.memory_space<vmem>>, vector<16xf32>,
        %gather3A_1199 = tpu.vector_load_idx %arg16[%add3A_461, %broadcast_in_dim3A_0] : memref<128x65xf32, #tpu.memory_space<vmem>>[vector<16xi32>, vector<16xi32>], vector<16xf32>,
        %eq3A_1200 = arith.constant 13 : i32
        %eq3A_1201 = vector.broadcast %eq3A_1200 : i32 to vector<16xi32>
        %eq3A_1202 = arith.cmpi eq, %iota3A, %eq3A_1201 : vector<16xi32>
        %select_n3A_1203 = arith.select %eq3A_1202, %gather3A_1199, %select_n3A_1166 : vector<16xi1>, vector<16xf32>
        %add3A_1204 = arith.constant 0 : i32
        %add3A_1205 = vector.broadcast %add3A_1204 : i32 to vector<16xi32>
        %add3A_1206 = arith.addi %iota3A, %add3A_1205 : vector<16xi32>
        %gather3A_1207 = tpu.vector_load_idx %arg16[%add3A_493, %add3A_1206] : memref<128x65xf32, #tpu.memory_space<vmem>>[vector<16xi32>, vector<16xi32>], vector<16xf32>,
        %swap3A_1208 = arith.constant 14 : i32
        %swap3A_1209 = arith.index_cast %swap3A_1208 : i32 to index
        %swap3A_1210 = arith.constant 0 : index
        %swap3A_1211 = tpu.vector_load %arg17[%swap3A_1209, %swap3A_1210] {strides = array<i32>} : memref<16x64xf32, #tpu.memory_space<vmem>>, vector<16xf32>,
        tpu.vector_store %arg17[%swap3A_1209, %swap3A_1210], %gather3A_1207 {strides = array<i32>} : memref<16x64xf32, #tpu.memory_space<vmem>>, vector<16xf32>,
        %add3A_1212 = arith.constant 16 : i32
        %add3A_1213 = vector.broadcast %add3A_1212 : i32 to vector<16xi32>
        %add3A_1214 = arith.addi %iota3A, %add3A_1213 : vector<16xi32>
        %gather3A_1215 = tpu.vector_load_idx %arg16[%add3A_493, %add3A_1214] : memref<128x65xf32, #tpu.memory_space<vmem>>[vector<16xi32>, vector<16xi32>], vector<16xf32>,
        %swap3A_1216 = arith.constant 14 : i32
        %swap3A_1217 = arith.index_cast %swap3A_1216 : i32 to index
        %swap3A_1218 = arith.constant 16 : index
        %swap3A_1219 = tpu.vector_load %arg17[%swap3A_1217, %swap3A_1218] {strides = array<i32>} : memref<16x64xf32, #tpu.memory_space<vmem>>, vector<16xf32>,
        tpu.vector_store %arg17[%swap3A_1217, %swap3A_1218], %gather3A_1215 {strides = array<i32>} : memref<16x64xf32, #tpu.memory_space<vmem>>, vector<16xf32>,
        %add3A_1220 = arith.constant 32 : i32
        %add3A_1221 = vector.broadcast %add3A_1220 : i32 to vector<16xi32>
        %add3A_1222 = arith.addi %iota3A, %add3A_1221 : vector<16xi32>
        %gather3A_1223 = tpu.vector_load_idx %arg16[%add3A_493, %add3A_1222] : memref<128x65xf32, #tpu.memory_space<vmem>>[vector<16xi32>, vector<16xi32>], vector<16xf32>,
        %swap3A_1224 = arith.constant 14 : i32
        %swap3A_1225 = arith.index_cast %swap3A_1224 : i32 to index
        %swap3A_1226 = arith.constant 32 : index
        %swap3A_1227 = tpu.vector_load %arg17[%swap3A_1225, %swap3A_1226] {strides = array<i32>} : memref<16x64xf32, #tpu.memory_space<vmem>>, vector<16xf32>,
        tpu.vector_store %arg17[%swap3A_1225, %swap3A_1226], %gather3A_1223 {strides = array<i32>} : memref<16x64xf32, #tpu.memory_space<vmem>>, vector<16xf32>,
        %add3A_1228 = arith.constant 48 : i32
        %add3A_1229 = vector.broadcast %add3A_1228 : i32 to vector<16xi32>
        %add3A_1230 = arith.addi %iota3A, %add3A_1229 : vector<16xi32>
        %gather3A_1231 = tpu.vector_load_idx %arg16[%add3A_493, %add3A_1230] : memref<128x65xf32, #tpu.memory_space<vmem>>[vector<16xi32>, vector<16xi32>], vector<16xf32>,
        %swap3A_1232 = arith.constant 14 : i32
        %swap3A_1233 = arith.index_cast %swap3A_1232 : i32 to index
        %swap3A_1234 = arith.constant 48 : index
        %swap3A_1235 = tpu.vector_load %arg17[%swap3A_1233, %swap3A_1234] {strides = array<i32>} : memref<16x64xf32, #tpu.memory_space<vmem>>, vector<16xf32>,
        tpu.vector_store %arg17[%swap3A_1233, %swap3A_1234], %gather3A_1231 {strides = array<i32>} : memref<16x64xf32, #tpu.memory_space<vmem>>, vector<16xf32>,
        %gather3A_1236 = tpu.vector_load_idx %arg16[%add3A_493, %broadcast_in_dim3A_0] : memref<128x65xf32, #tpu.memory_space<vmem>>[vector<16xi32>, vector<16xi32>], vector<16xf32>,
        %eq3A_1237 = arith.constant 14 : i32
        %eq3A_1238 = vector.broadcast %eq3A_1237 : i32 to vector<16xi32>
        %eq3A_1239 = arith.cmpi eq, %iota3A, %eq3A_1238 : vector<16xi32>
        %select_n3A_1240 = arith.select %eq3A_1239, %gather3A_1236, %select_n3A_1203 : vector<16xi1>, vector<16xf32>
        %add3A_1241 = arith.constant 0 : i32
        %add3A_1242 = vector.broadcast %add3A_1241 : i32 to vector<16xi32>
        %add3A_1243 = arith.addi %iota3A, %add3A_1242 : vector<16xi32>
        %gather3A_1244 = tpu.vector_load_idx %arg16[%add3A_525, %add3A_1243] : memref<128x65xf32, #tpu.memory_space<vmem>>[vector<16xi32>, vector<16xi32>], vector<16xf32>,
        %swap3A_1245 = arith.constant 15 : i32
        %swap3A_1246 = arith.index_cast %swap3A_1245 : i32 to index
        %swap3A_1247 = arith.constant 0 : index
        %swap3A_1248 = tpu.vector_load %arg17[%swap3A_1246, %swap3A_1247] {strides = array<i32>} : memref<16x64xf32, #tpu.memory_space<vmem>>, vector<16xf32>,
        tpu.vector_store %arg17[%swap3A_1246, %swap3A_1247], %gather3A_1244 {strides = array<i32>} : memref<16x64xf32, #tpu.memory_space<vmem>>, vector<16xf32>,
        %add3A_1249 = arith.constant 16 : i32
        %add3A_1250 = vector.broadcast %add3A_1249 : i32 to vector<16xi32>
        %add3A_1251 = arith.addi %iota3A, %add3A_1250 : vector<16xi32>
        %gather3A_1252 = tpu.vector_load_idx %arg16[%add3A_525, %add3A_1251] : memref<128x65xf32, #tpu.memory_space<vmem>>[vector<16xi32>, vector<16xi32>], vector<16xf32>,
        %swap3A_1253 = arith.constant 15 : i32
        %swap3A_1254 = arith.index_cast %swap3A_1253 : i32 to index
        %swap3A_1255 = arith.constant 16 : index
        %swap3A_1256 = tpu.vector_load %arg17[%swap3A_1254, %swap3A_1255] {strides = array<i32>} : memref<16x64xf32, #tpu.memory_space<vmem>>, vector<16xf32>,
        tpu.vector_store %arg17[%swap3A_1254, %swap3A_1255], %gather3A_1252 {strides = array<i32>} : memref<16x64xf32, #tpu.memory_space<vmem>>, vector<16xf32>,
        %add3A_1257 = arith.constant 32 : i32
        %add3A_1258 = vector.broadcast %add3A_1257 : i32 to vector<16xi32>
        %add3A_1259 = arith.addi %iota3A, %add3A_1258 : vector<16xi32>
        %gather3A_1260 = tpu.vector_load_idx %arg16[%add3A_525, %add3A_1259] : memref<128x65xf32, #tpu.memory_space<vmem>>[vector<16xi32>, vector<16xi32>], vector<16xf32>,
        %swap3A_1261 = arith.constant 15 : i32
        %swap3A_1262 = arith.index_cast %swap3A_1261 : i32 to index
        %swap3A_1263 = arith.constant 32 : index
        %swap3A_1264 = tpu.vector_load %arg17[%swap3A_1262, %swap3A_1263] {strides = array<i32>} : memref<16x64xf32, #tpu.memory_space<vmem>>, vector<16xf32>,
        tpu.vector_store %arg17[%swap3A_1262, %swap3A_1263], %gather3A_1260 {strides = array<i32>} : memref<16x64xf32, #tpu.memory_space<vmem>>, vector<16xf32>,
        %add3A_1265 = arith.constant 48 : i32
        %add3A_1266 = vector.broadcast %add3A_1265 : i32 to vector<16xi32>
        %add3A_1267 = arith.addi %iota3A, %add3A_1266 : vector<16xi32>
        %gather3A_1268 = tpu.vector_load_idx %arg16[%add3A_525, %add3A_1267] : memref<128x65xf32, #tpu.memory_space<vmem>>[vector<16xi32>, vector<16xi32>], vector<16xf32>,
        %swap3A_1269 = arith.constant 15 : i32
        %swap3A_1270 = arith.index_cast %swap3A_1269 : i32 to index
        %swap3A_1271 = arith.constant 48 : index
        %swap3A_1272 = tpu.vector_load %arg17[%swap3A_1270, %swap3A_1271] {strides = array<i32>} : memref<16x64xf32, #tpu.memory_space<vmem>>, vector<16xf32>,
        tpu.vector_store %arg17[%swap3A_1270, %swap3A_1271], %gather3A_1268 {strides = array<i32>} : memref<16x64xf32, #tpu.memory_space<vmem>>, vector<16xf32>,
        %gather3A_1273 = tpu.vector_load_idx %arg16[%add3A_525, %broadcast_in_dim3A_0] : memref<128x65xf32, #tpu.memory_space<vmem>>[vector<16xi32>, vector<16xi32>], vector<16xf32>,
        %eq3A_1274 = arith.constant 15 : i32
        %eq3A_1275 = vector.broadcast %eq3A_1274 : i32 to vector<16xi32>
        %eq3A_1276 = arith.cmpi eq, %iota3A, %eq3A_1275 : vector<16xi32>
        %select_n3A_1277 = arith.select %eq3A_1276, %gather3A_1273, %select_n3A_1240 : vector<16xi1>, vector<16xf32>
        %swap3A_1278 = arith.constant 0 : index
        %swap3A_1279 = tpu.vector_load %arg20[%swap3A_1278] {strides = array<i32>} : memref<16xf32, #tpu.memory_space<vmem>>, vector<16xf32>,
        tpu.vector_store %arg20[%swap3A_1278], %select_n3A_1277 {strides = array<i32>} : memref<16xf32, #tpu.memory_space<vmem>>, vector<16xf32>,
        "tpu.region"() ({
          %run_scoped3A = tpu.sem_alloc : memref<!tpu.dma_semaphore, #tpu.memory_space<semaphore_mem>>
          %dma_start3A_1945 = arith.constant 0 : i32
          %dma_start3A_1946 = tpu.memref_slice %arg10[%multiple_of3A, %dma_start3A_1945] : memref<200x64xf32, #tpu.memory_space<hbm>> -> memref<16x64xf32, #tpu.memory_space<hbm>>
          %dma_start3A_1947 = arith.constant 0 : i32
          %dma_start3A_1948 = tpu.memref_slice %arg10[%multiple_of3A, %dma_start3A_1947] : memref<200x64xf32, #tpu.memory_space<hbm>> -> memref<16x64xf32, #tpu.memory_space<hbm>>
          tpu.enqueue_dma source(%arg17 : memref<16x64xf32, #tpu.memory_space<vmem>>) target(%dma_start3A_1948 : memref<16x64xf32, #tpu.memory_space<hbm>>) target_semaphore(%run_scoped3A : memref<!tpu.dma_semaphore, #tpu.memory_space<semaphore_mem>>)
          %dma_wait3A_1949 = arith.constant 0 : i32
          %dma_wait3A_1950 = tpu.memref_slice %arg10[%multiple_of3A, %dma_wait3A_1949] : memref<200x64xf32, #tpu.memory_space<hbm>> -> memref<16x64xf32, #tpu.memory_space<hbm>>
          %dma_wait3A_1951 = arith.constant 0 : i32
          %dma_wait3A_1952 = tpu.memref_slice %arg10[%multiple_of3A, %dma_wait3A_1951] : memref<200x64xf32, #tpu.memory_space<hbm>> -> memref<16x64xf32, #tpu.memory_space<hbm>>
          tpu.wait_dma2 semaphore(%run_scoped3A : memref<!tpu.dma_semaphore, #tpu.memory_space<semaphore_mem>>) src(%arg17 : memref<16x64xf32, #tpu.memory_space<vmem>>) dst(%dma_wait3A_1952 : memref<16x64xf32, #tpu.memory_space<hbm>>)
          tpu.yield
        }) : () -> ()
        "tpu.region"() ({
          %run_scoped3A = tpu.sem_alloc : memref<!tpu.dma_semaphore, #tpu.memory_space<semaphore_mem>>
          %dma_start3A_1945 = tpu.memref_slice %arg9[%multiple_of3A] : memref<200xf32, #tpu.memory_space<hbm>> -> memref<16xf32, #tpu.memory_space<hbm>>
          %dma_start3A_1946 = tpu.memref_slice %arg9[%multiple_of3A] : memref<200xf32, #tpu.memory_space<hbm>> -> memref<16xf32, #tpu.memory_space<hbm>>
          tpu.enqueue_dma source(%arg20 : memref<16xf32, #tpu.memory_space<vmem>>) target(%dma_start3A_1946 : memref<16xf32, #tpu.memory_space<hbm>>) target_semaphore(%run_scoped3A : memref<!tpu.dma_semaphore, #tpu.memory_space<semaphore_mem>>)
          %dma_wait3A_1947 = tpu.memref_slice %arg9[%multiple_of3A] : memref<200xf32, #tpu.memory_space<hbm>> -> memref<16xf32, #tpu.memory_space<hbm>>
          %dma_wait3A_1948 = tpu.memref_slice %arg9[%multiple_of3A] : memref<200xf32, #tpu.memory_space<hbm>> -> memref<16xf32, #tpu.memory_space<hbm>>
          tpu.wait_dma2 semaphore(%run_scoped3A : memref<!tpu.dma_semaphore, #tpu.memory_space<semaphore_mem>>) src(%arg20 : memref<16xf32, #tpu.memory_space<vmem>>) dst(%dma_wait3A_1948 : memref<16xf32, #tpu.memory_space<hbm>>)
          tpu.yield
        }) : () -> ()
        %mul3A_1280 = arith.constant 16 : i32
        %mul3A_1281 = arith.muli %arg1, %mul3A_1280 : i32
        %sub3A_1282 = arith.subi %mul3A_1281, %multiple_of3A : i32
        %broadcast_in_dim3A_1283 = arith.constant 0.000000e+00 : f32
        %broadcast_in_dim3A_1284 = vector.broadcast %broadcast_in_dim3A_1283 : f32 to vector<16xf32>
        %get3A = arith.constant 0 : i32
        %get3A_1285 = arith.index_cast %get3A : i32 to index
        %get3A_1286 = arith.constant 0 : index
        %get3A_1287 = tpu.vector_load %arg17[%get3A_1285, %get3A_1286] {strides = array<i32>} : memref<16x64xf32, #tpu.memory_space<vmem>>, vector<16xf32>,
        %le3A = arith.constant 0 : i32
        %le3A_1288 = arith.cmpi sle, %sub3A_1282, %le3A : i32
        %jit3A_1289 = arith.constant 0.000000e+00 : f32
        %broadcast_in_dim3A_1290 = vector.broadcast %jit3A_1289 : f32 to vector<16xf32>
        %select_n3A_1291 = arith.select %le3A_1288, %get3A_1287, %broadcast_in_dim3A_1290 : vector<16xf32>
        %add3A_1292 = arith.addf %broadcast_in_dim3A_1284, %select_n3A_1291 : vector<16xf32>
        %get3A_1293 = arith.constant 1 : i32
        %get3A_1294 = arith.index_cast %get3A_1293 : i32 to index
        %get3A_1295 = arith.constant 0 : index
        %get3A_1296 = tpu.vector_load %arg17[%get3A_1294, %get3A_1295] {strides = array<i32>} : memref<16x64xf32, #tpu.memory_space<vmem>>, vector<16xf32>,
        %le3A_1297 = arith.constant 1 : i32
        %le3A_1298 = arith.cmpi sle, %sub3A_1282, %le3A_1297 : i32
        %jit3A_1299 = arith.constant 0.000000e+00 : f32
        %broadcast_in_dim3A_1300 = vector.broadcast %jit3A_1299 : f32 to vector<16xf32>
        %select_n3A_1301 = arith.select %le3A_1298, %get3A_1296, %broadcast_in_dim3A_1300 : vector<16xf32>
        %add3A_1302 = arith.addf %add3A_1292, %select_n3A_1301 : vector<16xf32>
        %get3A_1303 = arith.constant 2 : i32
        %get3A_1304 = arith.index_cast %get3A_1303 : i32 to index
        %get3A_1305 = arith.constant 0 : index
        %get3A_1306 = tpu.vector_load %arg17[%get3A_1304, %get3A_1305] {strides = array<i32>} : memref<16x64xf32, #tpu.memory_space<vmem>>, vector<16xf32>,
        %le3A_1307 = arith.constant 2 : i32
        %le3A_1308 = arith.cmpi sle, %sub3A_1282, %le3A_1307 : i32
        %jit3A_1309 = arith.constant 0.000000e+00 : f32
        %broadcast_in_dim3A_1310 = vector.broadcast %jit3A_1309 : f32 to vector<16xf32>
        %select_n3A_1311 = arith.select %le3A_1308, %get3A_1306, %broadcast_in_dim3A_1310 : vector<16xf32>
        %add3A_1312 = arith.addf %add3A_1302, %select_n3A_1311 : vector<16xf32>
        %get3A_1313 = arith.constant 3 : i32
        %get3A_1314 = arith.index_cast %get3A_1313 : i32 to index
        %get3A_1315 = arith.constant 0 : index
        %get3A_1316 = tpu.vector_load %arg17[%get3A_1314, %get3A_1315] {strides = array<i32>} : memref<16x64xf32, #tpu.memory_space<vmem>>, vector<16xf32>,
        %le3A_1317 = arith.constant 3 : i32
        %le3A_1318 = arith.cmpi sle, %sub3A_1282, %le3A_1317 : i32
        %jit3A_1319 = arith.constant 0.000000e+00 : f32
        %broadcast_in_dim3A_1320 = vector.broadcast %jit3A_1319 : f32 to vector<16xf32>
        %select_n3A_1321 = arith.select %le3A_1318, %get3A_1316, %broadcast_in_dim3A_1320 : vector<16xf32>
        %add3A_1322 = arith.addf %add3A_1312, %select_n3A_1321 : vector<16xf32>
        %get3A_1323 = arith.constant 4 : i32
        %get3A_1324 = arith.index_cast %get3A_1323 : i32 to index
        %get3A_1325 = arith.constant 0 : index
        %get3A_1326 = tpu.vector_load %arg17[%get3A_1324, %get3A_1325] {strides = array<i32>} : memref<16x64xf32, #tpu.memory_space<vmem>>, vector<16xf32>,
        %le3A_1327 = arith.constant 4 : i32
        %le3A_1328 = arith.cmpi sle, %sub3A_1282, %le3A_1327 : i32
        %jit3A_1329 = arith.constant 0.000000e+00 : f32
        %broadcast_in_dim3A_1330 = vector.broadcast %jit3A_1329 : f32 to vector<16xf32>
        %select_n3A_1331 = arith.select %le3A_1328, %get3A_1326, %broadcast_in_dim3A_1330 : vector<16xf32>
        %add3A_1332 = arith.addf %add3A_1322, %select_n3A_1331 : vector<16xf32>
        %get3A_1333 = arith.constant 5 : i32
        %get3A_1334 = arith.index_cast %get3A_1333 : i32 to index
        %get3A_1335 = arith.constant 0 : index
        %get3A_1336 = tpu.vector_load %arg17[%get3A_1334, %get3A_1335] {strides = array<i32>} : memref<16x64xf32, #tpu.memory_space<vmem>>, vector<16xf32>,
        %le3A_1337 = arith.constant 5 : i32
        %le3A_1338 = arith.cmpi sle, %sub3A_1282, %le3A_1337 : i32
        %jit3A_1339 = arith.constant 0.000000e+00 : f32
        %broadcast_in_dim3A_1340 = vector.broadcast %jit3A_1339 : f32 to vector<16xf32>
        %select_n3A_1341 = arith.select %le3A_1338, %get3A_1336, %broadcast_in_dim3A_1340 : vector<16xf32>
        %add3A_1342 = arith.addf %add3A_1332, %select_n3A_1341 : vector<16xf32>
        %get3A_1343 = arith.constant 6 : i32
        %get3A_1344 = arith.index_cast %get3A_1343 : i32 to index
        %get3A_1345 = arith.constant 0 : index
        %get3A_1346 = tpu.vector_load %arg17[%get3A_1344, %get3A_1345] {strides = array<i32>} : memref<16x64xf32, #tpu.memory_space<vmem>>, vector<16xf32>,
        %le3A_1347 = arith.constant 6 : i32
        %le3A_1348 = arith.cmpi sle, %sub3A_1282, %le3A_1347 : i32
        %jit3A_1349 = arith.constant 0.000000e+00 : f32
        %broadcast_in_dim3A_1350 = vector.broadcast %jit3A_1349 : f32 to vector<16xf32>
        %select_n3A_1351 = arith.select %le3A_1348, %get3A_1346, %broadcast_in_dim3A_1350 : vector<16xf32>
        %add3A_1352 = arith.addf %add3A_1342, %select_n3A_1351 : vector<16xf32>
        %get3A_1353 = arith.constant 7 : i32
        %get3A_1354 = arith.index_cast %get3A_1353 : i32 to index
        %get3A_1355 = arith.constant 0 : index
        %get3A_1356 = tpu.vector_load %arg17[%get3A_1354, %get3A_1355] {strides = array<i32>} : memref<16x64xf32, #tpu.memory_space<vmem>>, vector<16xf32>,
        %le3A_1357 = arith.constant 7 : i32
        %le3A_1358 = arith.cmpi sle, %sub3A_1282, %le3A_1357 : i32
        %jit3A_1359 = arith.constant 0.000000e+00 : f32
        %broadcast_in_dim3A_1360 = vector.broadcast %jit3A_1359 : f32 to vector<16xf32>
        %select_n3A_1361 = arith.select %le3A_1358, %get3A_1356, %broadcast_in_dim3A_1360 : vector<16xf32>
        %add3A_1362 = arith.addf %add3A_1352, %select_n3A_1361 : vector<16xf32>
        %get3A_1363 = arith.constant 8 : i32
        %get3A_1364 = arith.index_cast %get3A_1363 : i32 to index
        %get3A_1365 = arith.constant 0 : index
        %get3A_1366 = tpu.vector_load %arg17[%get3A_1364, %get3A_1365] {strides = array<i32>} : memref<16x64xf32, #tpu.memory_space<vmem>>, vector<16xf32>,
        %le3A_1367 = arith.constant 8 : i32
        %le3A_1368 = arith.cmpi sle, %sub3A_1282, %le3A_1367 : i32
        %jit3A_1369 = arith.constant 0.000000e+00 : f32
        %broadcast_in_dim3A_1370 = vector.broadcast %jit3A_1369 : f32 to vector<16xf32>
        %select_n3A_1371 = arith.select %le3A_1368, %get3A_1366, %broadcast_in_dim3A_1370 : vector<16xf32>
        %add3A_1372 = arith.addf %add3A_1362, %select_n3A_1371 : vector<16xf32>
        %get3A_1373 = arith.constant 9 : i32
        %get3A_1374 = arith.index_cast %get3A_1373 : i32 to index
        %get3A_1375 = arith.constant 0 : index
        %get3A_1376 = tpu.vector_load %arg17[%get3A_1374, %get3A_1375] {strides = array<i32>} : memref<16x64xf32, #tpu.memory_space<vmem>>, vector<16xf32>,
        %le3A_1377 = arith.constant 9 : i32
        %le3A_1378 = arith.cmpi sle, %sub3A_1282, %le3A_1377 : i32
        %jit3A_1379 = arith.constant 0.000000e+00 : f32
        %broadcast_in_dim3A_1380 = vector.broadcast %jit3A_1379 : f32 to vector<16xf32>
        %select_n3A_1381 = arith.select %le3A_1378, %get3A_1376, %broadcast_in_dim3A_1380 : vector<16xf32>
        %add3A_1382 = arith.addf %add3A_1372, %select_n3A_1381 : vector<16xf32>
        %get3A_1383 = arith.constant 10 : i32
        %get3A_1384 = arith.index_cast %get3A_1383 : i32 to index
        %get3A_1385 = arith.constant 0 : index
        %get3A_1386 = tpu.vector_load %arg17[%get3A_1384, %get3A_1385] {strides = array<i32>} : memref<16x64xf32, #tpu.memory_space<vmem>>, vector<16xf32>,
        %le3A_1387 = arith.constant 10 : i32
        %le3A_1388 = arith.cmpi sle, %sub3A_1282, %le3A_1387 : i32
        %jit3A_1389 = arith.constant 0.000000e+00 : f32
        %broadcast_in_dim3A_1390 = vector.broadcast %jit3A_1389 : f32 to vector<16xf32>
        %select_n3A_1391 = arith.select %le3A_1388, %get3A_1386, %broadcast_in_dim3A_1390 : vector<16xf32>
        %add3A_1392 = arith.addf %add3A_1382, %select_n3A_1391 : vector<16xf32>
        %get3A_1393 = arith.constant 11 : i32
        %get3A_1394 = arith.index_cast %get3A_1393 : i32 to index
        %get3A_1395 = arith.constant 0 : index
        %get3A_1396 = tpu.vector_load %arg17[%get3A_1394, %get3A_1395] {strides = array<i32>} : memref<16x64xf32, #tpu.memory_space<vmem>>, vector<16xf32>,
        %le3A_1397 = arith.constant 11 : i32
        %le3A_1398 = arith.cmpi sle, %sub3A_1282, %le3A_1397 : i32
        %jit3A_1399 = arith.constant 0.000000e+00 : f32
        %broadcast_in_dim3A_1400 = vector.broadcast %jit3A_1399 : f32 to vector<16xf32>
        %select_n3A_1401 = arith.select %le3A_1398, %get3A_1396, %broadcast_in_dim3A_1400 : vector<16xf32>
        %add3A_1402 = arith.addf %add3A_1392, %select_n3A_1401 : vector<16xf32>
        %get3A_1403 = arith.constant 12 : i32
        %get3A_1404 = arith.index_cast %get3A_1403 : i32 to index
        %get3A_1405 = arith.constant 0 : index
        %get3A_1406 = tpu.vector_load %arg17[%get3A_1404, %get3A_1405] {strides = array<i32>} : memref<16x64xf32, #tpu.memory_space<vmem>>, vector<16xf32>,
        %le3A_1407 = arith.constant 12 : i32
        %le3A_1408 = arith.cmpi sle, %sub3A_1282, %le3A_1407 : i32
        %jit3A_1409 = arith.constant 0.000000e+00 : f32
        %broadcast_in_dim3A_1410 = vector.broadcast %jit3A_1409 : f32 to vector<16xf32>
        %select_n3A_1411 = arith.select %le3A_1408, %get3A_1406, %broadcast_in_dim3A_1410 : vector<16xf32>
        %add3A_1412 = arith.addf %add3A_1402, %select_n3A_1411 : vector<16xf32>
        %get3A_1413 = arith.constant 13 : i32
        %get3A_1414 = arith.index_cast %get3A_1413 : i32 to index
        %get3A_1415 = arith.constant 0 : index
        %get3A_1416 = tpu.vector_load %arg17[%get3A_1414, %get3A_1415] {strides = array<i32>} : memref<16x64xf32, #tpu.memory_space<vmem>>, vector<16xf32>,
        %le3A_1417 = arith.constant 13 : i32
        %le3A_1418 = arith.cmpi sle, %sub3A_1282, %le3A_1417 : i32
        %jit3A_1419 = arith.constant 0.000000e+00 : f32
        %broadcast_in_dim3A_1420 = vector.broadcast %jit3A_1419 : f32 to vector<16xf32>
        %select_n3A_1421 = arith.select %le3A_1418, %get3A_1416, %broadcast_in_dim3A_1420 : vector<16xf32>
        %add3A_1422 = arith.addf %add3A_1412, %select_n3A_1421 : vector<16xf32>
        %get3A_1423 = arith.constant 14 : i32
        %get3A_1424 = arith.index_cast %get3A_1423 : i32 to index
        %get3A_1425 = arith.constant 0 : index
        %get3A_1426 = tpu.vector_load %arg17[%get3A_1424, %get3A_1425] {strides = array<i32>} : memref<16x64xf32, #tpu.memory_space<vmem>>, vector<16xf32>,
        %le3A_1427 = arith.constant 14 : i32
        %le3A_1428 = arith.cmpi sle, %sub3A_1282, %le3A_1427 : i32
        %jit3A_1429 = arith.constant 0.000000e+00 : f32
        %broadcast_in_dim3A_1430 = vector.broadcast %jit3A_1429 : f32 to vector<16xf32>
        %select_n3A_1431 = arith.select %le3A_1428, %get3A_1426, %broadcast_in_dim3A_1430 : vector<16xf32>
        %add3A_1432 = arith.addf %add3A_1422, %select_n3A_1431 : vector<16xf32>
        %get3A_1433 = arith.constant 15 : i32
        %get3A_1434 = arith.index_cast %get3A_1433 : i32 to index
        %get3A_1435 = arith.constant 0 : index
        %get3A_1436 = tpu.vector_load %arg17[%get3A_1434, %get3A_1435] {strides = array<i32>} : memref<16x64xf32, #tpu.memory_space<vmem>>, vector<16xf32>,
        %le3A_1437 = arith.constant 15 : i32
        %le3A_1438 = arith.cmpi sle, %sub3A_1282, %le3A_1437 : i32
        %jit3A_1439 = arith.constant 0.000000e+00 : f32
        %broadcast_in_dim3A_1440 = vector.broadcast %jit3A_1439 : f32 to vector<16xf32>
        %select_n3A_1441 = arith.select %le3A_1438, %get3A_1436, %broadcast_in_dim3A_1440 : vector<16xf32>
        %add3A_1442 = arith.addf %add3A_1432, %select_n3A_1441 : vector<16xf32>
        %swap3A_1443 = arith.constant 0 : i32
        %swap3A_1444 = arith.index_cast %swap3A_1443 : i32 to index
        %swap3A_1445 = arith.constant 0 : index
        %swap3A_1446 = tpu.vector_load %arg19[%swap3A_1444, %swap3A_1445] {strides = array<i32>} : memref<1x64xf32, #tpu.memory_space<vmem>>, vector<16xf32>,
        tpu.vector_store %arg19[%swap3A_1444, %swap3A_1445], %add3A_1442 {strides = array<i32>} : memref<1x64xf32, #tpu.memory_space<vmem>>, vector<16xf32>,
        %broadcast_in_dim3A_1447 = arith.constant 0.000000e+00 : f32
        %broadcast_in_dim3A_1448 = vector.broadcast %broadcast_in_dim3A_1447 : f32 to vector<16xf32>
        %get3A_1449 = arith.constant 0 : i32
        %get3A_1450 = arith.index_cast %get3A_1449 : i32 to index
        %get3A_1451 = arith.constant 16 : index
        %get3A_1452 = tpu.vector_load %arg17[%get3A_1450, %get3A_1451] {strides = array<i32>} : memref<16x64xf32, #tpu.memory_space<vmem>>, vector<16xf32>,
        %le3A_1453 = arith.constant 0 : i32
        %le3A_1454 = arith.cmpi sle, %sub3A_1282, %le3A_1453 : i32
        %jit3A_1455 = arith.constant 0.000000e+00 : f32
        %broadcast_in_dim3A_1456 = vector.broadcast %jit3A_1455 : f32 to vector<16xf32>
        %select_n3A_1457 = arith.select %le3A_1454, %get3A_1452, %broadcast_in_dim3A_1456 : vector<16xf32>
        %add3A_1458 = arith.addf %broadcast_in_dim3A_1448, %select_n3A_1457 : vector<16xf32>
        %get3A_1459 = arith.constant 1 : i32
        %get3A_1460 = arith.index_cast %get3A_1459 : i32 to index
        %get3A_1461 = arith.constant 16 : index
        %get3A_1462 = tpu.vector_load %arg17[%get3A_1460, %get3A_1461] {strides = array<i32>} : memref<16x64xf32, #tpu.memory_space<vmem>>, vector<16xf32>,
        %le3A_1463 = arith.constant 1 : i32
        %le3A_1464 = arith.cmpi sle, %sub3A_1282, %le3A_1463 : i32
        %jit3A_1465 = arith.constant 0.000000e+00 : f32
        %broadcast_in_dim3A_1466 = vector.broadcast %jit3A_1465 : f32 to vector<16xf32>
        %select_n3A_1467 = arith.select %le3A_1464, %get3A_1462, %broadcast_in_dim3A_1466 : vector<16xf32>
        %add3A_1468 = arith.addf %add3A_1458, %select_n3A_1467 : vector<16xf32>
        %get3A_1469 = arith.constant 2 : i32
        %get3A_1470 = arith.index_cast %get3A_1469 : i32 to index
        %get3A_1471 = arith.constant 16 : index
        %get3A_1472 = tpu.vector_load %arg17[%get3A_1470, %get3A_1471] {strides = array<i32>} : memref<16x64xf32, #tpu.memory_space<vmem>>, vector<16xf32>,
        %le3A_1473 = arith.constant 2 : i32
        %le3A_1474 = arith.cmpi sle, %sub3A_1282, %le3A_1473 : i32
        %jit3A_1475 = arith.constant 0.000000e+00 : f32
        %broadcast_in_dim3A_1476 = vector.broadcast %jit3A_1475 : f32 to vector<16xf32>
        %select_n3A_1477 = arith.select %le3A_1474, %get3A_1472, %broadcast_in_dim3A_1476 : vector<16xf32>
        %add3A_1478 = arith.addf %add3A_1468, %select_n3A_1477 : vector<16xf32>
        %get3A_1479 = arith.constant 3 : i32
        %get3A_1480 = arith.index_cast %get3A_1479 : i32 to index
        %get3A_1481 = arith.constant 16 : index
        %get3A_1482 = tpu.vector_load %arg17[%get3A_1480, %get3A_1481] {strides = array<i32>} : memref<16x64xf32, #tpu.memory_space<vmem>>, vector<16xf32>,
        %le3A_1483 = arith.constant 3 : i32
        %le3A_1484 = arith.cmpi sle, %sub3A_1282, %le3A_1483 : i32
        %jit3A_1485 = arith.constant 0.000000e+00 : f32
        %broadcast_in_dim3A_1486 = vector.broadcast %jit3A_1485 : f32 to vector<16xf32>
        %select_n3A_1487 = arith.select %le3A_1484, %get3A_1482, %broadcast_in_dim3A_1486 : vector<16xf32>
        %add3A_1488 = arith.addf %add3A_1478, %select_n3A_1487 : vector<16xf32>
        %get3A_1489 = arith.constant 4 : i32
        %get3A_1490 = arith.index_cast %get3A_1489 : i32 to index
        %get3A_1491 = arith.constant 16 : index
        %get3A_1492 = tpu.vector_load %arg17[%get3A_1490, %get3A_1491] {strides = array<i32>} : memref<16x64xf32, #tpu.memory_space<vmem>>, vector<16xf32>,
        %le3A_1493 = arith.constant 4 : i32
        %le3A_1494 = arith.cmpi sle, %sub3A_1282, %le3A_1493 : i32
        %jit3A_1495 = arith.constant 0.000000e+00 : f32
        %broadcast_in_dim3A_1496 = vector.broadcast %jit3A_1495 : f32 to vector<16xf32>
        %select_n3A_1497 = arith.select %le3A_1494, %get3A_1492, %broadcast_in_dim3A_1496 : vector<16xf32>
        %add3A_1498 = arith.addf %add3A_1488, %select_n3A_1497 : vector<16xf32>
        %get3A_1499 = arith.constant 5 : i32
        %get3A_1500 = arith.index_cast %get3A_1499 : i32 to index
        %get3A_1501 = arith.constant 16 : index
        %get3A_1502 = tpu.vector_load %arg17[%get3A_1500, %get3A_1501] {strides = array<i32>} : memref<16x64xf32, #tpu.memory_space<vmem>>, vector<16xf32>,
        %le3A_1503 = arith.constant 5 : i32
        %le3A_1504 = arith.cmpi sle, %sub3A_1282, %le3A_1503 : i32
        %jit3A_1505 = arith.constant 0.000000e+00 : f32
        %broadcast_in_dim3A_1506 = vector.broadcast %jit3A_1505 : f32 to vector<16xf32>
        %select_n3A_1507 = arith.select %le3A_1504, %get3A_1502, %broadcast_in_dim3A_1506 : vector<16xf32>
        %add3A_1508 = arith.addf %add3A_1498, %select_n3A_1507 : vector<16xf32>
        %get3A_1509 = arith.constant 6 : i32
        %get3A_1510 = arith.index_cast %get3A_1509 : i32 to index
        %get3A_1511 = arith.constant 16 : index
        %get3A_1512 = tpu.vector_load %arg17[%get3A_1510, %get3A_1511] {strides = array<i32>} : memref<16x64xf32, #tpu.memory_space<vmem>>, vector<16xf32>,
        %le3A_1513 = arith.constant 6 : i32
        %le3A_1514 = arith.cmpi sle, %sub3A_1282, %le3A_1513 : i32
        %jit3A_1515 = arith.constant 0.000000e+00 : f32
        %broadcast_in_dim3A_1516 = vector.broadcast %jit3A_1515 : f32 to vector<16xf32>
        %select_n3A_1517 = arith.select %le3A_1514, %get3A_1512, %broadcast_in_dim3A_1516 : vector<16xf32>
        %add3A_1518 = arith.addf %add3A_1508, %select_n3A_1517 : vector<16xf32>
        %get3A_1519 = arith.constant 7 : i32
        %get3A_1520 = arith.index_cast %get3A_1519 : i32 to index
        %get3A_1521 = arith.constant 16 : index
        %get3A_1522 = tpu.vector_load %arg17[%get3A_1520, %get3A_1521] {strides = array<i32>} : memref<16x64xf32, #tpu.memory_space<vmem>>, vector<16xf32>,
        %le3A_1523 = arith.constant 7 : i32
        %le3A_1524 = arith.cmpi sle, %sub3A_1282, %le3A_1523 : i32
        %jit3A_1525 = arith.constant 0.000000e+00 : f32
        %broadcast_in_dim3A_1526 = vector.broadcast %jit3A_1525 : f32 to vector<16xf32>
        %select_n3A_1527 = arith.select %le3A_1524, %get3A_1522, %broadcast_in_dim3A_1526 : vector<16xf32>
        %add3A_1528 = arith.addf %add3A_1518, %select_n3A_1527 : vector<16xf32>
        %get3A_1529 = arith.constant 8 : i32
        %get3A_1530 = arith.index_cast %get3A_1529 : i32 to index
        %get3A_1531 = arith.constant 16 : index
        %get3A_1532 = tpu.vector_load %arg17[%get3A_1530, %get3A_1531] {strides = array<i32>} : memref<16x64xf32, #tpu.memory_space<vmem>>, vector<16xf32>,
        %le3A_1533 = arith.constant 8 : i32
        %le3A_1534 = arith.cmpi sle, %sub3A_1282, %le3A_1533 : i32
        %jit3A_1535 = arith.constant 0.000000e+00 : f32
        %broadcast_in_dim3A_1536 = vector.broadcast %jit3A_1535 : f32 to vector<16xf32>
        %select_n3A_1537 = arith.select %le3A_1534, %get3A_1532, %broadcast_in_dim3A_1536 : vector<16xf32>
        %add3A_1538 = arith.addf %add3A_1528, %select_n3A_1537 : vector<16xf32>
        %get3A_1539 = arith.constant 9 : i32
        %get3A_1540 = arith.index_cast %get3A_1539 : i32 to index
        %get3A_1541 = arith.constant 16 : index
        %get3A_1542 = tpu.vector_load %arg17[%get3A_1540, %get3A_1541] {strides = array<i32>} : memref<16x64xf32, #tpu.memory_space<vmem>>, vector<16xf32>,
        %le3A_1543 = arith.constant 9 : i32
        %le3A_1544 = arith.cmpi sle, %sub3A_1282, %le3A_1543 : i32
        %jit3A_1545 = arith.constant 0.000000e+00 : f32
        %broadcast_in_dim3A_1546 = vector.broadcast %jit3A_1545 : f32 to vector<16xf32>
        %select_n3A_1547 = arith.select %le3A_1544, %get3A_1542, %broadcast_in_dim3A_1546 : vector<16xf32>
        %add3A_1548 = arith.addf %add3A_1538, %select_n3A_1547 : vector<16xf32>
        %get3A_1549 = arith.constant 10 : i32
        %get3A_1550 = arith.index_cast %get3A_1549 : i32 to index
        %get3A_1551 = arith.constant 16 : index
        %get3A_1552 = tpu.vector_load %arg17[%get3A_1550, %get3A_1551] {strides = array<i32>} : memref<16x64xf32, #tpu.memory_space<vmem>>, vector<16xf32>,
        %le3A_1553 = arith.constant 10 : i32
        %le3A_1554 = arith.cmpi sle, %sub3A_1282, %le3A_1553 : i32
        %jit3A_1555 = arith.constant 0.000000e+00 : f32
        %broadcast_in_dim3A_1556 = vector.broadcast %jit3A_1555 : f32 to vector<16xf32>
        %select_n3A_1557 = arith.select %le3A_1554, %get3A_1552, %broadcast_in_dim3A_1556 : vector<16xf32>
        %add3A_1558 = arith.addf %add3A_1548, %select_n3A_1557 : vector<16xf32>
        %get3A_1559 = arith.constant 11 : i32
        %get3A_1560 = arith.index_cast %get3A_1559 : i32 to index
        %get3A_1561 = arith.constant 16 : index
        %get3A_1562 = tpu.vector_load %arg17[%get3A_1560, %get3A_1561] {strides = array<i32>} : memref<16x64xf32, #tpu.memory_space<vmem>>, vector<16xf32>,
        %le3A_1563 = arith.constant 11 : i32
        %le3A_1564 = arith.cmpi sle, %sub3A_1282, %le3A_1563 : i32
        %jit3A_1565 = arith.constant 0.000000e+00 : f32
        %broadcast_in_dim3A_1566 = vector.broadcast %jit3A_1565 : f32 to vector<16xf32>
        %select_n3A_1567 = arith.select %le3A_1564, %get3A_1562, %broadcast_in_dim3A_1566 : vector<16xf32>
        %add3A_1568 = arith.addf %add3A_1558, %select_n3A_1567 : vector<16xf32>
        %get3A_1569 = arith.constant 12 : i32
        %get3A_1570 = arith.index_cast %get3A_1569 : i32 to index
        %get3A_1571 = arith.constant 16 : index
        %get3A_1572 = tpu.vector_load %arg17[%get3A_1570, %get3A_1571] {strides = array<i32>} : memref<16x64xf32, #tpu.memory_space<vmem>>, vector<16xf32>,
        %le3A_1573 = arith.constant 12 : i32
        %le3A_1574 = arith.cmpi sle, %sub3A_1282, %le3A_1573 : i32
        %jit3A_1575 = arith.constant 0.000000e+00 : f32
        %broadcast_in_dim3A_1576 = vector.broadcast %jit3A_1575 : f32 to vector<16xf32>
        %select_n3A_1577 = arith.select %le3A_1574, %get3A_1572, %broadcast_in_dim3A_1576 : vector<16xf32>
        %add3A_1578 = arith.addf %add3A_1568, %select_n3A_1577 : vector<16xf32>
        %get3A_1579 = arith.constant 13 : i32
        %get3A_1580 = arith.index_cast %get3A_1579 : i32 to index
        %get3A_1581 = arith.constant 16 : index
        %get3A_1582 = tpu.vector_load %arg17[%get3A_1580, %get3A_1581] {strides = array<i32>} : memref<16x64xf32, #tpu.memory_space<vmem>>, vector<16xf32>,
        %le3A_1583 = arith.constant 13 : i32
        %le3A_1584 = arith.cmpi sle, %sub3A_1282, %le3A_1583 : i32
        %jit3A_1585 = arith.constant 0.000000e+00 : f32
        %broadcast_in_dim3A_1586 = vector.broadcast %jit3A_1585 : f32 to vector<16xf32>
        %select_n3A_1587 = arith.select %le3A_1584, %get3A_1582, %broadcast_in_dim3A_1586 : vector<16xf32>
        %add3A_1588 = arith.addf %add3A_1578, %select_n3A_1587 : vector<16xf32>
        %get3A_1589 = arith.constant 14 : i32
        %get3A_1590 = arith.index_cast %get3A_1589 : i32 to index
        %get3A_1591 = arith.constant 16 : index
        %get3A_1592 = tpu.vector_load %arg17[%get3A_1590, %get3A_1591] {strides = array<i32>} : memref<16x64xf32, #tpu.memory_space<vmem>>, vector<16xf32>,
        %le3A_1593 = arith.constant 14 : i32
        %le3A_1594 = arith.cmpi sle, %sub3A_1282, %le3A_1593 : i32
        %jit3A_1595 = arith.constant 0.000000e+00 : f32
        %broadcast_in_dim3A_1596 = vector.broadcast %jit3A_1595 : f32 to vector<16xf32>
        %select_n3A_1597 = arith.select %le3A_1594, %get3A_1592, %broadcast_in_dim3A_1596 : vector<16xf32>
        %add3A_1598 = arith.addf %add3A_1588, %select_n3A_1597 : vector<16xf32>
        %get3A_1599 = arith.constant 15 : i32
        %get3A_1600 = arith.index_cast %get3A_1599 : i32 to index
        %get3A_1601 = arith.constant 16 : index
        %get3A_1602 = tpu.vector_load %arg17[%get3A_1600, %get3A_1601] {strides = array<i32>} : memref<16x64xf32, #tpu.memory_space<vmem>>, vector<16xf32>,
        %le3A_1603 = arith.constant 15 : i32
        %le3A_1604 = arith.cmpi sle, %sub3A_1282, %le3A_1603 : i32
        %jit3A_1605 = arith.constant 0.000000e+00 : f32
        %broadcast_in_dim3A_1606 = vector.broadcast %jit3A_1605 : f32 to vector<16xf32>
        %select_n3A_1607 = arith.select %le3A_1604, %get3A_1602, %broadcast_in_dim3A_1606 : vector<16xf32>
        %add3A_1608 = arith.addf %add3A_1598, %select_n3A_1607 : vector<16xf32>
        %swap3A_1609 = arith.constant 0 : i32
        %swap3A_1610 = arith.index_cast %swap3A_1609 : i32 to index
        %swap3A_1611 = arith.constant 16 : index
        %swap3A_1612 = tpu.vector_load %arg19[%swap3A_1610, %swap3A_1611] {strides = array<i32>} : memref<1x64xf32, #tpu.memory_space<vmem>>, vector<16xf32>,
        tpu.vector_store %arg19[%swap3A_1610, %swap3A_1611], %add3A_1608 {strides = array<i32>} : memref<1x64xf32, #tpu.memory_space<vmem>>, vector<16xf32>,
        %broadcast_in_dim3A_1613 = arith.constant 0.000000e+00 : f32
        %broadcast_in_dim3A_1614 = vector.broadcast %broadcast_in_dim3A_1613 : f32 to vector<16xf32>
        %get3A_1615 = arith.constant 0 : i32
        %get3A_1616 = arith.index_cast %get3A_1615 : i32 to index
        %get3A_1617 = arith.constant 32 : index
        %get3A_1618 = tpu.vector_load %arg17[%get3A_1616, %get3A_1617] {strides = array<i32>} : memref<16x64xf32, #tpu.memory_space<vmem>>, vector<16xf32>,
        %le3A_1619 = arith.constant 0 : i32
        %le3A_1620 = arith.cmpi sle, %sub3A_1282, %le3A_1619 : i32
        %jit3A_1621 = arith.constant 0.000000e+00 : f32
        %broadcast_in_dim3A_1622 = vector.broadcast %jit3A_1621 : f32 to vector<16xf32>
        %select_n3A_1623 = arith.select %le3A_1620, %get3A_1618, %broadcast_in_dim3A_1622 : vector<16xf32>
        %add3A_1624 = arith.addf %broadcast_in_dim3A_1614, %select_n3A_1623 : vector<16xf32>
        %get3A_1625 = arith.constant 1 : i32
        %get3A_1626 = arith.index_cast %get3A_1625 : i32 to index
        %get3A_1627 = arith.constant 32 : index
        %get3A_1628 = tpu.vector_load %arg17[%get3A_1626, %get3A_1627] {strides = array<i32>} : memref<16x64xf32, #tpu.memory_space<vmem>>, vector<16xf32>,
        %le3A_1629 = arith.constant 1 : i32
        %le3A_1630 = arith.cmpi sle, %sub3A_1282, %le3A_1629 : i32
        %jit3A_1631 = arith.constant 0.000000e+00 : f32
        %broadcast_in_dim3A_1632 = vector.broadcast %jit3A_1631 : f32 to vector<16xf32>
        %select_n3A_1633 = arith.select %le3A_1630, %get3A_1628, %broadcast_in_dim3A_1632 : vector<16xf32>
        %add3A_1634 = arith.addf %add3A_1624, %select_n3A_1633 : vector<16xf32>
        %get3A_1635 = arith.constant 2 : i32
        %get3A_1636 = arith.index_cast %get3A_1635 : i32 to index
        %get3A_1637 = arith.constant 32 : index
        %get3A_1638 = tpu.vector_load %arg17[%get3A_1636, %get3A_1637] {strides = array<i32>} : memref<16x64xf32, #tpu.memory_space<vmem>>, vector<16xf32>,
        %le3A_1639 = arith.constant 2 : i32
        %le3A_1640 = arith.cmpi sle, %sub3A_1282, %le3A_1639 : i32
        %jit3A_1641 = arith.constant 0.000000e+00 : f32
        %broadcast_in_dim3A_1642 = vector.broadcast %jit3A_1641 : f32 to vector<16xf32>
        %select_n3A_1643 = arith.select %le3A_1640, %get3A_1638, %broadcast_in_dim3A_1642 : vector<16xf32>
        %add3A_1644 = arith.addf %add3A_1634, %select_n3A_1643 : vector<16xf32>
        %get3A_1645 = arith.constant 3 : i32
        %get3A_1646 = arith.index_cast %get3A_1645 : i32 to index
        %get3A_1647 = arith.constant 32 : index
        %get3A_1648 = tpu.vector_load %arg17[%get3A_1646, %get3A_1647] {strides = array<i32>} : memref<16x64xf32, #tpu.memory_space<vmem>>, vector<16xf32>,
        %le3A_1649 = arith.constant 3 : i32
        %le3A_1650 = arith.cmpi sle, %sub3A_1282, %le3A_1649 : i32
        %jit3A_1651 = arith.constant 0.000000e+00 : f32
        %broadcast_in_dim3A_1652 = vector.broadcast %jit3A_1651 : f32 to vector<16xf32>
        %select_n3A_1653 = arith.select %le3A_1650, %get3A_1648, %broadcast_in_dim3A_1652 : vector<16xf32>
        %add3A_1654 = arith.addf %add3A_1644, %select_n3A_1653 : vector<16xf32>
        %get3A_1655 = arith.constant 4 : i32
        %get3A_1656 = arith.index_cast %get3A_1655 : i32 to index
        %get3A_1657 = arith.constant 32 : index
        %get3A_1658 = tpu.vector_load %arg17[%get3A_1656, %get3A_1657] {strides = array<i32>} : memref<16x64xf32, #tpu.memory_space<vmem>>, vector<16xf32>,
        %le3A_1659 = arith.constant 4 : i32
        %le3A_1660 = arith.cmpi sle, %sub3A_1282, %le3A_1659 : i32
        %jit3A_1661 = arith.constant 0.000000e+00 : f32
        %broadcast_in_dim3A_1662 = vector.broadcast %jit3A_1661 : f32 to vector<16xf32>
        %select_n3A_1663 = arith.select %le3A_1660, %get3A_1658, %broadcast_in_dim3A_1662 : vector<16xf32>
        %add3A_1664 = arith.addf %add3A_1654, %select_n3A_1663 : vector<16xf32>
        %get3A_1665 = arith.constant 5 : i32
        %get3A_1666 = arith.index_cast %get3A_1665 : i32 to index
        %get3A_1667 = arith.constant 32 : index
        %get3A_1668 = tpu.vector_load %arg17[%get3A_1666, %get3A_1667] {strides = array<i32>} : memref<16x64xf32, #tpu.memory_space<vmem>>, vector<16xf32>,
        %le3A_1669 = arith.constant 5 : i32
        %le3A_1670 = arith.cmpi sle, %sub3A_1282, %le3A_1669 : i32
        %jit3A_1671 = arith.constant 0.000000e+00 : f32
        %broadcast_in_dim3A_1672 = vector.broadcast %jit3A_1671 : f32 to vector<16xf32>
        %select_n3A_1673 = arith.select %le3A_1670, %get3A_1668, %broadcast_in_dim3A_1672 : vector<16xf32>
        %add3A_1674 = arith.addf %add3A_1664, %select_n3A_1673 : vector<16xf32>
        %get3A_1675 = arith.constant 6 : i32
        %get3A_1676 = arith.index_cast %get3A_1675 : i32 to index
        %get3A_1677 = arith.constant 32 : index
        %get3A_1678 = tpu.vector_load %arg17[%get3A_1676, %get3A_1677] {strides = array<i32>} : memref<16x64xf32, #tpu.memory_space<vmem>>, vector<16xf32>,
        %le3A_1679 = arith.constant 6 : i32
        %le3A_1680 = arith.cmpi sle, %sub3A_1282, %le3A_1679 : i32
        %jit3A_1681 = arith.constant 0.000000e+00 : f32
        %broadcast_in_dim3A_1682 = vector.broadcast %jit3A_1681 : f32 to vector<16xf32>
        %select_n3A_1683 = arith.select %le3A_1680, %get3A_1678, %broadcast_in_dim3A_1682 : vector<16xf32>
        %add3A_1684 = arith.addf %add3A_1674, %select_n3A_1683 : vector<16xf32>
        %get3A_1685 = arith.constant 7 : i32
        %get3A_1686 = arith.index_cast %get3A_1685 : i32 to index
        %get3A_1687 = arith.constant 32 : index
        %get3A_1688 = tpu.vector_load %arg17[%get3A_1686, %get3A_1687] {strides = array<i32>} : memref<16x64xf32, #tpu.memory_space<vmem>>, vector<16xf32>,
        %le3A_1689 = arith.constant 7 : i32
        %le3A_1690 = arith.cmpi sle, %sub3A_1282, %le3A_1689 : i32
        %jit3A_1691 = arith.constant 0.000000e+00 : f32
        %broadcast_in_dim3A_1692 = vector.broadcast %jit3A_1691 : f32 to vector<16xf32>
        %select_n3A_1693 = arith.select %le3A_1690, %get3A_1688, %broadcast_in_dim3A_1692 : vector<16xf32>
        %add3A_1694 = arith.addf %add3A_1684, %select_n3A_1693 : vector<16xf32>
        %get3A_1695 = arith.constant 8 : i32
        %get3A_1696 = arith.index_cast %get3A_1695 : i32 to index
        %get3A_1697 = arith.constant 32 : index
        %get3A_1698 = tpu.vector_load %arg17[%get3A_1696, %get3A_1697] {strides = array<i32>} : memref<16x64xf32, #tpu.memory_space<vmem>>, vector<16xf32>,
        %le3A_1699 = arith.constant 8 : i32
        %le3A_1700 = arith.cmpi sle, %sub3A_1282, %le3A_1699 : i32
        %jit3A_1701 = arith.constant 0.000000e+00 : f32
        %broadcast_in_dim3A_1702 = vector.broadcast %jit3A_1701 : f32 to vector<16xf32>
        %select_n3A_1703 = arith.select %le3A_1700, %get3A_1698, %broadcast_in_dim3A_1702 : vector<16xf32>
        %add3A_1704 = arith.addf %add3A_1694, %select_n3A_1703 : vector<16xf32>
        %get3A_1705 = arith.constant 9 : i32
        %get3A_1706 = arith.index_cast %get3A_1705 : i32 to index
        %get3A_1707 = arith.constant 32 : index
        %get3A_1708 = tpu.vector_load %arg17[%get3A_1706, %get3A_1707] {strides = array<i32>} : memref<16x64xf32, #tpu.memory_space<vmem>>, vector<16xf32>,
        %le3A_1709 = arith.constant 9 : i32
        %le3A_1710 = arith.cmpi sle, %sub3A_1282, %le3A_1709 : i32
        %jit3A_1711 = arith.constant 0.000000e+00 : f32
        %broadcast_in_dim3A_1712 = vector.broadcast %jit3A_1711 : f32 to vector<16xf32>
        %select_n3A_1713 = arith.select %le3A_1710, %get3A_1708, %broadcast_in_dim3A_1712 : vector<16xf32>
        %add3A_1714 = arith.addf %add3A_1704, %select_n3A_1713 : vector<16xf32>
        %get3A_1715 = arith.constant 10 : i32
        %get3A_1716 = arith.index_cast %get3A_1715 : i32 to index
        %get3A_1717 = arith.constant 32 : index
        %get3A_1718 = tpu.vector_load %arg17[%get3A_1716, %get3A_1717] {strides = array<i32>} : memref<16x64xf32, #tpu.memory_space<vmem>>, vector<16xf32>,
        %le3A_1719 = arith.constant 10 : i32
        %le3A_1720 = arith.cmpi sle, %sub3A_1282, %le3A_1719 : i32
        %jit3A_1721 = arith.constant 0.000000e+00 : f32
        %broadcast_in_dim3A_1722 = vector.broadcast %jit3A_1721 : f32 to vector<16xf32>
        %select_n3A_1723 = arith.select %le3A_1720, %get3A_1718, %broadcast_in_dim3A_1722 : vector<16xf32>
        %add3A_1724 = arith.addf %add3A_1714, %select_n3A_1723 : vector<16xf32>
        %get3A_1725 = arith.constant 11 : i32
        %get3A_1726 = arith.index_cast %get3A_1725 : i32 to index
        %get3A_1727 = arith.constant 32 : index
        %get3A_1728 = tpu.vector_load %arg17[%get3A_1726, %get3A_1727] {strides = array<i32>} : memref<16x64xf32, #tpu.memory_space<vmem>>, vector<16xf32>,
        %le3A_1729 = arith.constant 11 : i32
        %le3A_1730 = arith.cmpi sle, %sub3A_1282, %le3A_1729 : i32
        %jit3A_1731 = arith.constant 0.000000e+00 : f32
        %broadcast_in_dim3A_1732 = vector.broadcast %jit3A_1731 : f32 to vector<16xf32>
        %select_n3A_1733 = arith.select %le3A_1730, %get3A_1728, %broadcast_in_dim3A_1732 : vector<16xf32>
        %add3A_1734 = arith.addf %add3A_1724, %select_n3A_1733 : vector<16xf32>
        %get3A_1735 = arith.constant 12 : i32
        %get3A_1736 = arith.index_cast %get3A_1735 : i32 to index
        %get3A_1737 = arith.constant 32 : index
        %get3A_1738 = tpu.vector_load %arg17[%get3A_1736, %get3A_1737] {strides = array<i32>} : memref<16x64xf32, #tpu.memory_space<vmem>>, vector<16xf32>,
        %le3A_1739 = arith.constant 12 : i32
        %le3A_1740 = arith.cmpi sle, %sub3A_1282, %le3A_1739 : i32
        %jit3A_1741 = arith.constant 0.000000e+00 : f32
        %broadcast_in_dim3A_1742 = vector.broadcast %jit3A_1741 : f32 to vector<16xf32>
        %select_n3A_1743 = arith.select %le3A_1740, %get3A_1738, %broadcast_in_dim3A_1742 : vector<16xf32>
        %add3A_1744 = arith.addf %add3A_1734, %select_n3A_1743 : vector<16xf32>
        %get3A_1745 = arith.constant 13 : i32
        %get3A_1746 = arith.index_cast %get3A_1745 : i32 to index
        %get3A_1747 = arith.constant 32 : index
        %get3A_1748 = tpu.vector_load %arg17[%get3A_1746, %get3A_1747] {strides = array<i32>} : memref<16x64xf32, #tpu.memory_space<vmem>>, vector<16xf32>,
        %le3A_1749 = arith.constant 13 : i32
        %le3A_1750 = arith.cmpi sle, %sub3A_1282, %le3A_1749 : i32
        %jit3A_1751 = arith.constant 0.000000e+00 : f32
        %broadcast_in_dim3A_1752 = vector.broadcast %jit3A_1751 : f32 to vector<16xf32>
        %select_n3A_1753 = arith.select %le3A_1750, %get3A_1748, %broadcast_in_dim3A_1752 : vector<16xf32>
        %add3A_1754 = arith.addf %add3A_1744, %select_n3A_1753 : vector<16xf32>
        %get3A_1755 = arith.constant 14 : i32
        %get3A_1756 = arith.index_cast %get3A_1755 : i32 to index
        %get3A_1757 = arith.constant 32 : index
        %get3A_1758 = tpu.vector_load %arg17[%get3A_1756, %get3A_1757] {strides = array<i32>} : memref<16x64xf32, #tpu.memory_space<vmem>>, vector<16xf32>,
        %le3A_1759 = arith.constant 14 : i32
        %le3A_1760 = arith.cmpi sle, %sub3A_1282, %le3A_1759 : i32
        %jit3A_1761 = arith.constant 0.000000e+00 : f32
        %broadcast_in_dim3A_1762 = vector.broadcast %jit3A_1761 : f32 to vector<16xf32>
        %select_n3A_1763 = arith.select %le3A_1760, %get3A_1758, %broadcast_in_dim3A_1762 : vector<16xf32>
        %add3A_1764 = arith.addf %add3A_1754, %select_n3A_1763 : vector<16xf32>
        %get3A_1765 = arith.constant 15 : i32
        %get3A_1766 = arith.index_cast %get3A_1765 : i32 to index
        %get3A_1767 = arith.constant 32 : index
        %get3A_1768 = tpu.vector_load %arg17[%get3A_1766, %get3A_1767] {strides = array<i32>} : memref<16x64xf32, #tpu.memory_space<vmem>>, vector<16xf32>,
        %le3A_1769 = arith.constant 15 : i32
        %le3A_1770 = arith.cmpi sle, %sub3A_1282, %le3A_1769 : i32
        %jit3A_1771 = arith.constant 0.000000e+00 : f32
        %broadcast_in_dim3A_1772 = vector.broadcast %jit3A_1771 : f32 to vector<16xf32>
        %select_n3A_1773 = arith.select %le3A_1770, %get3A_1768, %broadcast_in_dim3A_1772 : vector<16xf32>
        %add3A_1774 = arith.addf %add3A_1764, %select_n3A_1773 : vector<16xf32>
        %swap3A_1775 = arith.constant 0 : i32
        %swap3A_1776 = arith.index_cast %swap3A_1775 : i32 to index
        %swap3A_1777 = arith.constant 32 : index
        %swap3A_1778 = tpu.vector_load %arg19[%swap3A_1776, %swap3A_1777] {strides = array<i32>} : memref<1x64xf32, #tpu.memory_space<vmem>>, vector<16xf32>,
        tpu.vector_store %arg19[%swap3A_1776, %swap3A_1777], %add3A_1774 {strides = array<i32>} : memref<1x64xf32, #tpu.memory_space<vmem>>, vector<16xf32>,
        %broadcast_in_dim3A_1779 = arith.constant 0.000000e+00 : f32
        %broadcast_in_dim3A_1780 = vector.broadcast %broadcast_in_dim3A_1779 : f32 to vector<16xf32>
        %get3A_1781 = arith.constant 0 : i32
        %get3A_1782 = arith.index_cast %get3A_1781 : i32 to index
        %get3A_1783 = arith.constant 48 : index
        %get3A_1784 = tpu.vector_load %arg17[%get3A_1782, %get3A_1783] {strides = array<i32>} : memref<16x64xf32, #tpu.memory_space<vmem>>, vector<16xf32>,
        %le3A_1785 = arith.constant 0 : i32
        %le3A_1786 = arith.cmpi sle, %sub3A_1282, %le3A_1785 : i32
        %jit3A_1787 = arith.constant 0.000000e+00 : f32
        %broadcast_in_dim3A_1788 = vector.broadcast %jit3A_1787 : f32 to vector<16xf32>
        %select_n3A_1789 = arith.select %le3A_1786, %get3A_1784, %broadcast_in_dim3A_1788 : vector<16xf32>
        %add3A_1790 = arith.addf %broadcast_in_dim3A_1780, %select_n3A_1789 : vector<16xf32>
        %get3A_1791 = arith.constant 1 : i32
        %get3A_1792 = arith.index_cast %get3A_1791 : i32 to index
        %get3A_1793 = arith.constant 48 : index
        %get3A_1794 = tpu.vector_load %arg17[%get3A_1792, %get3A_1793] {strides = array<i32>} : memref<16x64xf32, #tpu.memory_space<vmem>>, vector<16xf32>,
        %le3A_1795 = arith.constant 1 : i32
        %le3A_1796 = arith.cmpi sle, %sub3A_1282, %le3A_1795 : i32
        %jit3A_1797 = arith.constant 0.000000e+00 : f32
        %broadcast_in_dim3A_1798 = vector.broadcast %jit3A_1797 : f32 to vector<16xf32>
        %select_n3A_1799 = arith.select %le3A_1796, %get3A_1794, %broadcast_in_dim3A_1798 : vector<16xf32>
        %add3A_1800 = arith.addf %add3A_1790, %select_n3A_1799 : vector<16xf32>
        %get3A_1801 = arith.constant 2 : i32
        %get3A_1802 = arith.index_cast %get3A_1801 : i32 to index
        %get3A_1803 = arith.constant 48 : index
        %get3A_1804 = tpu.vector_load %arg17[%get3A_1802, %get3A_1803] {strides = array<i32>} : memref<16x64xf32, #tpu.memory_space<vmem>>, vector<16xf32>,
        %le3A_1805 = arith.constant 2 : i32
        %le3A_1806 = arith.cmpi sle, %sub3A_1282, %le3A_1805 : i32
        %jit3A_1807 = arith.constant 0.000000e+00 : f32
        %broadcast_in_dim3A_1808 = vector.broadcast %jit3A_1807 : f32 to vector<16xf32>
        %select_n3A_1809 = arith.select %le3A_1806, %get3A_1804, %broadcast_in_dim3A_1808 : vector<16xf32>
        %add3A_1810 = arith.addf %add3A_1800, %select_n3A_1809 : vector<16xf32>
        %get3A_1811 = arith.constant 3 : i32
        %get3A_1812 = arith.index_cast %get3A_1811 : i32 to index
        %get3A_1813 = arith.constant 48 : index
        %get3A_1814 = tpu.vector_load %arg17[%get3A_1812, %get3A_1813] {strides = array<i32>} : memref<16x64xf32, #tpu.memory_space<vmem>>, vector<16xf32>,
        %le3A_1815 = arith.constant 3 : i32
        %le3A_1816 = arith.cmpi sle, %sub3A_1282, %le3A_1815 : i32
        %jit3A_1817 = arith.constant 0.000000e+00 : f32
        %broadcast_in_dim3A_1818 = vector.broadcast %jit3A_1817 : f32 to vector<16xf32>
        %select_n3A_1819 = arith.select %le3A_1816, %get3A_1814, %broadcast_in_dim3A_1818 : vector<16xf32>
        %add3A_1820 = arith.addf %add3A_1810, %select_n3A_1819 : vector<16xf32>
        %get3A_1821 = arith.constant 4 : i32
        %get3A_1822 = arith.index_cast %get3A_1821 : i32 to index
        %get3A_1823 = arith.constant 48 : index
        %get3A_1824 = tpu.vector_load %arg17[%get3A_1822, %get3A_1823] {strides = array<i32>} : memref<16x64xf32, #tpu.memory_space<vmem>>, vector<16xf32>,
        %le3A_1825 = arith.constant 4 : i32
        %le3A_1826 = arith.cmpi sle, %sub3A_1282, %le3A_1825 : i32
        %jit3A_1827 = arith.constant 0.000000e+00 : f32
        %broadcast_in_dim3A_1828 = vector.broadcast %jit3A_1827 : f32 to vector<16xf32>
        %select_n3A_1829 = arith.select %le3A_1826, %get3A_1824, %broadcast_in_dim3A_1828 : vector<16xf32>
        %add3A_1830 = arith.addf %add3A_1820, %select_n3A_1829 : vector<16xf32>
        %get3A_1831 = arith.constant 5 : i32
        %get3A_1832 = arith.index_cast %get3A_1831 : i32 to index
        %get3A_1833 = arith.constant 48 : index
        %get3A_1834 = tpu.vector_load %arg17[%get3A_1832, %get3A_1833] {strides = array<i32>} : memref<16x64xf32, #tpu.memory_space<vmem>>, vector<16xf32>,
        %le3A_1835 = arith.constant 5 : i32
        %le3A_1836 = arith.cmpi sle, %sub3A_1282, %le3A_1835 : i32
        %jit3A_1837 = arith.constant 0.000000e+00 : f32
        %broadcast_in_dim3A_1838 = vector.broadcast %jit3A_1837 : f32 to vector<16xf32>
        %select_n3A_1839 = arith.select %le3A_1836, %get3A_1834, %broadcast_in_dim3A_1838 : vector<16xf32>
        %add3A_1840 = arith.addf %add3A_1830, %select_n3A_1839 : vector<16xf32>
        %get3A_1841 = arith.constant 6 : i32
        %get3A_1842 = arith.index_cast %get3A_1841 : i32 to index
        %get3A_1843 = arith.constant 48 : index
        %get3A_1844 = tpu.vector_load %arg17[%get3A_1842, %get3A_1843] {strides = array<i32>} : memref<16x64xf32, #tpu.memory_space<vmem>>, vector<16xf32>,
        %le3A_1845 = arith.constant 6 : i32
        %le3A_1846 = arith.cmpi sle, %sub3A_1282, %le3A_1845 : i32
        %jit3A_1847 = arith.constant 0.000000e+00 : f32
        %broadcast_in_dim3A_1848 = vector.broadcast %jit3A_1847 : f32 to vector<16xf32>
        %select_n3A_1849 = arith.select %le3A_1846, %get3A_1844, %broadcast_in_dim3A_1848 : vector<16xf32>
        %add3A_1850 = arith.addf %add3A_1840, %select_n3A_1849 : vector<16xf32>
        %get3A_1851 = arith.constant 7 : i32
        %get3A_1852 = arith.index_cast %get3A_1851 : i32 to index
        %get3A_1853 = arith.constant 48 : index
        %get3A_1854 = tpu.vector_load %arg17[%get3A_1852, %get3A_1853] {strides = array<i32>} : memref<16x64xf32, #tpu.memory_space<vmem>>, vector<16xf32>,
        %le3A_1855 = arith.constant 7 : i32
        %le3A_1856 = arith.cmpi sle, %sub3A_1282, %le3A_1855 : i32
        %jit3A_1857 = arith.constant 0.000000e+00 : f32
        %broadcast_in_dim3A_1858 = vector.broadcast %jit3A_1857 : f32 to vector<16xf32>
        %select_n3A_1859 = arith.select %le3A_1856, %get3A_1854, %broadcast_in_dim3A_1858 : vector<16xf32>
        %add3A_1860 = arith.addf %add3A_1850, %select_n3A_1859 : vector<16xf32>
        %get3A_1861 = arith.constant 8 : i32
        %get3A_1862 = arith.index_cast %get3A_1861 : i32 to index
        %get3A_1863 = arith.constant 48 : index
        %get3A_1864 = tpu.vector_load %arg17[%get3A_1862, %get3A_1863] {strides = array<i32>} : memref<16x64xf32, #tpu.memory_space<vmem>>, vector<16xf32>,
        %le3A_1865 = arith.constant 8 : i32
        %le3A_1866 = arith.cmpi sle, %sub3A_1282, %le3A_1865 : i32
        %jit3A_1867 = arith.constant 0.000000e+00 : f32
        %broadcast_in_dim3A_1868 = vector.broadcast %jit3A_1867 : f32 to vector<16xf32>
        %select_n3A_1869 = arith.select %le3A_1866, %get3A_1864, %broadcast_in_dim3A_1868 : vector<16xf32>
        %add3A_1870 = arith.addf %add3A_1860, %select_n3A_1869 : vector<16xf32>
        %get3A_1871 = arith.constant 9 : i32
        %get3A_1872 = arith.index_cast %get3A_1871 : i32 to index
        %get3A_1873 = arith.constant 48 : index
        %get3A_1874 = tpu.vector_load %arg17[%get3A_1872, %get3A_1873] {strides = array<i32>} : memref<16x64xf32, #tpu.memory_space<vmem>>, vector<16xf32>,
        %le3A_1875 = arith.constant 9 : i32
        %le3A_1876 = arith.cmpi sle, %sub3A_1282, %le3A_1875 : i32
        %jit3A_1877 = arith.constant 0.000000e+00 : f32
        %broadcast_in_dim3A_1878 = vector.broadcast %jit3A_1877 : f32 to vector<16xf32>
        %select_n3A_1879 = arith.select %le3A_1876, %get3A_1874, %broadcast_in_dim3A_1878 : vector<16xf32>
        %add3A_1880 = arith.addf %add3A_1870, %select_n3A_1879 : vector<16xf32>
        %get3A_1881 = arith.constant 10 : i32
        %get3A_1882 = arith.index_cast %get3A_1881 : i32 to index
        %get3A_1883 = arith.constant 48 : index
        %get3A_1884 = tpu.vector_load %arg17[%get3A_1882, %get3A_1883] {strides = array<i32>} : memref<16x64xf32, #tpu.memory_space<vmem>>, vector<16xf32>,
        %le3A_1885 = arith.constant 10 : i32
        %le3A_1886 = arith.cmpi sle, %sub3A_1282, %le3A_1885 : i32
        %jit3A_1887 = arith.constant 0.000000e+00 : f32
        %broadcast_in_dim3A_1888 = vector.broadcast %jit3A_1887 : f32 to vector<16xf32>
        %select_n3A_1889 = arith.select %le3A_1886, %get3A_1884, %broadcast_in_dim3A_1888 : vector<16xf32>
        %add3A_1890 = arith.addf %add3A_1880, %select_n3A_1889 : vector<16xf32>
        %get3A_1891 = arith.constant 11 : i32
        %get3A_1892 = arith.index_cast %get3A_1891 : i32 to index
        %get3A_1893 = arith.constant 48 : index
        %get3A_1894 = tpu.vector_load %arg17[%get3A_1892, %get3A_1893] {strides = array<i32>} : memref<16x64xf32, #tpu.memory_space<vmem>>, vector<16xf32>,
        %le3A_1895 = arith.constant 11 : i32
        %le3A_1896 = arith.cmpi sle, %sub3A_1282, %le3A_1895 : i32
        %jit3A_1897 = arith.constant 0.000000e+00 : f32
        %broadcast_in_dim3A_1898 = vector.broadcast %jit3A_1897 : f32 to vector<16xf32>
        %select_n3A_1899 = arith.select %le3A_1896, %get3A_1894, %broadcast_in_dim3A_1898 : vector<16xf32>
        %add3A_1900 = arith.addf %add3A_1890, %select_n3A_1899 : vector<16xf32>
        %get3A_1901 = arith.constant 12 : i32
        %get3A_1902 = arith.index_cast %get3A_1901 : i32 to index
        %get3A_1903 = arith.constant 48 : index
        %get3A_1904 = tpu.vector_load %arg17[%get3A_1902, %get3A_1903] {strides = array<i32>} : memref<16x64xf32, #tpu.memory_space<vmem>>, vector<16xf32>,
        %le3A_1905 = arith.constant 12 : i32
        %le3A_1906 = arith.cmpi sle, %sub3A_1282, %le3A_1905 : i32
        %jit3A_1907 = arith.constant 0.000000e+00 : f32
        %broadcast_in_dim3A_1908 = vector.broadcast %jit3A_1907 : f32 to vector<16xf32>
        %select_n3A_1909 = arith.select %le3A_1906, %get3A_1904, %broadcast_in_dim3A_1908 : vector<16xf32>
        %add3A_1910 = arith.addf %add3A_1900, %select_n3A_1909 : vector<16xf32>
        %get3A_1911 = arith.constant 13 : i32
        %get3A_1912 = arith.index_cast %get3A_1911 : i32 to index
        %get3A_1913 = arith.constant 48 : index
        %get3A_1914 = tpu.vector_load %arg17[%get3A_1912, %get3A_1913] {strides = array<i32>} : memref<16x64xf32, #tpu.memory_space<vmem>>, vector<16xf32>,
        %le3A_1915 = arith.constant 13 : i32
        %le3A_1916 = arith.cmpi sle, %sub3A_1282, %le3A_1915 : i32
        %jit3A_1917 = arith.constant 0.000000e+00 : f32
        %broadcast_in_dim3A_1918 = vector.broadcast %jit3A_1917 : f32 to vector<16xf32>
        %select_n3A_1919 = arith.select %le3A_1916, %get3A_1914, %broadcast_in_dim3A_1918 : vector<16xf32>
        %add3A_1920 = arith.addf %add3A_1910, %select_n3A_1919 : vector<16xf32>
        %get3A_1921 = arith.constant 14 : i32
        %get3A_1922 = arith.index_cast %get3A_1921 : i32 to index
        %get3A_1923 = arith.constant 48 : index
        %get3A_1924 = tpu.vector_load %arg17[%get3A_1922, %get3A_1923] {strides = array<i32>} : memref<16x64xf32, #tpu.memory_space<vmem>>, vector<16xf32>,
        %le3A_1925 = arith.constant 14 : i32
        %le3A_1926 = arith.cmpi sle, %sub3A_1282, %le3A_1925 : i32
        %jit3A_1927 = arith.constant 0.000000e+00 : f32
        %broadcast_in_dim3A_1928 = vector.broadcast %jit3A_1927 : f32 to vector<16xf32>
        %select_n3A_1929 = arith.select %le3A_1926, %get3A_1924, %broadcast_in_dim3A_1928 : vector<16xf32>
        %add3A_1930 = arith.addf %add3A_1920, %select_n3A_1929 : vector<16xf32>
        %get3A_1931 = arith.constant 15 : i32
        %get3A_1932 = arith.index_cast %get3A_1931 : i32 to index
        %get3A_1933 = arith.constant 48 : index
        %get3A_1934 = tpu.vector_load %arg17[%get3A_1932, %get3A_1933] {strides = array<i32>} : memref<16x64xf32, #tpu.memory_space<vmem>>, vector<16xf32>,
        %le3A_1935 = arith.constant 15 : i32
        %le3A_1936 = arith.cmpi sle, %sub3A_1282, %le3A_1935 : i32
        %jit3A_1937 = arith.constant 0.000000e+00 : f32
        %broadcast_in_dim3A_1938 = vector.broadcast %jit3A_1937 : f32 to vector<16xf32>
        %select_n3A_1939 = arith.select %le3A_1936, %get3A_1934, %broadcast_in_dim3A_1938 : vector<16xf32>
        %add3A_1940 = arith.addf %add3A_1930, %select_n3A_1939 : vector<16xf32>
        %swap3A_1941 = arith.constant 0 : i32
        %swap3A_1942 = arith.index_cast %swap3A_1941 : i32 to index
        %swap3A_1943 = arith.constant 48 : index
        %swap3A_1944 = tpu.vector_load %arg19[%swap3A_1942, %swap3A_1943] {strides = array<i32>} : memref<1x64xf32, #tpu.memory_space<vmem>>, vector<16xf32>,
        tpu.vector_store %arg19[%swap3A_1942, %swap3A_1943], %add3A_1940 {strides = array<i32>} : memref<1x64xf32, #tpu.memory_space<vmem>>, vector<16xf32>,
        "tpu.region"() ({
          %run_scoped3A = tpu.sem_alloc : memref<!tpu.dma_semaphore, #tpu.memory_space<semaphore_mem>>
          %dma_start3A_1945 = arith.constant 0 : i32
          %dma_start3A_1946 = arith.constant 0 : i32
          %dma_start3A_1947 = tpu.memref_slice %arg13[%arg1, %dma_start3A_1945, %dma_start3A_1946] : memref<16x8x64xf32, #tpu.memory_space<hbm>> -> memref<1x1x64xf32, #tpu.memory_space<hbm>>
          %dma_start3A_1948 = tpu.memref_squeeze %dma_start3A_1947 : memref<1x1x64xf32, #tpu.memory_space<hbm>> -> memref<1x64xf32, #tpu.memory_space<hbm>>
          %dma_start3A_1949 = arith.constant 0 : i32
          %dma_start3A_1950 = arith.constant 0 : i32
          %dma_start3A_1951 = tpu.memref_slice %arg13[%arg1, %dma_start3A_1949, %dma_start3A_1950] : memref<16x8x64xf32, #tpu.memory_space<hbm>> -> memref<1x1x64xf32, #tpu.memory_space<hbm>>
          %dma_start3A_1952 = tpu.memref_squeeze %dma_start3A_1951 : memref<1x1x64xf32, #tpu.memory_space<hbm>> -> memref<1x64xf32, #tpu.memory_space<hbm>>
          tpu.enqueue_dma source(%arg19 : memref<1x64xf32, #tpu.memory_space<vmem>>) target(%dma_start3A_1952 : memref<1x64xf32, #tpu.memory_space<hbm>>) target_semaphore(%run_scoped3A : memref<!tpu.dma_semaphore, #tpu.memory_space<semaphore_mem>>)
          %dma_wait3A_1953 = arith.constant 0 : i32
          %dma_wait3A_1954 = arith.constant 0 : i32
          %dma_wait3A_1955 = tpu.memref_slice %arg13[%arg1, %dma_wait3A_1953, %dma_wait3A_1954] : memref<16x8x64xf32, #tpu.memory_space<hbm>> -> memref<1x1x64xf32, #tpu.memory_space<hbm>>
          %dma_wait3A_1956 = tpu.memref_squeeze %dma_wait3A_1955 : memref<1x1x64xf32, #tpu.memory_space<hbm>> -> memref<1x64xf32, #tpu.memory_space<hbm>>
          %dma_wait3A_1957 = arith.constant 0 : i32
          %dma_wait3A_1958 = arith.constant 0 : i32
          %dma_wait3A_1959 = tpu.memref_slice %arg13[%arg1, %dma_wait3A_1957, %dma_wait3A_1958] : memref<16x8x64xf32, #tpu.memory_space<hbm>> -> memref<1x1x64xf32, #tpu.memory_space<hbm>>
          %dma_wait3A_1960 = tpu.memref_squeeze %dma_wait3A_1959 : memref<1x1x64xf32, #tpu.memory_space<hbm>> -> memref<1x64xf32, #tpu.memory_space<hbm>>
          tpu.wait_dma2 semaphore(%run_scoped3A : memref<!tpu.dma_semaphore, #tpu.memory_space<semaphore_mem>>) src(%arg19 : memref<1x64xf32, #tpu.memory_space<vmem>>) dst(%dma_wait3A_1960 : memref<1x64xf32, #tpu.memory_space<hbm>>)
          tpu.yield
        }) : () -> ()
      } else {
      }
      %eq3A_7 = arith.constant 13 : i32
      %eq3A_8 = arith.cmpi eq, %arg1, %eq3A_7 : i32
      %convert_element_type3A_9 = arith.extui %eq3A_8 : i1 to i32
      %cond3A_10 = arith.constant 0 : i32
      %cond3A_11 = arith.cmpi ne, %convert_element_type3A_9, %cond3A_10 : i32
      scf.if %cond3A_11 {
        "tpu.region"() ({
          %run_scoped3A = tpu.sem_alloc : memref<!tpu.dma_semaphore, #tpu.memory_space<semaphore_mem>>
          tpu.enqueue_dma source(%arg6 : memref<2xi32, #tpu.memory_space<hbm>>) target(%arg15 : memref<2xi32, #tpu.memory_space<vmem>>) target_semaphore(%run_scoped3A : memref<!tpu.dma_semaphore, #tpu.memory_space<semaphore_mem>>)
          tpu.wait_dma2 semaphore(%run_scoped3A : memref<!tpu.dma_semaphore, #tpu.memory_space<semaphore_mem>>) src(%arg6 : memref<2xi32, #tpu.memory_space<hbm>>) dst(%arg15 : memref<2xi32, #tpu.memory_space<vmem>>)
          tpu.yield
        }) : () -> ()
        %broadcast_in_dim3A_17 = arith.constant 1 : i32
        %broadcast_in_dim3A_18 = vector.broadcast %broadcast_in_dim3A_17 : i32 to vector<16xi32>
        %gather3A = tpu.vector_load_idx %arg15[%broadcast_in_dim3A_18] : memref<2xi32, #tpu.memory_space<vmem>>[vector<16xi32>], vector<16xi32>,
        %reduce_max3A = arith.constant true
        %reduce_max3A_19 = vector.broadcast %reduce_max3A : i1 to vector<16xi1>
        %reduce_max3A_20 = arith.constant -2147483648 : i32
        %reduce_max3A_21 = vector.broadcast %reduce_max3A_20 : i32 to vector<16xi32>
        %reduce_max3A_22 = arith.xori %gather3A, %reduce_max3A_21 : vector<16xi32>
        %reduce_max3A_23 = tpu.scan <max>, %reduce_max3A_22 masked %reduce_max3A_19 : vector<16xi32>, vector<16xi1> -> vector<16xi32>
        %reduce_max3A_24 = arith.xori %reduce_max3A_23, %reduce_max3A_21 : vector<16xi32>
        %reduce_max3A_25 = vector.extract %reduce_max3A_24[15] : i32 from vector<16xi32>
        %and3A = arith.constant -8 : i32
        %and3A_26 = arith.andi %reduce_max3A_25, %and3A : i32
        %multiple_of3A = tpu.assume_multiple %and3A_26, 8 : i32
        %dma_start3A = arith.constant 0 : i32
        %dma_start3A_27 = arith.constant 0 : i32
        %dma_start3A_28 = tpu.memref_slice %arg16[%dma_start3A, %dma_start3A_27] : memref<128x65xf32, #tpu.memory_space<vmem>> -> memref<8x65xf32, #tpu.memory_space<vmem>>
        %dma_start3A_29 = arith.constant 0 : i32
        %dma_start3A_30 = tpu.memref_slice %arg2[%multiple_of3A, %dma_start3A_29] : memref<1000000x65xf32, #tpu.memory_space<hbm>> -> memref<8x65xf32, #tpu.memory_space<hbm>>
        %dma_start3A_31 = arith.constant 0 : i32
        %dma_start3A_32 = arith.constant 0 : i32
        %dma_start3A_33 = tpu.memref_slice %arg16[%dma_start3A_31, %dma_start3A_32] : memref<128x65xf32, #tpu.memory_space<vmem>> -> memref<8x65xf32, #tpu.memory_space<vmem>>
        %dma_start3A_34 = arith.constant 0 : i32
        %dma_start3A_35 = tpu.memref_slice %arg2[%multiple_of3A, %dma_start3A_34] : memref<1000000x65xf32, #tpu.memory_space<hbm>> -> memref<8x65xf32, #tpu.memory_space<hbm>>
        tpu.enqueue_dma source(%dma_start3A_35 : memref<8x65xf32, #tpu.memory_space<hbm>>) target(%dma_start3A_33 : memref<8x65xf32, #tpu.memory_space<vmem>>) target_semaphore(%arg24 : memref<!tpu.dma_semaphore, #tpu.memory_space<semaphore_mem>>)
        "tpu.region"() ({
          %run_scoped3A = tpu.sem_alloc : memref<!tpu.dma_semaphore, #tpu.memory_space<semaphore_mem>>
          tpu.enqueue_dma source(%arg4 : memref<1x65xf32, #tpu.memory_space<hbm>>) target(%arg18 : memref<1x65xf32, #tpu.memory_space<vmem>>) target_semaphore(%run_scoped3A : memref<!tpu.dma_semaphore, #tpu.memory_space<semaphore_mem>>)
          tpu.wait_dma2 semaphore(%run_scoped3A : memref<!tpu.dma_semaphore, #tpu.memory_space<semaphore_mem>>) src(%arg4 : memref<1x65xf32, #tpu.memory_space<hbm>>) dst(%arg18 : memref<1x65xf32, #tpu.memory_space<vmem>>)
          tpu.yield
        }) : () -> ()
        %dma_wait3A = arith.constant 0 : i32
        %dma_wait3A_36 = arith.constant 0 : i32
        %dma_wait3A_37 = tpu.memref_slice %arg16[%dma_wait3A, %dma_wait3A_36] : memref<128x65xf32, #tpu.memory_space<vmem>> -> memref<8x65xf32, #tpu.memory_space<vmem>>
        %dma_wait3A_38 = arith.constant 0 : i32
        %dma_wait3A_39 = tpu.memref_slice %arg2[%multiple_of3A, %dma_wait3A_38] : memref<1000000x65xf32, #tpu.memory_space<hbm>> -> memref<8x65xf32, #tpu.memory_space<hbm>>
        %dma_wait3A_40 = arith.constant 0 : i32
        %dma_wait3A_41 = arith.constant 0 : i32
        %dma_wait3A_42 = tpu.memref_slice %arg16[%dma_wait3A_40, %dma_wait3A_41] : memref<128x65xf32, #tpu.memory_space<vmem>> -> memref<8x65xf32, #tpu.memory_space<vmem>>
        %dma_wait3A_43 = arith.constant 0 : i32
        %dma_wait3A_44 = tpu.memref_slice %arg2[%multiple_of3A, %dma_wait3A_43] : memref<1000000x65xf32, #tpu.memory_space<hbm>> -> memref<8x65xf32, #tpu.memory_space<hbm>>
        tpu.wait_dma2 semaphore(%arg24 : memref<!tpu.dma_semaphore, #tpu.memory_space<semaphore_mem>>) src(%dma_wait3A_44 : memref<8x65xf32, #tpu.memory_space<hbm>>) dst(%dma_wait3A_42 : memref<8x65xf32, #tpu.memory_space<vmem>>)
        %broadcast_in_dim3A_45 = arith.constant 0 : i32
        %broadcast_in_dim3A_46 = vector.broadcast %broadcast_in_dim3A_45 : i32 to vector<16xi32>
        %sub3A = arith.subi %reduce_max3A_25, %multiple_of3A : i32
        %add3A = vector.broadcast %sub3A : i32 to vector<16xi32>
        %add3A_47 = arith.addi %broadcast_in_dim3A_46, %add3A : vector<16xi32>
        %get3A = arith.constant 0 : i32
        %get3A_48 = arith.index_cast %get3A : i32 to index
        %get3A_49 = arith.constant 0 : index
        %get3A_50 = tpu.vector_load %arg18[%get3A_48, %get3A_49] {strides = array<i32>} : memref<1x65xf32, #tpu.memory_space<vmem>>, vector<16xf32>,
        %swap3A = arith.constant 0 : i32
        %swap3A_51 = arith.index_cast %swap3A : i32 to index
        %swap3A_52 = arith.constant 0 : index
        %swap3A_53 = tpu.vector_load %arg22[%swap3A_51, %swap3A_52] {strides = array<i32>} : memref<2x64xf32, #tpu.memory_space<vmem>>, vector<16xf32>,
        tpu.vector_store %arg22[%swap3A_51, %swap3A_52], %get3A_50 {strides = array<i32>} : memref<2x64xf32, #tpu.memory_space<vmem>>, vector<16xf32>,
        %add3A_54 = arith.constant 0 : i32
        %add3A_55 = vector.broadcast %add3A_54 : i32 to vector<16xi32>
        %add3A_56 = arith.addi %iota3A, %add3A_55 : vector<16xi32>
        %gather3A_57 = tpu.vector_load_idx %arg16[%add3A_47, %add3A_56] : memref<128x65xf32, #tpu.memory_space<vmem>>[vector<16xi32>, vector<16xi32>], vector<16xf32>,
        %swap3A_58 = arith.constant 1 : i32
        %swap3A_59 = arith.index_cast %swap3A_58 : i32 to index
        %swap3A_60 = arith.constant 0 : index
        %swap3A_61 = tpu.vector_load %arg22[%swap3A_59, %swap3A_60] {strides = array<i32>} : memref<2x64xf32, #tpu.memory_space<vmem>>, vector<16xf32>,
        tpu.vector_store %arg22[%swap3A_59, %swap3A_60], %gather3A_57 {strides = array<i32>} : memref<2x64xf32, #tpu.memory_space<vmem>>, vector<16xf32>,
        %get3A_62 = arith.constant 0 : i32
        %get3A_63 = arith.index_cast %get3A_62 : i32 to index
        %get3A_64 = arith.constant 16 : index
        %get3A_65 = tpu.vector_load %arg18[%get3A_63, %get3A_64] {strides = array<i32>} : memref<1x65xf32, #tpu.memory_space<vmem>>, vector<16xf32>,
        %swap3A_66 = arith.constant 0 : i32
        %swap3A_67 = arith.index_cast %swap3A_66 : i32 to index
        %swap3A_68 = arith.constant 16 : index
        %swap3A_69 = tpu.vector_load %arg22[%swap3A_67, %swap3A_68] {strides = array<i32>} : memref<2x64xf32, #tpu.memory_space<vmem>>, vector<16xf32>,
        tpu.vector_store %arg22[%swap3A_67, %swap3A_68], %get3A_65 {strides = array<i32>} : memref<2x64xf32, #tpu.memory_space<vmem>>, vector<16xf32>,
        %add3A_70 = arith.constant 16 : i32
        %add3A_71 = vector.broadcast %add3A_70 : i32 to vector<16xi32>
        %add3A_72 = arith.addi %iota3A, %add3A_71 : vector<16xi32>
        %gather3A_73 = tpu.vector_load_idx %arg16[%add3A_47, %add3A_72] : memref<128x65xf32, #tpu.memory_space<vmem>>[vector<16xi32>, vector<16xi32>], vector<16xf32>,
        %swap3A_74 = arith.constant 1 : i32
        %swap3A_75 = arith.index_cast %swap3A_74 : i32 to index
        %swap3A_76 = arith.constant 16 : index
        %swap3A_77 = tpu.vector_load %arg22[%swap3A_75, %swap3A_76] {strides = array<i32>} : memref<2x64xf32, #tpu.memory_space<vmem>>, vector<16xf32>,
        tpu.vector_store %arg22[%swap3A_75, %swap3A_76], %gather3A_73 {strides = array<i32>} : memref<2x64xf32, #tpu.memory_space<vmem>>, vector<16xf32>,
        %get3A_78 = arith.constant 0 : i32
        %get3A_79 = arith.index_cast %get3A_78 : i32 to index
        %get3A_80 = arith.constant 32 : index
        %get3A_81 = tpu.vector_load %arg18[%get3A_79, %get3A_80] {strides = array<i32>} : memref<1x65xf32, #tpu.memory_space<vmem>>, vector<16xf32>,
        %swap3A_82 = arith.constant 0 : i32
        %swap3A_83 = arith.index_cast %swap3A_82 : i32 to index
        %swap3A_84 = arith.constant 32 : index
        %swap3A_85 = tpu.vector_load %arg22[%swap3A_83, %swap3A_84] {strides = array<i32>} : memref<2x64xf32, #tpu.memory_space<vmem>>, vector<16xf32>,
        tpu.vector_store %arg22[%swap3A_83, %swap3A_84], %get3A_81 {strides = array<i32>} : memref<2x64xf32, #tpu.memory_space<vmem>>, vector<16xf32>,
        %add3A_86 = arith.constant 32 : i32
        %add3A_87 = vector.broadcast %add3A_86 : i32 to vector<16xi32>
        %add3A_88 = arith.addi %iota3A, %add3A_87 : vector<16xi32>
        %gather3A_89 = tpu.vector_load_idx %arg16[%add3A_47, %add3A_88] : memref<128x65xf32, #tpu.memory_space<vmem>>[vector<16xi32>, vector<16xi32>], vector<16xf32>,
        %swap3A_90 = arith.constant 1 : i32
        %swap3A_91 = arith.index_cast %swap3A_90 : i32 to index
        %swap3A_92 = arith.constant 32 : index
        %swap3A_93 = tpu.vector_load %arg22[%swap3A_91, %swap3A_92] {strides = array<i32>} : memref<2x64xf32, #tpu.memory_space<vmem>>, vector<16xf32>,
        tpu.vector_store %arg22[%swap3A_91, %swap3A_92], %gather3A_89 {strides = array<i32>} : memref<2x64xf32, #tpu.memory_space<vmem>>, vector<16xf32>,
        %get3A_94 = arith.constant 0 : i32
        %get3A_95 = arith.index_cast %get3A_94 : i32 to index
        %get3A_96 = arith.constant 48 : index
        %get3A_97 = tpu.vector_load %arg18[%get3A_95, %get3A_96] {strides = array<i32>} : memref<1x65xf32, #tpu.memory_space<vmem>>, vector<16xf32>,
        %swap3A_98 = arith.constant 0 : i32
        %swap3A_99 = arith.index_cast %swap3A_98 : i32 to index
        %swap3A_100 = arith.constant 48 : index
        %swap3A_101 = tpu.vector_load %arg22[%swap3A_99, %swap3A_100] {strides = array<i32>} : memref<2x64xf32, #tpu.memory_space<vmem>>, vector<16xf32>,
        tpu.vector_store %arg22[%swap3A_99, %swap3A_100], %get3A_97 {strides = array<i32>} : memref<2x64xf32, #tpu.memory_space<vmem>>, vector<16xf32>,
        %add3A_102 = arith.constant 48 : i32
        %add3A_103 = vector.broadcast %add3A_102 : i32 to vector<16xi32>
        %add3A_104 = arith.addi %iota3A, %add3A_103 : vector<16xi32>
        %gather3A_105 = tpu.vector_load_idx %arg16[%add3A_47, %add3A_104] : memref<128x65xf32, #tpu.memory_space<vmem>>[vector<16xi32>, vector<16xi32>], vector<16xf32>,
        %swap3A_106 = arith.constant 1 : i32
        %swap3A_107 = arith.index_cast %swap3A_106 : i32 to index
        %swap3A_108 = arith.constant 48 : index
        %swap3A_109 = tpu.vector_load %arg22[%swap3A_107, %swap3A_108] {strides = array<i32>} : memref<2x64xf32, #tpu.memory_space<vmem>>, vector<16xf32>,
        tpu.vector_store %arg22[%swap3A_107, %swap3A_108], %gather3A_105 {strides = array<i32>} : memref<2x64xf32, #tpu.memory_space<vmem>>, vector<16xf32>,
        "tpu.region"() ({
          %run_scoped3A = tpu.sem_alloc : memref<!tpu.dma_semaphore, #tpu.memory_space<semaphore_mem>>
          tpu.enqueue_dma source(%arg22 : memref<2x64xf32, #tpu.memory_space<vmem>>) target(%arg12 : memref<2x64xf32, #tpu.memory_space<hbm>>) target_semaphore(%run_scoped3A : memref<!tpu.dma_semaphore, #tpu.memory_space<semaphore_mem>>)
          tpu.wait_dma2 semaphore(%run_scoped3A : memref<!tpu.dma_semaphore, #tpu.memory_space<semaphore_mem>>) src(%arg22 : memref<2x64xf32, #tpu.memory_space<vmem>>) dst(%arg12 : memref<2x64xf32, #tpu.memory_space<hbm>>)
          tpu.yield
        }) : () -> ()
        %broadcast_in_dim3A_110 = arith.constant 0 : i32
        %broadcast_in_dim3A_111 = vector.broadcast %broadcast_in_dim3A_110 : i32 to vector<16xi32>
        %gather3A_112 = tpu.vector_load_idx %arg18[%broadcast_in_dim3A_111, %broadcast_in_dim3A_0] : memref<1x65xf32, #tpu.memory_space<vmem>>[vector<16xi32>, vector<16xi32>], vector<16xf32>,
        %gather3A_113 = tpu.vector_load_idx %arg16[%add3A_47, %broadcast_in_dim3A_0] : memref<128x65xf32, #tpu.memory_space<vmem>>[vector<16xi32>, vector<16xi32>], vector<16xf32>,
        %eq3A_114 = arith.constant 0 : i32
        %eq3A_115 = vector.broadcast %eq3A_114 : i32 to vector<16xi32>
        %eq3A_116 = arith.cmpi eq, %iota3A, %eq3A_115 : vector<16xi32>
        %select_n3A = arith.select %eq3A_116, %gather3A_112, %gather3A_113 : vector<16xi1>, vector<16xf32>
        %swap3A_117 = arith.constant 0 : index
        %swap3A_118 = tpu.vector_load %arg20[%swap3A_117] {strides = array<i32>} : memref<16xf32, #tpu.memory_space<vmem>>, vector<16xf32>,
        tpu.vector_store %arg20[%swap3A_117], %select_n3A {strides = array<i32>} : memref<16xf32, #tpu.memory_space<vmem>>, vector<16xf32>,
        "tpu.region"() ({
          %run_scoped3A = tpu.sem_alloc : memref<!tpu.dma_semaphore, #tpu.memory_space<semaphore_mem>>
          %dma_start3A_119 = arith.constant 0 : i32
          %dma_start3A_120 = tpu.memref_slice %arg20[%dma_start3A_119] : memref<16xf32, #tpu.memory_space<vmem>> -> memref<2xf32, #tpu.memory_space<vmem>>
          %dma_start3A_121 = arith.constant 0 : i32
          %dma_start3A_122 = tpu.memref_slice %arg20[%dma_start3A_121] : memref<16xf32, #tpu.memory_space<vmem>> -> memref<2xf32, #tpu.memory_space<vmem>>
          tpu.enqueue_dma source(%dma_start3A_122 : memref<2xf32, #tpu.memory_space<vmem>>) target(%arg11 : memref<2xf32, #tpu.memory_space<hbm>>) target_semaphore(%run_scoped3A : memref<!tpu.dma_semaphore, #tpu.memory_space<semaphore_mem>>)
          %dma_wait3A_123 = arith.constant 0 : i32
          %dma_wait3A_124 = tpu.memref_slice %arg20[%dma_wait3A_123] : memref<16xf32, #tpu.memory_space<vmem>> -> memref<2xf32, #tpu.memory_space<vmem>>
          %dma_wait3A_125 = arith.constant 0 : i32
          %dma_wait3A_126 = tpu.memref_slice %arg20[%dma_wait3A_125] : memref<16xf32, #tpu.memory_space<vmem>> -> memref<2xf32, #tpu.memory_space<vmem>>
          tpu.wait_dma2 semaphore(%run_scoped3A : memref<!tpu.dma_semaphore, #tpu.memory_space<semaphore_mem>>) src(%dma_wait3A_126 : memref<2xf32, #tpu.memory_space<vmem>>) dst(%arg11 : memref<2xf32, #tpu.memory_space<hbm>>)
          tpu.yield
        }) : () -> ()
      } else {
      }
      %barrier3A = arith.constant 0 : index
      tpu.barrier barrier_id(%barrier3A)
      %eq3A_12 = arith.constant 13 : i32
      %eq3A_13 = arith.cmpi eq, %arg1, %eq3A_12 : i32
      %convert_element_type3A_14 = arith.extui %eq3A_13 : i1 to i32
      %cond3A_15 = arith.constant 0 : i32
      %cond3A_16 = arith.cmpi ne, %convert_element_type3A_14, %cond3A_15 : i32
      scf.if %cond3A_16 {
        "tpu.region"() ({
          %run_scoped3A = tpu.sem_alloc : memref<!tpu.dma_semaphore, #tpu.memory_space<semaphore_mem>>
          tpu.enqueue_dma source(%arg13 : memref<16x8x64xf32, #tpu.memory_space<hbm>>) target(%arg23 : memref<16x8x64xf32, #tpu.memory_space<vmem>>) target_semaphore(%run_scoped3A : memref<!tpu.dma_semaphore, #tpu.memory_space<semaphore_mem>>)
          tpu.wait_dma2 semaphore(%run_scoped3A : memref<!tpu.dma_semaphore, #tpu.memory_space<semaphore_mem>>) src(%arg13 : memref<16x8x64xf32, #tpu.memory_space<hbm>>) dst(%arg23 : memref<16x8x64xf32, #tpu.memory_space<vmem>>)
          tpu.yield
        }) : () -> ()
        "tpu.region"() ({
          %run_scoped3A = tpu.sem_alloc : memref<!tpu.dma_semaphore, #tpu.memory_space<semaphore_mem>>
          %dma_start3A = arith.constant 0 : i32
          %dma_start3A_448 = tpu.memref_slice %arg21[%dma_start3A] : memref<16xf32, #tpu.memory_space<vmem>> -> memref<1xf32, #tpu.memory_space<vmem>>
          %dma_start3A_449 = arith.constant 0 : i32
          %dma_start3A_450 = tpu.memref_slice %arg21[%dma_start3A_449] : memref<16xf32, #tpu.memory_space<vmem>> -> memref<1xf32, #tpu.memory_space<vmem>>
          tpu.enqueue_dma source(%arg5 : memref<1xf32, #tpu.memory_space<hbm>>) target(%dma_start3A_450 : memref<1xf32, #tpu.memory_space<vmem>>) target_semaphore(%run_scoped3A : memref<!tpu.dma_semaphore, #tpu.memory_space<semaphore_mem>>)
          %dma_wait3A = arith.constant 0 : i32
          %dma_wait3A_451 = tpu.memref_slice %arg21[%dma_wait3A] : memref<16xf32, #tpu.memory_space<vmem>> -> memref<1xf32, #tpu.memory_space<vmem>>
          %dma_wait3A_452 = arith.constant 0 : i32
          %dma_wait3A_453 = tpu.memref_slice %arg21[%dma_wait3A_452] : memref<16xf32, #tpu.memory_space<vmem>> -> memref<1xf32, #tpu.memory_space<vmem>>
          tpu.wait_dma2 semaphore(%run_scoped3A : memref<!tpu.dma_semaphore, #tpu.memory_space<semaphore_mem>>) src(%arg5 : memref<1xf32, #tpu.memory_space<hbm>>) dst(%dma_wait3A_453 : memref<1xf32, #tpu.memory_space<vmem>>)
          tpu.yield
        }) : () -> ()
        %broadcast_in_dim3A_17 = arith.constant 0.000000e+00 : f32
        %broadcast_in_dim3A_18 = vector.broadcast %broadcast_in_dim3A_17 : f32 to vector<16xf32>
        %broadcast_in_dim3A_19 = arith.constant 0.000000e+00 : f32
        %broadcast_in_dim3A_20 = vector.broadcast %broadcast_in_dim3A_19 : f32 to vector<16xf32>
        %get3A = arith.constant 0 : i32
        %get3A_21 = arith.constant 0 : i32
        %get3A_22 = arith.index_cast %get3A : i32 to index
        %get3A_23 = arith.index_cast %get3A_21 : i32 to index
        %get3A_24 = arith.constant 0 : index
        %get3A_25 = tpu.vector_load %arg23[%get3A_22, %get3A_23, %get3A_24] {strides = array<i32>} : memref<16x8x64xf32, #tpu.memory_space<vmem>>, vector<16xf32>,
        %add3A = arith.addf %broadcast_in_dim3A_20, %get3A_25 : vector<16xf32>
        %get3A_26 = arith.constant 1 : i32
        %get3A_27 = arith.constant 0 : i32
        %get3A_28 = arith.index_cast %get3A_26 : i32 to index
        %get3A_29 = arith.index_cast %get3A_27 : i32 to index
        %get3A_30 = arith.constant 0 : index
        %get3A_31 = tpu.vector_load %arg23[%get3A_28, %get3A_29, %get3A_30] {strides = array<i32>} : memref<16x8x64xf32, #tpu.memory_space<vmem>>, vector<16xf32>,
        %add3A_32 = arith.addf %add3A, %get3A_31 : vector<16xf32>
        %get3A_33 = arith.constant 2 : i32
        %get3A_34 = arith.constant 0 : i32
        %get3A_35 = arith.index_cast %get3A_33 : i32 to index
        %get3A_36 = arith.index_cast %get3A_34 : i32 to index
        %get3A_37 = arith.constant 0 : index
        %get3A_38 = tpu.vector_load %arg23[%get3A_35, %get3A_36, %get3A_37] {strides = array<i32>} : memref<16x8x64xf32, #tpu.memory_space<vmem>>, vector<16xf32>,
        %add3A_39 = arith.addf %add3A_32, %get3A_38 : vector<16xf32>
        %get3A_40 = arith.constant 3 : i32
        %get3A_41 = arith.constant 0 : i32
        %get3A_42 = arith.index_cast %get3A_40 : i32 to index
        %get3A_43 = arith.index_cast %get3A_41 : i32 to index
        %get3A_44 = arith.constant 0 : index
        %get3A_45 = tpu.vector_load %arg23[%get3A_42, %get3A_43, %get3A_44] {strides = array<i32>} : memref<16x8x64xf32, #tpu.memory_space<vmem>>, vector<16xf32>,
        %add3A_46 = arith.addf %add3A_39, %get3A_45 : vector<16xf32>
        %get3A_47 = arith.constant 4 : i32
        %get3A_48 = arith.constant 0 : i32
        %get3A_49 = arith.index_cast %get3A_47 : i32 to index
        %get3A_50 = arith.index_cast %get3A_48 : i32 to index
        %get3A_51 = arith.constant 0 : index
        %get3A_52 = tpu.vector_load %arg23[%get3A_49, %get3A_50, %get3A_51] {strides = array<i32>} : memref<16x8x64xf32, #tpu.memory_space<vmem>>, vector<16xf32>,
        %add3A_53 = arith.addf %add3A_46, %get3A_52 : vector<16xf32>
        %get3A_54 = arith.constant 5 : i32
        %get3A_55 = arith.constant 0 : i32
        %get3A_56 = arith.index_cast %get3A_54 : i32 to index
        %get3A_57 = arith.index_cast %get3A_55 : i32 to index
        %get3A_58 = arith.constant 0 : index
        %get3A_59 = tpu.vector_load %arg23[%get3A_56, %get3A_57, %get3A_58] {strides = array<i32>} : memref<16x8x64xf32, #tpu.memory_space<vmem>>, vector<16xf32>,
        %add3A_60 = arith.addf %add3A_53, %get3A_59 : vector<16xf32>
        %get3A_61 = arith.constant 6 : i32
        %get3A_62 = arith.constant 0 : i32
        %get3A_63 = arith.index_cast %get3A_61 : i32 to index
        %get3A_64 = arith.index_cast %get3A_62 : i32 to index
        %get3A_65 = arith.constant 0 : index
        %get3A_66 = tpu.vector_load %arg23[%get3A_63, %get3A_64, %get3A_65] {strides = array<i32>} : memref<16x8x64xf32, #tpu.memory_space<vmem>>, vector<16xf32>,
        %add3A_67 = arith.addf %add3A_60, %get3A_66 : vector<16xf32>
        %get3A_68 = arith.constant 7 : i32
        %get3A_69 = arith.constant 0 : i32
        %get3A_70 = arith.index_cast %get3A_68 : i32 to index
        %get3A_71 = arith.index_cast %get3A_69 : i32 to index
        %get3A_72 = arith.constant 0 : index
        %get3A_73 = tpu.vector_load %arg23[%get3A_70, %get3A_71, %get3A_72] {strides = array<i32>} : memref<16x8x64xf32, #tpu.memory_space<vmem>>, vector<16xf32>,
        %add3A_74 = arith.addf %add3A_67, %get3A_73 : vector<16xf32>
        %get3A_75 = arith.constant 8 : i32
        %get3A_76 = arith.constant 0 : i32
        %get3A_77 = arith.index_cast %get3A_75 : i32 to index
        %get3A_78 = arith.index_cast %get3A_76 : i32 to index
        %get3A_79 = arith.constant 0 : index
        %get3A_80 = tpu.vector_load %arg23[%get3A_77, %get3A_78, %get3A_79] {strides = array<i32>} : memref<16x8x64xf32, #tpu.memory_space<vmem>>, vector<16xf32>,
        %add3A_81 = arith.addf %add3A_74, %get3A_80 : vector<16xf32>
        %get3A_82 = arith.constant 9 : i32
        %get3A_83 = arith.constant 0 : i32
        %get3A_84 = arith.index_cast %get3A_82 : i32 to index
        %get3A_85 = arith.index_cast %get3A_83 : i32 to index
        %get3A_86 = arith.constant 0 : index
        %get3A_87 = tpu.vector_load %arg23[%get3A_84, %get3A_85, %get3A_86] {strides = array<i32>} : memref<16x8x64xf32, #tpu.memory_space<vmem>>, vector<16xf32>,
        %add3A_88 = arith.addf %add3A_81, %get3A_87 : vector<16xf32>
        %get3A_89 = arith.constant 10 : i32
        %get3A_90 = arith.constant 0 : i32
        %get3A_91 = arith.index_cast %get3A_89 : i32 to index
        %get3A_92 = arith.index_cast %get3A_90 : i32 to index
        %get3A_93 = arith.constant 0 : index
        %get3A_94 = tpu.vector_load %arg23[%get3A_91, %get3A_92, %get3A_93] {strides = array<i32>} : memref<16x8x64xf32, #tpu.memory_space<vmem>>, vector<16xf32>,
        %add3A_95 = arith.addf %add3A_88, %get3A_94 : vector<16xf32>
        %get3A_96 = arith.constant 11 : i32
        %get3A_97 = arith.constant 0 : i32
        %get3A_98 = arith.index_cast %get3A_96 : i32 to index
        %get3A_99 = arith.index_cast %get3A_97 : i32 to index
        %get3A_100 = arith.constant 0 : index
        %get3A_101 = tpu.vector_load %arg23[%get3A_98, %get3A_99, %get3A_100] {strides = array<i32>} : memref<16x8x64xf32, #tpu.memory_space<vmem>>, vector<16xf32>,
        %add3A_102 = arith.addf %add3A_95, %get3A_101 : vector<16xf32>
        %get3A_103 = arith.constant 12 : i32
        %get3A_104 = arith.constant 0 : i32
        %get3A_105 = arith.index_cast %get3A_103 : i32 to index
        %get3A_106 = arith.index_cast %get3A_104 : i32 to index
        %get3A_107 = arith.constant 0 : index
        %get3A_108 = tpu.vector_load %arg23[%get3A_105, %get3A_106, %get3A_107] {strides = array<i32>} : memref<16x8x64xf32, #tpu.memory_space<vmem>>, vector<16xf32>,
        %add3A_109 = arith.addf %add3A_102, %get3A_108 : vector<16xf32>
        %get3A_110 = arith.constant 0 : i32
        %get3A_111 = arith.index_cast %get3A_110 : i32 to index
        %get3A_112 = arith.constant 0 : index
        %get3A_113 = tpu.vector_load %arg22[%get3A_111, %get3A_112] {strides = array<i32>} : memref<2x64xf32, #tpu.memory_space<vmem>>, vector<16xf32>,
        %get3A_114 = arith.constant 1 : i32
        %get3A_115 = arith.index_cast %get3A_114 : i32 to index
        %get3A_116 = arith.constant 0 : index
        %get3A_117 = tpu.vector_load %arg22[%get3A_115, %get3A_116] {strides = array<i32>} : memref<2x64xf32, #tpu.memory_space<vmem>>, vector<16xf32>,
        %mul3A = arith.mulf %get3A_113, %get3A_117 : vector<16xf32>
        %add3A_118 = arith.addf %broadcast_in_dim3A_18, %mul3A : vector<16xf32>
        %add3A_119 = arith.addf %get3A_113, %get3A_117 : vector<16xf32>
        %mul3A_120 = arith.mulf %add3A_119, %add3A_109 : vector<16xf32>
        %add3A_121 = arith.addf %add3A_118, %mul3A_120 : vector<16xf32>
        %broadcast_in_dim3A_122 = arith.constant 0.000000e+00 : f32
        %broadcast_in_dim3A_123 = vector.broadcast %broadcast_in_dim3A_122 : f32 to vector<16xf32>
        %get3A_124 = arith.constant 0 : i32
        %get3A_125 = arith.constant 0 : i32
        %get3A_126 = arith.index_cast %get3A_124 : i32 to index
        %get3A_127 = arith.index_cast %get3A_125 : i32 to index
        %get3A_128 = arith.constant 16 : index
        %get3A_129 = tpu.vector_load %arg23[%get3A_126, %get3A_127, %get3A_128] {strides = array<i32>} : memref<16x8x64xf32, #tpu.memory_space<vmem>>, vector<16xf32>,
        %add3A_130 = arith.addf %broadcast_in_dim3A_123, %get3A_129 : vector<16xf32>
        %get3A_131 = arith.constant 1 : i32
        %get3A_132 = arith.constant 0 : i32
        %get3A_133 = arith.index_cast %get3A_131 : i32 to index
        %get3A_134 = arith.index_cast %get3A_132 : i32 to index
        %get3A_135 = arith.constant 16 : index
        %get3A_136 = tpu.vector_load %arg23[%get3A_133, %get3A_134, %get3A_135] {strides = array<i32>} : memref<16x8x64xf32, #tpu.memory_space<vmem>>, vector<16xf32>,
        %add3A_137 = arith.addf %add3A_130, %get3A_136 : vector<16xf32>
        %get3A_138 = arith.constant 2 : i32
        %get3A_139 = arith.constant 0 : i32
        %get3A_140 = arith.index_cast %get3A_138 : i32 to index
        %get3A_141 = arith.index_cast %get3A_139 : i32 to index
        %get3A_142 = arith.constant 16 : index
        %get3A_143 = tpu.vector_load %arg23[%get3A_140, %get3A_141, %get3A_142] {strides = array<i32>} : memref<16x8x64xf32, #tpu.memory_space<vmem>>, vector<16xf32>,
        %add3A_144 = arith.addf %add3A_137, %get3A_143 : vector<16xf32>
        %get3A_145 = arith.constant 3 : i32
        %get3A_146 = arith.constant 0 : i32
        %get3A_147 = arith.index_cast %get3A_145 : i32 to index
        %get3A_148 = arith.index_cast %get3A_146 : i32 to index
        %get3A_149 = arith.constant 16 : index
        %get3A_150 = tpu.vector_load %arg23[%get3A_147, %get3A_148, %get3A_149] {strides = array<i32>} : memref<16x8x64xf32, #tpu.memory_space<vmem>>, vector<16xf32>,
        %add3A_151 = arith.addf %add3A_144, %get3A_150 : vector<16xf32>
        %get3A_152 = arith.constant 4 : i32
        %get3A_153 = arith.constant 0 : i32
        %get3A_154 = arith.index_cast %get3A_152 : i32 to index
        %get3A_155 = arith.index_cast %get3A_153 : i32 to index
        %get3A_156 = arith.constant 16 : index
        %get3A_157 = tpu.vector_load %arg23[%get3A_154, %get3A_155, %get3A_156] {strides = array<i32>} : memref<16x8x64xf32, #tpu.memory_space<vmem>>, vector<16xf32>,
        %add3A_158 = arith.addf %add3A_151, %get3A_157 : vector<16xf32>
        %get3A_159 = arith.constant 5 : i32
        %get3A_160 = arith.constant 0 : i32
        %get3A_161 = arith.index_cast %get3A_159 : i32 to index
        %get3A_162 = arith.index_cast %get3A_160 : i32 to index
        %get3A_163 = arith.constant 16 : index
        %get3A_164 = tpu.vector_load %arg23[%get3A_161, %get3A_162, %get3A_163] {strides = array<i32>} : memref<16x8x64xf32, #tpu.memory_space<vmem>>, vector<16xf32>,
        %add3A_165 = arith.addf %add3A_158, %get3A_164 : vector<16xf32>
        %get3A_166 = arith.constant 6 : i32
        %get3A_167 = arith.constant 0 : i32
        %get3A_168 = arith.index_cast %get3A_166 : i32 to index
        %get3A_169 = arith.index_cast %get3A_167 : i32 to index
        %get3A_170 = arith.constant 16 : index
        %get3A_171 = tpu.vector_load %arg23[%get3A_168, %get3A_169, %get3A_170] {strides = array<i32>} : memref<16x8x64xf32, #tpu.memory_space<vmem>>, vector<16xf32>,
        %add3A_172 = arith.addf %add3A_165, %get3A_171 : vector<16xf32>
        %get3A_173 = arith.constant 7 : i32
        %get3A_174 = arith.constant 0 : i32
        %get3A_175 = arith.index_cast %get3A_173 : i32 to index
        %get3A_176 = arith.index_cast %get3A_174 : i32 to index
        %get3A_177 = arith.constant 16 : index
        %get3A_178 = tpu.vector_load %arg23[%get3A_175, %get3A_176, %get3A_177] {strides = array<i32>} : memref<16x8x64xf32, #tpu.memory_space<vmem>>, vector<16xf32>,
        %add3A_179 = arith.addf %add3A_172, %get3A_178 : vector<16xf32>
        %get3A_180 = arith.constant 8 : i32
        %get3A_181 = arith.constant 0 : i32
        %get3A_182 = arith.index_cast %get3A_180 : i32 to index
        %get3A_183 = arith.index_cast %get3A_181 : i32 to index
        %get3A_184 = arith.constant 16 : index
        %get3A_185 = tpu.vector_load %arg23[%get3A_182, %get3A_183, %get3A_184] {strides = array<i32>} : memref<16x8x64xf32, #tpu.memory_space<vmem>>, vector<16xf32>,
        %add3A_186 = arith.addf %add3A_179, %get3A_185 : vector<16xf32>
        %get3A_187 = arith.constant 9 : i32
        %get3A_188 = arith.constant 0 : i32
        %get3A_189 = arith.index_cast %get3A_187 : i32 to index
        %get3A_190 = arith.index_cast %get3A_188 : i32 to index
        %get3A_191 = arith.constant 16 : index
        %get3A_192 = tpu.vector_load %arg23[%get3A_189, %get3A_190, %get3A_191] {strides = array<i32>} : memref<16x8x64xf32, #tpu.memory_space<vmem>>, vector<16xf32>,
        %add3A_193 = arith.addf %add3A_186, %get3A_192 : vector<16xf32>
        %get3A_194 = arith.constant 10 : i32
        %get3A_195 = arith.constant 0 : i32
        %get3A_196 = arith.index_cast %get3A_194 : i32 to index
        %get3A_197 = arith.index_cast %get3A_195 : i32 to index
        %get3A_198 = arith.constant 16 : index
        %get3A_199 = tpu.vector_load %arg23[%get3A_196, %get3A_197, %get3A_198] {strides = array<i32>} : memref<16x8x64xf32, #tpu.memory_space<vmem>>, vector<16xf32>,
        %add3A_200 = arith.addf %add3A_193, %get3A_199 : vector<16xf32>
        %get3A_201 = arith.constant 11 : i32
        %get3A_202 = arith.constant 0 : i32
        %get3A_203 = arith.index_cast %get3A_201 : i32 to index
        %get3A_204 = arith.index_cast %get3A_202 : i32 to index
        %get3A_205 = arith.constant 16 : index
        %get3A_206 = tpu.vector_load %arg23[%get3A_203, %get3A_204, %get3A_205] {strides = array<i32>} : memref<16x8x64xf32, #tpu.memory_space<vmem>>, vector<16xf32>,
        %add3A_207 = arith.addf %add3A_200, %get3A_206 : vector<16xf32>
        %get3A_208 = arith.constant 12 : i32
        %get3A_209 = arith.constant 0 : i32
        %get3A_210 = arith.index_cast %get3A_208 : i32 to index
        %get3A_211 = arith.index_cast %get3A_209 : i32 to index
        %get3A_212 = arith.constant 16 : index
        %get3A_213 = tpu.vector_load %arg23[%get3A_210, %get3A_211, %get3A_212] {strides = array<i32>} : memref<16x8x64xf32, #tpu.memory_space<vmem>>, vector<16xf32>,
        %add3A_214 = arith.addf %add3A_207, %get3A_213 : vector<16xf32>
        %get3A_215 = arith.constant 0 : i32
        %get3A_216 = arith.index_cast %get3A_215 : i32 to index
        %get3A_217 = arith.constant 16 : index
        %get3A_218 = tpu.vector_load %arg22[%get3A_216, %get3A_217] {strides = array<i32>} : memref<2x64xf32, #tpu.memory_space<vmem>>, vector<16xf32>,
        %get3A_219 = arith.constant 1 : i32
        %get3A_220 = arith.index_cast %get3A_219 : i32 to index
        %get3A_221 = arith.constant 16 : index
        %get3A_222 = tpu.vector_load %arg22[%get3A_220, %get3A_221] {strides = array<i32>} : memref<2x64xf32, #tpu.memory_space<vmem>>, vector<16xf32>,
        %mul3A_223 = arith.mulf %get3A_218, %get3A_222 : vector<16xf32>
        %add3A_224 = arith.addf %add3A_121, %mul3A_223 : vector<16xf32>
        %add3A_225 = arith.addf %get3A_218, %get3A_222 : vector<16xf32>
        %mul3A_226 = arith.mulf %add3A_225, %add3A_214 : vector<16xf32>
        %add3A_227 = arith.addf %add3A_224, %mul3A_226 : vector<16xf32>
        %broadcast_in_dim3A_228 = arith.constant 0.000000e+00 : f32
        %broadcast_in_dim3A_229 = vector.broadcast %broadcast_in_dim3A_228 : f32 to vector<16xf32>
        %get3A_230 = arith.constant 0 : i32
        %get3A_231 = arith.constant 0 : i32
        %get3A_232 = arith.index_cast %get3A_230 : i32 to index
        %get3A_233 = arith.index_cast %get3A_231 : i32 to index
        %get3A_234 = arith.constant 32 : index
        %get3A_235 = tpu.vector_load %arg23[%get3A_232, %get3A_233, %get3A_234] {strides = array<i32>} : memref<16x8x64xf32, #tpu.memory_space<vmem>>, vector<16xf32>,
        %add3A_236 = arith.addf %broadcast_in_dim3A_229, %get3A_235 : vector<16xf32>
        %get3A_237 = arith.constant 1 : i32
        %get3A_238 = arith.constant 0 : i32
        %get3A_239 = arith.index_cast %get3A_237 : i32 to index
        %get3A_240 = arith.index_cast %get3A_238 : i32 to index
        %get3A_241 = arith.constant 32 : index
        %get3A_242 = tpu.vector_load %arg23[%get3A_239, %get3A_240, %get3A_241] {strides = array<i32>} : memref<16x8x64xf32, #tpu.memory_space<vmem>>, vector<16xf32>,
        %add3A_243 = arith.addf %add3A_236, %get3A_242 : vector<16xf32>
        %get3A_244 = arith.constant 2 : i32
        %get3A_245 = arith.constant 0 : i32
        %get3A_246 = arith.index_cast %get3A_244 : i32 to index
        %get3A_247 = arith.index_cast %get3A_245 : i32 to index
        %get3A_248 = arith.constant 32 : index
        %get3A_249 = tpu.vector_load %arg23[%get3A_246, %get3A_247, %get3A_248] {strides = array<i32>} : memref<16x8x64xf32, #tpu.memory_space<vmem>>, vector<16xf32>,
        %add3A_250 = arith.addf %add3A_243, %get3A_249 : vector<16xf32>
        %get3A_251 = arith.constant 3 : i32
        %get3A_252 = arith.constant 0 : i32
        %get3A_253 = arith.index_cast %get3A_251 : i32 to index
        %get3A_254 = arith.index_cast %get3A_252 : i32 to index
        %get3A_255 = arith.constant 32 : index
        %get3A_256 = tpu.vector_load %arg23[%get3A_253, %get3A_254, %get3A_255] {strides = array<i32>} : memref<16x8x64xf32, #tpu.memory_space<vmem>>, vector<16xf32>,
        %add3A_257 = arith.addf %add3A_250, %get3A_256 : vector<16xf32>
        %get3A_258 = arith.constant 4 : i32
        %get3A_259 = arith.constant 0 : i32
        %get3A_260 = arith.index_cast %get3A_258 : i32 to index
        %get3A_261 = arith.index_cast %get3A_259 : i32 to index
        %get3A_262 = arith.constant 32 : index
        %get3A_263 = tpu.vector_load %arg23[%get3A_260, %get3A_261, %get3A_262] {strides = array<i32>} : memref<16x8x64xf32, #tpu.memory_space<vmem>>, vector<16xf32>,
        %add3A_264 = arith.addf %add3A_257, %get3A_263 : vector<16xf32>
        %get3A_265 = arith.constant 5 : i32
        %get3A_266 = arith.constant 0 : i32
        %get3A_267 = arith.index_cast %get3A_265 : i32 to index
        %get3A_268 = arith.index_cast %get3A_266 : i32 to index
        %get3A_269 = arith.constant 32 : index
        %get3A_270 = tpu.vector_load %arg23[%get3A_267, %get3A_268, %get3A_269] {strides = array<i32>} : memref<16x8x64xf32, #tpu.memory_space<vmem>>, vector<16xf32>,
        %add3A_271 = arith.addf %add3A_264, %get3A_270 : vector<16xf32>
        %get3A_272 = arith.constant 6 : i32
        %get3A_273 = arith.constant 0 : i32
        %get3A_274 = arith.index_cast %get3A_272 : i32 to index
        %get3A_275 = arith.index_cast %get3A_273 : i32 to index
        %get3A_276 = arith.constant 32 : index
        %get3A_277 = tpu.vector_load %arg23[%get3A_274, %get3A_275, %get3A_276] {strides = array<i32>} : memref<16x8x64xf32, #tpu.memory_space<vmem>>, vector<16xf32>,
        %add3A_278 = arith.addf %add3A_271, %get3A_277 : vector<16xf32>
        %get3A_279 = arith.constant 7 : i32
        %get3A_280 = arith.constant 0 : i32
        %get3A_281 = arith.index_cast %get3A_279 : i32 to index
        %get3A_282 = arith.index_cast %get3A_280 : i32 to index
        %get3A_283 = arith.constant 32 : index
        %get3A_284 = tpu.vector_load %arg23[%get3A_281, %get3A_282, %get3A_283] {strides = array<i32>} : memref<16x8x64xf32, #tpu.memory_space<vmem>>, vector<16xf32>,
        %add3A_285 = arith.addf %add3A_278, %get3A_284 : vector<16xf32>
        %get3A_286 = arith.constant 8 : i32
        %get3A_287 = arith.constant 0 : i32
        %get3A_288 = arith.index_cast %get3A_286 : i32 to index
        %get3A_289 = arith.index_cast %get3A_287 : i32 to index
        %get3A_290 = arith.constant 32 : index
        %get3A_291 = tpu.vector_load %arg23[%get3A_288, %get3A_289, %get3A_290] {strides = array<i32>} : memref<16x8x64xf32, #tpu.memory_space<vmem>>, vector<16xf32>,
        %add3A_292 = arith.addf %add3A_285, %get3A_291 : vector<16xf32>
        %get3A_293 = arith.constant 9 : i32
        %get3A_294 = arith.constant 0 : i32
        %get3A_295 = arith.index_cast %get3A_293 : i32 to index
        %get3A_296 = arith.index_cast %get3A_294 : i32 to index
        %get3A_297 = arith.constant 32 : index
        %get3A_298 = tpu.vector_load %arg23[%get3A_295, %get3A_296, %get3A_297] {strides = array<i32>} : memref<16x8x64xf32, #tpu.memory_space<vmem>>, vector<16xf32>,
        %add3A_299 = arith.addf %add3A_292, %get3A_298 : vector<16xf32>
        %get3A_300 = arith.constant 10 : i32
        %get3A_301 = arith.constant 0 : i32
        %get3A_302 = arith.index_cast %get3A_300 : i32 to index
        %get3A_303 = arith.index_cast %get3A_301 : i32 to index
        %get3A_304 = arith.constant 32 : index
        %get3A_305 = tpu.vector_load %arg23[%get3A_302, %get3A_303, %get3A_304] {strides = array<i32>} : memref<16x8x64xf32, #tpu.memory_space<vmem>>, vector<16xf32>,
        %add3A_306 = arith.addf %add3A_299, %get3A_305 : vector<16xf32>
        %get3A_307 = arith.constant 11 : i32
        %get3A_308 = arith.constant 0 : i32
        %get3A_309 = arith.index_cast %get3A_307 : i32 to index
        %get3A_310 = arith.index_cast %get3A_308 : i32 to index
        %get3A_311 = arith.constant 32 : index
        %get3A_312 = tpu.vector_load %arg23[%get3A_309, %get3A_310, %get3A_311] {strides = array<i32>} : memref<16x8x64xf32, #tpu.memory_space<vmem>>, vector<16xf32>,
        %add3A_313 = arith.addf %add3A_306, %get3A_312 : vector<16xf32>
        %get3A_314 = arith.constant 12 : i32
        %get3A_315 = arith.constant 0 : i32
        %get3A_316 = arith.index_cast %get3A_314 : i32 to index
        %get3A_317 = arith.index_cast %get3A_315 : i32 to index
        %get3A_318 = arith.constant 32 : index
        %get3A_319 = tpu.vector_load %arg23[%get3A_316, %get3A_317, %get3A_318] {strides = array<i32>} : memref<16x8x64xf32, #tpu.memory_space<vmem>>, vector<16xf32>,
        %add3A_320 = arith.addf %add3A_313, %get3A_319 : vector<16xf32>
        %get3A_321 = arith.constant 0 : i32
        %get3A_322 = arith.index_cast %get3A_321 : i32 to index
        %get3A_323 = arith.constant 32 : index
        %get3A_324 = tpu.vector_load %arg22[%get3A_322, %get3A_323] {strides = array<i32>} : memref<2x64xf32, #tpu.memory_space<vmem>>, vector<16xf32>,
        %get3A_325 = arith.constant 1 : i32
        %get3A_326 = arith.index_cast %get3A_325 : i32 to index
        %get3A_327 = arith.constant 32 : index
        %get3A_328 = tpu.vector_load %arg22[%get3A_326, %get3A_327] {strides = array<i32>} : memref<2x64xf32, #tpu.memory_space<vmem>>, vector<16xf32>,
        %mul3A_329 = arith.mulf %get3A_324, %get3A_328 : vector<16xf32>
        %add3A_330 = arith.addf %add3A_227, %mul3A_329 : vector<16xf32>
        %add3A_331 = arith.addf %get3A_324, %get3A_328 : vector<16xf32>
        %mul3A_332 = arith.mulf %add3A_331, %add3A_320 : vector<16xf32>
        %add3A_333 = arith.addf %add3A_330, %mul3A_332 : vector<16xf32>
        %broadcast_in_dim3A_334 = arith.constant 0.000000e+00 : f32
        %broadcast_in_dim3A_335 = vector.broadcast %broadcast_in_dim3A_334 : f32 to vector<16xf32>
        %get3A_336 = arith.constant 0 : i32
        %get3A_337 = arith.constant 0 : i32
        %get3A_338 = arith.index_cast %get3A_336 : i32 to index
        %get3A_339 = arith.index_cast %get3A_337 : i32 to index
        %get3A_340 = arith.constant 48 : index
        %get3A_341 = tpu.vector_load %arg23[%get3A_338, %get3A_339, %get3A_340] {strides = array<i32>} : memref<16x8x64xf32, #tpu.memory_space<vmem>>, vector<16xf32>,
        %add3A_342 = arith.addf %broadcast_in_dim3A_335, %get3A_341 : vector<16xf32>
        %get3A_343 = arith.constant 1 : i32
        %get3A_344 = arith.constant 0 : i32
        %get3A_345 = arith.index_cast %get3A_343 : i32 to index
        %get3A_346 = arith.index_cast %get3A_344 : i32 to index
        %get3A_347 = arith.constant 48 : index
        %get3A_348 = tpu.vector_load %arg23[%get3A_345, %get3A_346, %get3A_347] {strides = array<i32>} : memref<16x8x64xf32, #tpu.memory_space<vmem>>, vector<16xf32>,
        %add3A_349 = arith.addf %add3A_342, %get3A_348 : vector<16xf32>
        %get3A_350 = arith.constant 2 : i32
        %get3A_351 = arith.constant 0 : i32
        %get3A_352 = arith.index_cast %get3A_350 : i32 to index
        %get3A_353 = arith.index_cast %get3A_351 : i32 to index
        %get3A_354 = arith.constant 48 : index
        %get3A_355 = tpu.vector_load %arg23[%get3A_352, %get3A_353, %get3A_354] {strides = array<i32>} : memref<16x8x64xf32, #tpu.memory_space<vmem>>, vector<16xf32>,
        %add3A_356 = arith.addf %add3A_349, %get3A_355 : vector<16xf32>
        %get3A_357 = arith.constant 3 : i32
        %get3A_358 = arith.constant 0 : i32
        %get3A_359 = arith.index_cast %get3A_357 : i32 to index
        %get3A_360 = arith.index_cast %get3A_358 : i32 to index
        %get3A_361 = arith.constant 48 : index
        %get3A_362 = tpu.vector_load %arg23[%get3A_359, %get3A_360, %get3A_361] {strides = array<i32>} : memref<16x8x64xf32, #tpu.memory_space<vmem>>, vector<16xf32>,
        %add3A_363 = arith.addf %add3A_356, %get3A_362 : vector<16xf32>
        %get3A_364 = arith.constant 4 : i32
        %get3A_365 = arith.constant 0 : i32
        %get3A_366 = arith.index_cast %get3A_364 : i32 to index
        %get3A_367 = arith.index_cast %get3A_365 : i32 to index
        %get3A_368 = arith.constant 48 : index
        %get3A_369 = tpu.vector_load %arg23[%get3A_366, %get3A_367, %get3A_368] {strides = array<i32>} : memref<16x8x64xf32, #tpu.memory_space<vmem>>, vector<16xf32>,
        %add3A_370 = arith.addf %add3A_363, %get3A_369 : vector<16xf32>
        %get3A_371 = arith.constant 5 : i32
        %get3A_372 = arith.constant 0 : i32
        %get3A_373 = arith.index_cast %get3A_371 : i32 to index
        %get3A_374 = arith.index_cast %get3A_372 : i32 to index
        %get3A_375 = arith.constant 48 : index
        %get3A_376 = tpu.vector_load %arg23[%get3A_373, %get3A_374, %get3A_375] {strides = array<i32>} : memref<16x8x64xf32, #tpu.memory_space<vmem>>, vector<16xf32>,
        %add3A_377 = arith.addf %add3A_370, %get3A_376 : vector<16xf32>
        %get3A_378 = arith.constant 6 : i32
        %get3A_379 = arith.constant 0 : i32
        %get3A_380 = arith.index_cast %get3A_378 : i32 to index
        %get3A_381 = arith.index_cast %get3A_379 : i32 to index
        %get3A_382 = arith.constant 48 : index
        %get3A_383 = tpu.vector_load %arg23[%get3A_380, %get3A_381, %get3A_382] {strides = array<i32>} : memref<16x8x64xf32, #tpu.memory_space<vmem>>, vector<16xf32>,
        %add3A_384 = arith.addf %add3A_377, %get3A_383 : vector<16xf32>
        %get3A_385 = arith.constant 7 : i32
        %get3A_386 = arith.constant 0 : i32
        %get3A_387 = arith.index_cast %get3A_385 : i32 to index
        %get3A_388 = arith.index_cast %get3A_386 : i32 to index
        %get3A_389 = arith.constant 48 : index
        %get3A_390 = tpu.vector_load %arg23[%get3A_387, %get3A_388, %get3A_389] {strides = array<i32>} : memref<16x8x64xf32, #tpu.memory_space<vmem>>, vector<16xf32>,
        %add3A_391 = arith.addf %add3A_384, %get3A_390 : vector<16xf32>
        %get3A_392 = arith.constant 8 : i32
        %get3A_393 = arith.constant 0 : i32
        %get3A_394 = arith.index_cast %get3A_392 : i32 to index
        %get3A_395 = arith.index_cast %get3A_393 : i32 to index
        %get3A_396 = arith.constant 48 : index
        %get3A_397 = tpu.vector_load %arg23[%get3A_394, %get3A_395, %get3A_396] {strides = array<i32>} : memref<16x8x64xf32, #tpu.memory_space<vmem>>, vector<16xf32>,
        %add3A_398 = arith.addf %add3A_391, %get3A_397 : vector<16xf32>
        %get3A_399 = arith.constant 9 : i32
        %get3A_400 = arith.constant 0 : i32
        %get3A_401 = arith.index_cast %get3A_399 : i32 to index
        %get3A_402 = arith.index_cast %get3A_400 : i32 to index
        %get3A_403 = arith.constant 48 : index
        %get3A_404 = tpu.vector_load %arg23[%get3A_401, %get3A_402, %get3A_403] {strides = array<i32>} : memref<16x8x64xf32, #tpu.memory_space<vmem>>, vector<16xf32>,
        %add3A_405 = arith.addf %add3A_398, %get3A_404 : vector<16xf32>
        %get3A_406 = arith.constant 10 : i32
        %get3A_407 = arith.constant 0 : i32
        %get3A_408 = arith.index_cast %get3A_406 : i32 to index
        %get3A_409 = arith.index_cast %get3A_407 : i32 to index
        %get3A_410 = arith.constant 48 : index
        %get3A_411 = tpu.vector_load %arg23[%get3A_408, %get3A_409, %get3A_410] {strides = array<i32>} : memref<16x8x64xf32, #tpu.memory_space<vmem>>, vector<16xf32>,
        %add3A_412 = arith.addf %add3A_405, %get3A_411 : vector<16xf32>
        %get3A_413 = arith.constant 11 : i32
        %get3A_414 = arith.constant 0 : i32
        %get3A_415 = arith.index_cast %get3A_413 : i32 to index
        %get3A_416 = arith.index_cast %get3A_414 : i32 to index
        %get3A_417 = arith.constant 48 : index
        %get3A_418 = tpu.vector_load %arg23[%get3A_415, %get3A_416, %get3A_417] {strides = array<i32>} : memref<16x8x64xf32, #tpu.memory_space<vmem>>, vector<16xf32>,
        %add3A_419 = arith.addf %add3A_412, %get3A_418 : vector<16xf32>
        %get3A_420 = arith.constant 12 : i32
        %get3A_421 = arith.constant 0 : i32
        %get3A_422 = arith.index_cast %get3A_420 : i32 to index
        %get3A_423 = arith.index_cast %get3A_421 : i32 to index
        %get3A_424 = arith.constant 48 : index
        %get3A_425 = tpu.vector_load %arg23[%get3A_422, %get3A_423, %get3A_424] {strides = array<i32>} : memref<16x8x64xf32, #tpu.memory_space<vmem>>, vector<16xf32>,
        %add3A_426 = arith.addf %add3A_419, %get3A_425 : vector<16xf32>
        %get3A_427 = arith.constant 0 : i32
        %get3A_428 = arith.index_cast %get3A_427 : i32 to index
        %get3A_429 = arith.constant 48 : index
        %get3A_430 = tpu.vector_load %arg22[%get3A_428, %get3A_429] {strides = array<i32>} : memref<2x64xf32, #tpu.memory_space<vmem>>, vector<16xf32>,
        %get3A_431 = arith.constant 1 : i32
        %get3A_432 = arith.index_cast %get3A_431 : i32 to index
        %get3A_433 = arith.constant 48 : index
        %get3A_434 = tpu.vector_load %arg22[%get3A_432, %get3A_433] {strides = array<i32>} : memref<2x64xf32, #tpu.memory_space<vmem>>, vector<16xf32>,
        %mul3A_435 = arith.mulf %get3A_430, %get3A_434 : vector<16xf32>
        %add3A_436 = arith.addf %add3A_333, %mul3A_435 : vector<16xf32>
        %add3A_437 = arith.addf %get3A_430, %get3A_434 : vector<16xf32>
        %mul3A_438 = arith.mulf %add3A_437, %add3A_426 : vector<16xf32>
        %add3A_439 = arith.addf %add3A_436, %mul3A_438 : vector<16xf32>
        %reduce_sum3A = arith.constant true
        %reduce_sum3A_440 = vector.broadcast %reduce_sum3A : i1 to vector<16xi1>
        %reduce_sum3A_441 = tpu.scan <sum>, %add3A_439 masked %reduce_sum3A_440 : vector<16xf32>, vector<16xi1> -> vector<16xf32>
        %reduce_sum3A_442 = vector.extract %reduce_sum3A_441[15] : f32 from vector<16xf32>
        %broadcast_in_dim3A_443 = arith.constant 0 : i32
        %broadcast_in_dim3A_444 = vector.broadcast %broadcast_in_dim3A_443 : i32 to vector<16xi32>
        %gather3A = tpu.vector_load_idx %arg21[%broadcast_in_dim3A_444] : memref<16xf32, #tpu.memory_space<vmem>>[vector<16xi32>], vector<16xf32>,
        %add3A_445 = vector.broadcast %reduce_sum3A_442 : f32 to vector<16xf32>
        %add3A_446 = arith.addf %gather3A, %add3A_445 : vector<16xf32>
        %swap3A = arith.constant 0 : index
        %swap3A_447 = tpu.vector_load %arg21[%swap3A] {strides = array<i32>} : memref<16xf32, #tpu.memory_space<vmem>>, vector<16xf32>,
        tpu.vector_store %arg21[%swap3A], %add3A_446 {strides = array<i32>} : memref<16xf32, #tpu.memory_space<vmem>>, vector<16xf32>,
        "tpu.region"() ({
          %run_scoped3A = tpu.sem_alloc : memref<!tpu.dma_semaphore, #tpu.memory_space<semaphore_mem>>
          %dma_start3A = arith.constant 0 : i32
          %dma_start3A_448 = tpu.memref_slice %arg21[%dma_start3A] : memref<16xf32, #tpu.memory_space<vmem>> -> memref<1xf32, #tpu.memory_space<vmem>>
          %dma_start3A_449 = arith.constant 0 : i32
          %dma_start3A_450 = tpu.memref_slice %arg21[%dma_start3A_449] : memref<16xf32, #tpu.memory_space<vmem>> -> memref<1xf32, #tpu.memory_space<vmem>>
          tpu.enqueue_dma source(%dma_start3A_450 : memref<1xf32, #tpu.memory_space<vmem>>) target(%arg8 : memref<1xf32, #tpu.memory_space<hbm>>) target_semaphore(%run_scoped3A : memref<!tpu.dma_semaphore, #tpu.memory_space<semaphore_mem>>)
          %dma_wait3A = arith.constant 0 : i32
          %dma_wait3A_451 = tpu.memref_slice %arg21[%dma_wait3A] : memref<16xf32, #tpu.memory_space<vmem>> -> memref<1xf32, #tpu.memory_space<vmem>>
          %dma_wait3A_452 = arith.constant 0 : i32
          %dma_wait3A_453 = tpu.memref_slice %arg21[%dma_wait3A_452] : memref<16xf32, #tpu.memory_space<vmem>> -> memref<1xf32, #tpu.memory_space<vmem>>
          tpu.wait_dma2 semaphore(%run_scoped3A : memref<!tpu.dma_semaphore, #tpu.memory_space<semaphore_mem>>) src(%dma_wait3A_453 : memref<1xf32, #tpu.memory_space<vmem>>) dst(%arg8 : memref<1xf32, #tpu.memory_space<hbm>>)
          tpu.yield
        }) : () -> ()
      } else {
      }
    } else {
    }
    return
  }
}

</mosaic_0001>

<sc_bundles>
// kernel: kernel.3.cloned.1.call-start
scs
__scs_entry_jumppad:
0x0: {  	(pc) =	sbr.rel $0x88, $3  }
0x1: {  	(tag) =	ssettag $0x0;
	lr =	simm.s32 $0x1  }
0x2: {  	[smem:$0x3F9B] =	sst lr;
	_ =	strace $0xD0000000  }
0x3: {  	_ = 	snop  }
0x4: {  	_ = 	snop  }
0x5: {  	_ = 	snop  }
0x6: {  	_ = 	snop  }
0x7: {  	_ = 	snop  }
__scs_overlays_trampoline_lowered:
0x8: {  	[smem:$0x3FAA] =	sst s0  }
0x9: {  	[smem:$0x3FAB] =	sst s1  }
0xa: {  	[smem:$0x3FAC] =	sst s2  }
0xb: {  	[smem:$0x3FAD] =	sst s3  }
0xc: {  	[smem:$0x3FAE] =	sst s4  }
0xd: {  	[smem:$0x3FAF] =	sst s5  }
0xe: {  	[smem:$0x3FB0] =	sst s6  }
0xf: {  	[smem:$0x3FB1] =	sst s7  }
0x10: {  	[smem:$0x3FB2] =	sst s8  }
0x11: {  	[smem:$0x3FB3] =	sst s9;
	s0 =	simm.s32 @!p0 $0x0  }
0x12: {  	s1 =	sld [smem:$0x3F99];
	s0 =	simm.s32 @p0 $0x1  }
0x13: {  	[smem:$0x3FB4] =	sst s0;
	s0 =	simm.s32 @!p1 $0x0  }
0x14: {  	s2 =	sld [smem:$0x3F98];
	s0 =	simm.s32 @p1 $0x1  }
0x15: {  	[smem:$0x3FB5] =	sst s0;
	s0 =	simm.s32 @!p2 $0x0  }
0x16: {  	s3 =	sld [smem:$0x3FDB];
	s0 =	simm.s32 @p2 $0x1  }
0x17: {  	s4 =	simm.s32 $0x1BF5;
	[smem:$0x3FB7] =	sst s0  }
0x18: {  	s0 =	sld [smem:$0x3F9A];
	_ =	swait.ge [sflag:s4], $0x0  }
0x19: {  	s7 =	sld [smem:$0x3F9B]  }
0x1a: {  	s8 =	sadd.s32 $0xFFFFE003, lr  }
0x1b: {  	s9 =	sadd.s32 $0xFFFFFEF7, lr;
	s5 =	simm.s32 $0xFFFFFFFF;
	p2 =	slt.u32 s8, $0xFFFFF086  }
0x1c: {  	p1 =	slt.u32 s9, $0xF7A;
	s5 =	simm.s32 @!p2 $0x0  }
0x1d: {  	s5 =	simm.s32 @p1 $0x1;
	p0 =	seq.s32 s7, s2  }
0x1e: {  	s7 =	smul.u32 @!p0 $0xF7A, s2;
	p2 =	seq.s32 @!p0 s5, $0x0  }
0x1f: {  	s9 =	smul.u32 $0xF7A, s1;
	s8 =	simm.s32 @!p0 $0x1BF5;
	p2 =	por !p2, p0  }
0x20: {  	[sflag:s8] =	ssyncset.s32 @!p0 $0xFFFFF086;
	s6 =	sadd.s32 @!p0 s3, s7;
	s7 =	simm.s32 @!p0 $0x108  }
0x21: {  	s3 =	sadd.s32 s3, s9;
	s6 =	sadd.s32 @!p0 $0x88, s6;
	s7 =	simm.s32 @p2 $0x1082  }
0x22: {  	[simem:s7], [sflag:s8] =	dma.local @!p0 [hbm:s6], $0xF7A  }
0x23: {  	s9 =	sor.u32 $0xD0000000, s2;
	s6 =	simm.s32 $0x108;
	_ =	swait.ge @!p0 [sflag:s8], $0x0  }
0x24: {  	s3 =	sadd.s32 $0x88, s3;
	s6 =	simm.s32 @!p1 $0x1082;
	[sflag:s4] =	ssyncset.s32 $0xFFFFF086  }
0x25: {  	[simem:s6], [sflag:s4] =	dma.local [hbm:s3], $0xF7A  }
0x26: {  	[smem:$0x3F9B] =	sst s1;
	(tag) =	ssettag s2;
	_ =	strace s9  }
0x27: {  	s1 =	sld [smem:$0x3FAB]  }
0x28: {  	s2 =	sld [smem:$0x3FAC]  }
0x29: {  	s4 =	sld [smem:$0x3FAE]  }
0x2a: {  	p0 =	seq.s32 s5, $0x0;
	s5 =	sld [smem:$0x3FAF]  }
0x2b: {  	s6 =	sld [smem:$0x3FB0]  }
0x2c: {  	s7 =	sld [smem:$0x3FB1]  }
0x2d: {  	s3 =	simm.s32 $0x108;
	s8 =	sld [smem:$0x3FB2]  }
0x2e: {  	s3 =	simm.s32 @!p0 $0x1082;
	s9 =	sld [smem:$0x3FB3]  }
0x2f: {  	lr =	sadd.s32 s0, s3;
	s0 =	sld [smem:$0x3FAA]  }
0x30: {  	s3 =	sld [smem:$0x3FAD]  }
0x31: {  	[smem:$0x3FB6] =	sst s10  }
0x32: {  	s10 =	sld [smem:$0x3FB4];
	_ =	sdelay $0x3  }
0x33: {  	p0 =	seq.s32 s10, $0x1;
	s10 =	sld [smem:$0x3FB6];
	_ =	sdelay $0x3  }
0x34: {  	[smem:$0x3FB6] =	sst s10  }
0x35: {  	s10 =	sld [smem:$0x3FB5];
	_ =	sdelay $0x3  }
0x36: {  	p1 =	seq.s32 s10, $0x1;
	s10 =	sld [smem:$0x3FB6];
	_ =	sdelay $0x3  }
0x37: {  	[smem:$0x3FB6] =	sst s10  }
0x38: {  	s10 =	sld [smem:$0x3FB7]  }
0x39: {  	_ = 	snop;
	(pc) =	sbr.ind lr, $3  }
0x3a: {  	_ = 	snop  }
0x3b: {  	_ = 	snop  }
0x3c: {  	p2 =	seq.s32 s10, $0x1;
	s10 =	sld [smem:$0x3FB6]  }
0x3d: {  	_ =	shalt  }
0x3e: {  	_ =	shalt  }
0x3f: {  	_ =	shalt  }
0x40: {  	_ =	shalt  }
0x41: {  	_ =	shalt  }
0x42: {  	_ =	shalt  }
0x43: {  	_ =	shalt  }
0x44: {  	_ =	shalt  }
0x45: {  	_ =	shalt  }
0x46: {  	_ =	shalt  }
0x47: {  	_ =	shalt  }
0x48: {  	_ =	shalt  }
0x49: {  	_ =	shalt  }
0x4a: {  	_ =	shalt  }
0x4b: {  	_ =	shalt  }
0x4c: {  	_ =	shalt  }
0x4d: {  	_ =	shalt  }
0x4e: {  	_ =	shalt  }
0x4f: {  	_ =	shalt  }
0x50: {  	_ =	shalt  }
0x51: {  	_ =	shalt  }
0x52: {  	_ =	shalt  }
0x53: {  	_ =	shalt  }
0x54: {  	_ =	shalt  }
0x55: {  	_ =	shalt  }
0x56: {  	_ =	shalt  }
0x57: {  	_ =	shalt  }
0x58: {  	_ =	shalt  }
0x59: {  	_ =	shalt  }
0x5a: {  	_ =	shalt  }
0x5b: {  	_ =	shalt  }
0x5c: {  	_ =	shalt  }
0x5d: {  	_ =	shalt  }
0x5e: {  	_ =	shalt  }
0x5f: {  	_ =	shalt  }
0x60: {  	_ =	shalt  }
0x61: {  	_ =	shalt  }
0x62: {  	_ =	shalt  }
0x63: {  	_ =	shalt  }
0x64: {  	_ =	shalt  }
0x65: {  	_ =	shalt  }
0x66: {  	_ =	shalt  }
0x67: {  	_ =	shalt  }
0x68: {  	_ =	shalt  }
0x69: {  	_ =	shalt  }
0x6a: {  	_ =	shalt  }
0x6b: {  	_ =	shalt  }
0x6c: {  	_ =	shalt  }
0x6d: {  	_ =	shalt  }
0x6e: {  	_ =	shalt  }
0x6f: {  	_ =	shalt  }
0x70: {  	_ =	shalt  }
0x71: {  	_ =	shalt  }
0x72: {  	_ =	shalt  }
0x73: {  	_ =	shalt  }
0x74: {  	_ =	shalt  }
0x75: {  	_ =	shalt  }
0x76: {  	_ =	shalt  }
0x77: {  	_ =	shalt  }
0x78: {  	_ =	shalt  }
0x79: {  	_ =	shalt  }
0x7a: {  	_ =	shalt  }
0x7b: {  	_ =	shalt  }
0x7c: {  	_ =	shalt  }
0x7d: {  	_ =	shalt  }
0x7e: {  	_ =	shalt  }
0x7f: {  	_ =	shalt  }
0x80: {  	_ =	shalt  }
0x81: {  	_ =	shalt  }
0x82: {  	_ =	shalt  }
0x83: {  	_ =	shalt  }
0x84: {  	_ =	shalt  }
0x85: {  	_ =	shalt  }
0x86: {  	_ =	shalt  }
0x87: {  	_ =	shalt  }
.Lfunc_end0:
.L_simem_size_0:
called_computation_lowered:
.L_overlay_start_0:
0x88: {  	s2 =	sld [smem:$0x3FD9]  }
0x89: {  	s3 =	sld [smem:$0x3FFE];
	_ =	sdelay $0x1  }
0x8a: {  	s1 =	srdreg.scid  }
0x8b: {  	s0 =	sand.u32 $0x1, s1  }
0x8c: {  	s14 =	sshll.u32 s0, $0xA;
	s2 =	sadd.s32 s3, s2  }
0x8d: {  	s2 =	sadd.s32 s2, s14  }
0x8e: {  	[smem:$0x3FC2] =	sst s2  }
0x8f: {  	_ = 	snop  }
0x90: {  	s2 =	sld [smem:$0x3FC7]  }
0x91: {  	s15 =	sld [smem:$0x3FD0]  }
0x92: {  	s4 =	sld [smem:$0x3FC6]  }
0x93: {  	s5 =	sld [smem:$0x3FC5]  }
0x94: {  	s7 =	simm.s32 $0xA;
	s8 =	simm.s32 $0x10;
	s6 =	sld [smem:$0x3FC4]  }
0x95: {  	[smem:s8], [sflag:s7] =	dma.local [hbm:s15], $0x1  }
0x96: {  	_ =	swait.eq [sflag:s7], $0x1  }
0x97: {  	s16 =	sld [smem:$0x10];
	[sflag:s7] =	ssyncset.done $0x0  }
0x98: {  	s17 =	sld [smem:$0x11];
	[sflag:s7] =	ssyncadd.s32 $0xFFFFFFFF  }
0x99: {  	s18 =	sld [smem:$0x12];
	(tm) =	ssettm $0x1  }
0x9a: {  	s9 =	sld [smem:$0x3FFB];
	_ =	sdelay $0x3  }
0x9b: {  	_ =	strace s9  }
0x9c: {  	s9 =	sld [smem:$0x3FFC];
	_ =	sdelay $0x3  }
0x9d: {  	_ =	strace s9  }
0x9e: {  	s9 =	sld [smem:$0x3FFD];
	_ =	sdelay $0x3  }
0x9f: {  	_ =	strace s9  }
0xa0: {  	_ =	strace $0x8FFFFFFF  }
0xa1: {  	s19 =	sld [smem:$0x3FDB];
	_ =	sdelay $0x1  }
0xa2: {  	s10 =	simm.s32 $_scs_section_size  }
0xa3: {  	s11 =	simm.s32 $_size__tile_overlayer_lowered;
	s12 =	simm.s32 $_tile_overlayer_lowered  }
0xa4: {  	s22 =	simm.s32 $0x1BFF;
	s21 =	sshll.u32 s12, $0x1;
	s9 =	sadd.s32 s10, s19  }
0xa5: {  	s13 =	simm.s32 $0x0;
	s20 =	sshll.u32 s11, $0x1;
	s11 =	sadd.s32 s21, s9  }
0xa6: {  	[timem:s13], [sflag:s22] =	dma.local [hbm:s11], s20  }
0xa7: {  	_ =	swait.ge [sflag:s22], s20  }
0xa8: {  	s10 =	ssub.s32 $0x0, s20;
	[sflag:s22] =	ssyncset.done $0x0  }
0xa9: {  	[sflag:s22] =	ssyncadd.s32 s10;
	_ =	sdelay $0x1  }
0xaa: {  	s23 =	simm.s32 $0x1B8B  }
0xab: {  	_ =	swait.ge [sflag:s23], $0x1  }
0xac: {  	[sflag:s23] =	ssyncset.done $0x0  }
0xad: {  	s25 =	simm.s32 $0x1B8E;
	s24 =	sld [smem:$0x3FFE];
	[sflag:s23] =	ssyncadd.s32 $0xFFFFFFFF  }
0xae: {  	s26 =	simm.s32 $execute0_lowered;
	[smem:$0x3FD2] =	sst s25  }
0xaf: {  	s11 =	sshll.u32 s26, $0x1;
	_ =	strace $0x80000046;
	[dreg:$0x1] =	wrdreg $0xFFFFFFFF  }
0xb0: {  	s28 =	simm.s32 $_size_execute0_lowered;
	s9 =	sadd.s32 s9, s11;
	[dreg:$0x0] =	wrdreg $0x0  }
0xb1: {  	s11 =	sshll.u32 s28, $0x1;
	[dreg:$0x2] =	wrdreg s9  }
0xb2: {  	[dreg:$0x3] =	wrdreg s11  }
0xb3: {  	[dreg:$0x4] =	wrdreg $0xC0  }
0xb4: {  	_ =	task [dreg:s13], $0x5FFFF  }
0xb5: {  	[dreg:$0x1] =	wrdreg $0xFFFFFFFF  }
0xb6: {  	[dreg:$0x0] =	wrdreg $0x60  }
0xb7: {  	[dreg:$0x2] =	wrdreg s24  }
0xb8: {  	[dreg:$0x3] =	wrdreg s2  }
0xb9: {  	[dreg:$0x4] =	wrdreg s4  }
0xba: {  	[dreg:$0x5] =	wrdreg s5  }
0xbb: {  	[dreg:$0x6] =	wrdreg s6  }
0xbc: {  	[dreg:$0x7] =	wrdreg s16  }
0xbd: {  	[dreg:$0x8] =	wrdreg s17  }
0xbe: {  	[dreg:$0x9] =	wrdreg s18  }
0xbf: {  	[dreg:$0xa] =	wrdreg $0x9  }
0xc0: {  	_ =	task.clear_ibuf [dreg:s13], $0xBFFFF;
	_ =	strace $0x90000046  }
0xc1: {  	s29 =	simm.s32 $0x9;
	_ =	strace $0x80000048  }
0xc2: {  	_ =	swait.ge [sflag:s29], $0x1  }
0xc3: {  	[sflag:s29] =	ssyncadd.s32 $0xFFFFFFFF  }
0xc4: {  	_ =	strace $0x90000048  }
0xc5: {  	_ =	sfence  }
0xc6: {  	s30 =	sld [smem:$0x0];
	_ =	sdelay $0x2  }
0xc7: {  	s31 =	sshll.u32 s1, $0xD;
	s1 =	sshrl.u32 s1, $0x2  }
0xc8: {  	s3 =	sand.u32 $0x4000, s31;
	s1 =	sadd.s32 s1, s30  }
0xc9: {  	s0 =	sor.u32 s3, s0;
	s1 =	sshll.u32 s1, $0x11  }
0xca: {  	s0 =	sor.u32 s1, s0  }
0xcb: {  	s0 =	sadd.s32 $0x8F2B, s0  }
0xcc: {  	[sflag:s0] =	ssyncadd.remote.s32 $0x1  }
0xcd: {  	_ =	sfence.sel $0xFFFF  }
0xce: {  	[dreg:$0x0] =	wrdreg $0xFFFFFFFF;
	(pc) =	sbr.abs _section_cstart, $3  }
0xcf: {  	[dreg:$0x1] =	wrdreg $0xFFFFFFFF  }
0xd0: {  	_ =	task.clear_ibuf [dreg:s13], $0x2FFFF;
	_ =	strace $0x9FFFFFFF  }
0xd1: {  	(tm) =	ssettm $0x7FFFFFFF  }
tec
execute0_lowered:
.L_overlay_start_1:
0x0: {  	(tag) =	ssettag $0x1  }
0x1: {  	s5 =	rddreg [dreg:$0x0]  }
0x2: {  	s9 =	rddreg [dreg:$0x1]  }
0x3: {  	s7 =	rddreg [dreg:$0x2];
	s1 =	srdreg.scid  }
0x4: {  	s6 =	rddreg [dreg:$0x3];
	s1 =	sand.u32 $0x1, s1  }
0x5: {  	s4 =	rddreg [dreg:$0x4];
	p0 =	seq.s32 s1, $0x1  }
.Ltmp0:
0x6: {  	s3 =	rddreg [dreg:$0x5];
	(pc) =	sbr.rel @p0 .LBB2_6-.Ltmp0, $4  }
0x7: {  	s8 =	rddreg [dreg:$0x6]  }
0x8: {  	s2 =	rddreg [dreg:$0x7];
	s10 =	simm.s32 $0x0  }
0x9: {  	[smem:$0x7FF] =	sst s10  }
0xa: {  	s0 =	rddreg [dreg:$0x8];
	_ =	strace $0x80000047;
	s1 =	stileid.u32  }
0xb: {  	p0 =	sgt.u32 s1, $0xC  }
.Ltmp1:
0xc: {  	_ = 	snop;
	(pc) =	sbr.rel @p0 .LBB2_4-.Ltmp1, $1  }
0xd: {  	_ =	sdelay $0x3  }
0xe: {  	s6 =	sshll.u32 s1, $0x4  }
0xf: {  	v0 =	vlaneseq.u32;
	s3 =	simm.s32 $0x0;
	s7 =	smin.u32 s6, $0xB8  }
0x10: {  	[tilespmem:s3], [sflag:$0x2] =	stream.linear.gather [hbm4b:s4+s3], $0x100, $0x38;
	v1 =	vadd.s32 s7, v0;
	[tilespmem:$0x8C80] =	vst v63  }
0x11: {  	s4 =	simm.s32 $0x2  }
0x12: {  	_ =	swait.ge [sflag:s4], $0x100  }
0x13: {  	[sflag:s4] =	ssyncset.done $0x0  }
0x14: {  	[sflag:s4] =	ssyncadd.s32 $0xFFFFFF00  }
0x15: {  	v1 =	vld.idx.msk [tilespmem:v1+s3+$0x0], $0xffff;
	_ =	sdelay $0x3  }
0x16: {  	vm0 =	vmmov $0x1  }
0x17: {  	v2 =	vnsel vm0, $0x0, v1  }
0x18: {  	vm1 =	vcmask $0x308;
	v2 =	vxor.u32 $0x80000000, v2  }
0x19: {  	v19 =	vsel vm1, $0x0, v1;
	(xrf0) =	vmax.scan.msk.u32 $0xffff, v2  }
0x1a: {  	v2 =	vxor.u32 $0x80000000, v19  }
0x1b: {  	(xrf0) =	vmax.scan.msk.u32 $0xffff, v2;
	_ =	sdelay $0x3  }
0x1c: {  	v20, _, _ =	vpop (xrf0)  }
0x1d: {  	vm14 =	vcmask $0x70C;
	(v2sf) =	vpush v20, $0xF  }
0x1e: {  	v21 =	vsel vm14, $0x0, v1;
	v3, _, _ =	vpop (xrf0)  }
0x1f: {  	v2 =	vxor.u32 $0x80000000, v21;
	(v2sf) =	vpush v3, $0xF  }
0x20: {  	(xrf0) =	vmax.scan.msk.u32 $0xffff, v2;
	_ =	sdelay $0x1  }
0x21: {  	vm15 =	vcmask $0xB10  }
0x22: {  	v22 =	vsel vm15, $0x0, v1  }
0x23: {  	vm4 =	vcmask $0xF14;
	v2 =	vxor.u32 $0x80000000, v22  }
0x24: {  	v24 =	vsel vm4, $0x0, v1;
	(xrf0) =	vmax.scan.msk.u32 $0xffff, v2  }
0x25: {  	v2 =	vxor.u32 $0x80000000, v24;
	v23, _, _ =	vpop (xrf0)  }
0x26: {  	(xrf0) =	vmax.scan.msk.u32 $0xffff, v2;
	(v2sf) =	vpush v23, $0xF;
	_ =	sdelay $0x3  }
0x27: {  	vm5 =	vcmask $0x1318;
	v25, _, _ =	vpop (xrf0)  }
0x28: {  	v26 =	vsel vm5, $0x0, v1;
	s24 =	spop (v2sf);
	(v2sf) =	vpush v25, $0xF  }
0x29: {  	vm6 =	vcmask $0x171C;
	v2 =	vxor.u32 $0x80000000, v26;
	v27, _, _ =	vpop (xrf0)  }
0x2a: {  	v28 =	vsel vm6, $0x0, v1;
	(xrf0) =	vmax.scan.msk.u32 $0xffff, v2;
	s23 =	spop (v2sf);
	(v2sf) =	vpush v27, $0xF  }
0x2b: {  	v2 =	vxor.u32 $0x80000000, v28;
	s8 =	sshll.u32 s24, $0x4  }
0x2c: {  	s25 =	sadd.s32 $0x800, s5;
	(xrf0) =	vmax.scan.msk.u32 $0xffff, v2;
	s8 =	sand.u32 $0xFFFFF80, s8  }
0x2d: {  	s17 =	sshll.u32 s23, $0x4;
	s9 =	sadd.s32 s25, s8;
	s8 =	simm.s32 $0x180  }
0x2e: {  	[tilespmem:s8], [sflag:$0x1] =	stream.linear.gather [hbm4b:s9+s3], $0x400, $0x38;
	[tilespmem:$0x8C80] =	vst v63  }
0x2f: {  	vm7 =	vcmask $0x1B20;
	s9 =	sand.u32 $0xFFFFF80, s17  }
0x30: {  	s10 =	simm.s32 $0x580;
	v30 =	vsel vm7, $0x0, v1;
	v29, _, _ =	vpop (xrf0);
	s9 =	sadd.s32 s25, s9  }
0x31: {  	v2 =	vxor.u32 $0x80000000, v30;
	(v2sf) =	vpush v29, $0xF;
	[tilespmem:s10], [sflag:$0x1] =	stream.linear.gather [hbm4b:s9+s3], $0x400, $0x38;
	[tilespmem:$0x8C80] =	vst v63  }
0x32: {  	v31, _, _ =	vpop (xrf0);
	(xrf0) =	vmax.scan.msk.u32 $0xffff, v2;
	s22 =	spop (v2sf)  }
0x33: {  	s18 =	sshll.u32 s22, $0x4  }
0x34: {  	s9 =	sand.u32 $0xFFFFF80, s18  }
0x35: {  	s19 =	simm.s32 $0x980;
	s9 =	sadd.s32 s25, s9  }
0x36: {  	vm8 =	vcmask $0x1F24;
	[tilespmem:s19], [sflag:$0x1] =	stream.linear.gather [hbm4b:s9+s3], $0x400, $0x38;
	[tilespmem:$0x8C80] =	vst v63  }
0x37: {  	v32 =	vsel vm8, $0x0, v1;
	s21 =	spop (v2sf);
	(v2sf) =	vpush v31, $0xF  }
0x38: {  	v2 =	vxor.u32 $0x80000000, v32;
	v33, _, _ =	vpop (xrf0);
	s20 =	sshll.u32 s21, $0x4  }
0x39: {  	vm9 =	vcmask $0x2328;
	(xrf0) =	vmax.scan.msk.u32 $0xffff, v2;
	s9 =	sand.u32 $0xFFFFF80, s20;
	s20 =	spop (v2sf);
	(v2sf) =	vpush v33, $0xF  }
0x3a: {  	v34 =	vsel vm9, $0x0, v1  }
0x3b: {  	v2 =	vxor.u32 $0x80000000, v34  }
0x3c: {  	(xrf0) =	vmax.scan.msk.u32 $0xffff, v2;
	_ =	sdelay $0x1  }
0x3d: {  	vm10 =	vcmask $0x272C  }
0x3e: {  	vm11 =	vcmask $0x2B30;
	v36 =	vsel vm10, $0x0, v1;
	v35, _, _ =	vpop (xrf0)  }
0x3f: {  	v38 =	vsel vm11, $0x0, v1;
	v2 =	vxor.u32 $0x80000000, v36;
	s19 =	spop (v2sf);
	(v2sf) =	vpush v35, $0xF  }
0x40: {  	(xrf0) =	vmax.scan.msk.u32 $0xffff, v2;
	v2 =	vxor.u32 $0x80000000, v38  }
0x41: {  	v37, _, _ =	vpop (xrf0);
	(xrf0) =	vmax.scan.msk.u32 $0xffff, v2;
	_ =	sdelay $0x1  }
0x42: {  	s26 =	simm.s32 $0xD80;
	s9 =	sadd.s32 s25, s9  }
0x43: {  	vm12 =	vcmask $0x2F34;
	[tilespmem:s26], [sflag:$0x1] =	stream.linear.gather [hbm4b:s9+s3], $0x400, $0x38;
	[tilespmem:$0x8C80] =	vst v63  }
0x44: {  	v40 =	vsel vm12, $0x0, v1;
	s28 =	sshll.u32 s20, $0x4;
	s18 =	spop (v2sf);
	(v2sf) =	vpush v37, $0xF  }
0x45: {  	s29 =	simm.s32 $0x1180;
	v41 =	vxor.u32 $0x80000000, v40;
	v39, _, _ =	vpop (xrf0);
	s9 =	sand.u32 $0xFFFFF80, s28  }
0x46: {  	vm13 =	vcmask $0x3338;
	(xrf0) =	vmax.scan.msk.u32 $0xffff, v41;
	s30 =	sshll.u32 s19, $0x4;
	s9 =	sadd.s32 s25, s9;
	v43, _, _ =	vpop (xrf0);
	s17 =	spop (v2sf);
	(v2sf) =	vpush v39, $0xF  }
0x47: {  	v42 =	vsel vm13, $0x0, v1;
	[tilespmem:s29], [sflag:$0x1] =	stream.linear.gather [hbm4b:s9+s3], $0x400, $0x38;
	(v2sf) =	vpush v43, $0xF;
	[tilespmem:$0x8C80] =	vst v63  }
0x48: {  	v2 =	vxor.u32 $0x80000000, v42;
	s9 =	sand.u32 $0xFFFFF80, s30  }
0x49: {  	s31 =	simm.s32 $0x1580;
	(xrf0) =	vmax.scan.msk.u32 $0xffff, v2;
	s9 =	sadd.s32 s25, s9  }
0x4a: {  	vm14 =	vcmask $0x373C;
	[tilespmem:s31], [sflag:$0x1] =	stream.linear.gather [hbm4b:s9+s3], $0x400, $0x38;
	[tilespmem:$0x8C80] =	vst v63  }
0x4b: {  	v45 =	vsel vm14, $0x0, v1;
	s11 =	sshll.u32 s18, $0x4  }
0x4c: {  	s12 =	simm.s32 $0x1980;
	vm1 =	vmmov $0x7fff;
	v46 =	vxor.u32 $0x80000000, v45;
	v44, _, _ =	vpop (xrf0);
	s9 =	sand.u32 $0xFFFFF80, s11  }
0x4d: {  	v1 =	vsel vm1, $0x0, v1;
	(xrf0) =	vmax.scan.msk.u32 $0xffff, v46;
	s9 =	sadd.s32 s25, s9;
	s13 =	sshll.u32 s17, $0x4;
	s16 =	spop (v2sf);
	(v2sf) =	vpush v44, $0xF  }
0x4e: {  	v1 =	vxor.u32 $0x80000000, v1;
	[tilespmem:s12], [sflag:$0x1] =	stream.linear.gather [hbm4b:s9+s3], $0x400, $0x38;
	[tilespmem:$0x8C80] =	vst v63  }
0x4f: {  	v47, _, _ =	vpop (xrf0);
	(xrf0) =	vmax.scan.msk.u32 $0xffff, v1;
	s9 =	sand.u32 $0xFFFFF80, s13  }
0x50: {  	s14 =	simm.s32 $0x1D80;
	s15 =	sshll.u32 s16, $0x4;
	s9 =	sadd.s32 s25, s9  }
0x51: {  	[tilespmem:s14], [sflag:$0x1] =	stream.linear.gather [hbm4b:s9+s3], $0x400, $0x38;
	[tilespmem:$0x8C80] =	vst v63  }
0x52: {  	s9 =	sand.u32 $0xFFFFF80, s15  }
0x53: {  	s26 =	simm.s32 $0x2180;
	s9 =	sadd.s32 s25, s9;
	s15 =	spop (v2sf);
	(v2sf) =	vpush v47, $0xF  }
0x54: {  	v48, _, _ =	vpop (xrf0);
	[tilespmem:s26], [sflag:$0x1] =	stream.linear.gather [hbm4b:s9+s3], $0x400, $0x38;
	[tilespmem:$0x8C80] =	vst v63  }
0x55: {  	v1, _, _ =	vpop (xrf0);
	s28 =	sshll.u32 s15, $0x4;
	s14 =	spop (v2sf);
	(v2sf) =	vpush v48, $0xF  }
0x56: {  	s9 =	sand.u32 $0xFFFFF80, s28;
	s13 =	spop (v2sf);
	(v2sf) =	vpush v1, $0xF  }
0x57: {  	s29 =	simm.s32 $0x2580;
	s9 =	sadd.s32 s25, s9;
	s30 =	sshll.u32 s14, $0x4  }
0x58: {  	[tilespmem:s29], [sflag:$0x1] =	stream.linear.gather [hbm4b:s9+s3], $0x400, $0x38;
	[tilespmem:$0x8C80] =	vst v63  }
0x59: {  	s9 =	sand.u32 $0xFFFFF80, s30  }
0x5a: {  	s31 =	simm.s32 $0x2980;
	s10 =	sshll.u32 s13, $0x4;
	s9 =	sadd.s32 s25, s9  }
0x5b: {  	[tilespmem:s31], [sflag:$0x1] =	stream.linear.gather [hbm4b:s9+s3], $0x400, $0x38;
	[tilespmem:$0x8C80] =	vst v63  }
0x5c: {  	s12 =	spop (v2sf);
	s9 =	sand.u32 $0xFFFFF80, s10  }
0x5d: {  	s11 =	simm.s32 $0x2D80;
	s26 =	sshll.u32 s12, $0x4;
	s9 =	sadd.s32 s25, s9  }
0x5e: {  	[tilespmem:s11], [sflag:$0x1] =	stream.linear.gather [hbm4b:s9+s3], $0x400, $0x38;
	[tilespmem:$0x8C80] =	vst v63  }
0x5f: {  	s9 =	sand.u32 $0xFFFFF80, s26  }
0x60: {  	s28 =	simm.s32 $0x3180;
	s9 =	sadd.s32 s25, s9  }
0x61: {  	[tilespmem:s28], [sflag:$0x1] =	stream.linear.gather [hbm4b:s9+s3], $0x400, $0x38;
	[tilespmem:$0x8C80] =	vst v63  }
0x62: {  	s11 =	spop (v2sf)  }
0x63: {  	s29 =	sshll.u32 s11, $0x4  }
0x64: {  	s26 =	simm.s32 $0x3580;
	s9 =	sand.u32 $0xFFFFF80, s29;
	s10 =	spop (v2sf)  }
0x65: {  	s9 =	sadd.s32 s25, s9;
	s30 =	sshll.u32 s10, $0x4;
	s28 =	spop (v2sf)  }
0x66: {  	[tilespmem:s26], [sflag:$0x1] =	stream.linear.gather [hbm4b:s9+s3], $0x400, $0x38;
	[tilespmem:$0x8C80] =	vst v63  }
0x67: {  	s9 =	sand.u32 $0xFFFFF80, s30;
	s29 =	sshll.u32 s28, $0x4  }
0x68: {  	s31 =	simm.s32 $0x3980;
	s9 =	sadd.s32 s25, s9;
	s26 =	sand.u32 $0xFFFFF80, s29  }
0x69: {  	[tilespmem:s31], [sflag:$0x1] =	stream.linear.gather [hbm4b:s9+s3], $0x400, $0x38;
	[tilespmem:$0x8C80] =	vst v63  }
0x6a: {  	s30 =	simm.s32 $0x3D80;
	s25 =	sadd.s32 s25, s26;
	s31 =	simm.s32 $0x1  }
0x6b: {  	[tilespmem:s30], [sflag:$0x1] =	stream.linear.gather [hbm4b:s25+s3], $0x400, $0x38;
	[tilespmem:$0x8C80] =	vst v63  }
0x6c: {  	_ =	swait.ge [sflag:s31], $0x400  }
0x6d: {  	[sflag:s31] =	ssyncset.done $0x0  }
0x6e: {  	[sflag:s31] =	ssyncadd.s32 $0xFFFFFC00  }
0x6f: {  	_ =	swait.ge [sflag:s31], $0x400  }
0x70: {  	[sflag:s31] =	ssyncset.done $0x0  }
0x71: {  	[sflag:s31] =	ssyncadd.s32 $0xFFFFFC00  }
0x72: {  	_ =	swait.ge [sflag:s31], $0x400  }
0x73: {  	[sflag:s31] =	ssyncset.done $0x0  }
0x74: {  	[sflag:s31] =	ssyncadd.s32 $0xFFFFFC00  }
0x75: {  	_ =	swait.ge [sflag:s31], $0x400  }
0x76: {  	[sflag:s31] =	ssyncset.done $0x0  }
0x77: {  	[sflag:s31] =	ssyncadd.s32 $0xFFFFFC00  }
0x78: {  	_ =	swait.ge [sflag:s31], $0x400  }
0x79: {  	[sflag:s31] =	ssyncset.done $0x0  }
0x7a: {  	[sflag:s31] =	ssyncadd.s32 $0xFFFFFC00  }
0x7b: {  	_ =	swait.ge [sflag:s31], $0x400  }
0x7c: {  	[sflag:s31] =	ssyncset.done $0x0  }
0x7d: {  	[sflag:s31] =	ssyncadd.s32 $0xFFFFFC00  }
0x7e: {  	_ =	swait.ge [sflag:s31], $0x400  }
0x7f: {  	[sflag:s31] =	ssyncset.done $0x0  }
0x80: {  	[sflag:s31] =	ssyncadd.s32 $0xFFFFFC00  }
0x81: {  	_ =	swait.ge [sflag:s31], $0x400  }
0x82: {  	[sflag:s31] =	ssyncset.done $0x0  }
0x83: {  	[sflag:s31] =	ssyncadd.s32 $0xFFFFFC00  }
0x84: {  	_ =	swait.ge [sflag:s31], $0x400  }
0x85: {  	[sflag:s31] =	ssyncset.done $0x0  }
0x86: {  	[sflag:s31] =	ssyncadd.s32 $0xFFFFFC00  }
0x87: {  	_ =	swait.ge [sflag:s31], $0x400  }
0x88: {  	[sflag:s31] =	ssyncset.done $0x0  }
0x89: {  	[sflag:s31] =	ssyncadd.s32 $0xFFFFFC00  }
0x8a: {  	_ =	swait.ge [sflag:s31], $0x400  }
0x8b: {  	[sflag:s31] =	ssyncset.done $0x0  }
0x8c: {  	[sflag:s31] =	ssyncadd.s32 $0xFFFFFC00  }
0x8d: {  	_ =	swait.ge [sflag:s31], $0x400  }
0x8e: {  	[sflag:s31] =	ssyncset.done $0x0  }
0x8f: {  	[sflag:s31] =	ssyncadd.s32 $0xFFFFFC00  }
0x90: {  	_ =	swait.ge [sflag:s31], $0x400  }
0x91: {  	[sflag:s31] =	ssyncset.done $0x0  }
0x92: {  	[sflag:s31] =	ssyncadd.s32 $0xFFFFFC00  }
0x93: {  	_ =	swait.ge [sflag:s31], $0x400  }
0x94: {  	[sflag:s31] =	ssyncset.done $0x0  }
0x95: {  	s24 =	sand.u32 $0x7, s24;
	[sflag:s31] =	ssyncadd.s32 $0xFFFFFC00  }
0x96: {  	s24 =	sshll.u32 s24, $0x7;
	_ =	swait.ge [sflag:s31], $0x400  }
0x97: {  	v49 =	vor.u32 s24, v0;
	[sflag:s31] =	ssyncset.done $0x0  }
0x98: {  	[sflag:s31] =	ssyncadd.s32 $0xFFFFFC00  }
0x99: {  	_ =	swait.ge [sflag:s31], $0x400  }
0x9a: {  	[sflag:s31] =	ssyncset.done $0x0  }
0x9b: {  	[sflag:s31] =	ssyncadd.s32 $0xFFFFFC00  }
0x9c: {  	v1 =	vor.u32 $0x10, v0;
	v50 =	vld.idx.msk [tilespmem:v49+s8+$0x0], $0xffff  }
0x9d: {  	v51 =	vor.u32 s24, v1;
	_ =	sdelay $0x3  }
0x9e: {  	[tilespmem:$0x4180] =	vst v50  }
0x9f: {  	v2 =	vor.u32 $0x20, v0;
	v3 =	vld.idx.msk [tilespmem:v51+s8+$0x0], $0xffff  }
0xa0: {  	v4 =	vor.u32 s24, v2;
	_ =	sdelay $0x3  }
0xa1: {  	[tilespmem:$0x4190] =	vst v3  }
0xa2: {  	v3 =	vor.u32 $0x30, v0;
	v5 =	vld.idx.msk [tilespmem:v4+s8+$0x0], $0xffff  }
0xa3: {  	vm2 =	vcmask $0x300;
	s23 =	sand.u32 $0x7, s23;
	v4 =	vimm.s32 $0x0;
	v7 =	vor.u32 s24, v3  }
0xa4: {  	v8 =	vmov s23;
	v6 =	vsel vm2, $0x7, v4  }
0xa5: {  	v9 =	vsel vm2, $0x400, v4;
	v8 =	vshll.u32 v8, v6  }
0xa6: {  	v8 =	vor.u32 v9, v8  }
0xa7: {  	v8 =	vbroadcast v8, $0x0;
	[tilespmem:$0x41A0] =	vst v5  }
0xa8: {  	v5 =	vld.idx.msk [tilespmem:v7+s8+$0x0], $0xffff  }
0xa9: {  	v52 =	vor.u32 v0, v8;
	_ =	sdelay $0x3  }
0xaa: {  	v53 =	vmov s24;
	[tilespmem:$0x41B0] =	vst v5  }
0xab: {  	v54 =	vor.u32 $0x40, v53;
	v7 =	vld.idx.msk [tilespmem:v52+s8+$0x0], $0xffff  }
0xac: {  	v55 =	vor.u32 v1, v8;
	_ =	sdelay $0x3  }
0xad: {  	v5 =	vld.idx.msk [tilespmem:v54+s8+$0x0], $0xffff;
	[tilespmem:$0x4200] =	vst v7  }
0xae: {  	v7 =	vld.idx.msk [tilespmem:v55+s8+$0x0], $0xffff  }
0xaf: {  	v56 =	vor.u32 v2, v8;
	_ =	sdelay $0x3  }
0xb0: {  	[tilespmem:$0x4210] =	vst v7  }
0xb1: {  	v7 =	vld.idx.msk [tilespmem:v56+s8+$0x0], $0xffff  }
0xb2: {  	s22 =	sand.u32 $0x7, s22;
	v57 =	vor.u32 v3, v8  }
0xb3: {  	v10 =	vmov s22  }
0xb4: {  	v11 =	vsel vm2, $0x800, v4;
	v10 =	vshll.u32 v10, v6  }
0xb5: {  	v10 =	vor.u32 v11, v10  }
0xb6: {  	v10 =	vbroadcast v10, $0x0;
	[tilespmem:$0x4220] =	vst v7  }
0xb7: {  	v7 =	vld.idx.msk [tilespmem:v57+s8+$0x0], $0xffff  }
0xb8: {  	v58 =	vor.u32 v0, v10;
	_ =	sdelay $0x3  }
0xb9: {  	[tilespmem:$0x4230] =	vst v7  }
0xba: {  	v59 =	vor.u32 $0x40, v8;
	v60 =	vld.idx.msk [tilespmem:v58+s8+$0x0], $0xffff  }
0xbb: {  	v61 =	vor.u32 v1, v10;
	_ =	sdelay $0x3  }
0xbc: {  	v7 =	vld.idx.msk [tilespmem:v59+s8+$0x0], $0xffff;
	[tilespmem:$0x4280] =	vst v60  }
0xbd: {  	v8 =	vld.idx.msk [tilespmem:v61+s8+$0x0], $0xffff  }
0xbe: {  	v62 =	vor.u32 v2, v10;
	_ =	sdelay $0x3  }
0xbf: {  	[tilespmem:$0x4290] =	vst v8  }
0xc0: {  	v8 =	vld.idx.msk [tilespmem:v62+s8+$0x0], $0xffff  }
0xc1: {  	s21 =	sand.u32 $0x7, s21;
	v63 =	vor.u32 v3, v10  }
0xc2: {  	v15 =	vmov s21  }
0xc3: {  	v12 =	vsel vm2, $0xC00, v4;
	v11 =	vshll.u32 v15, v6  }
0xc4: {  	v11 =	vor.u32 v12, v11  }
0xc5: {  	v11 =	vbroadcast v11, $0x0;
	[tilespmem:$0x42A0] =	vst v8  }
0xc6: {  	v8 =	vld.idx.msk [tilespmem:v63+s8+$0x0], $0xffff  }
0xc7: {  	v16 =	vor.u32 v0, v11;
	_ =	sdelay $0x3  }
0xc8: {  	[tilespmem:$0x42B0] =	vst v8  }
0xc9: {  	v17 =	vor.u32 $0x40, v10;
	v9 =	vld.idx.msk [tilespmem:v16+s8+$0x0], $0xffff  }
0xca: {  	v18 =	vor.u32 v1, v11;
	_ =	sdelay $0x3  }
0xcb: {  	v8 =	vld.idx.msk [tilespmem:v17+s8+$0x0], $0xffff;
	[tilespmem:$0x4300] =	vst v9  }
0xcc: {  	v9 =	vld.idx.msk [tilespmem:v18+s8+$0x0], $0xffff  }
0xcd: {  	v19 =	vor.u32 v2, v11;
	_ =	sdelay $0x3  }
0xce: {  	[tilespmem:$0x4310] =	vst v9  }
0xcf: {  	v9 =	vld.idx.msk [tilespmem:v19+s8+$0x0], $0xffff  }
0xd0: {  	s20 =	sand.u32 $0x7, s20;
	v20 =	vor.u32 v3, v11  }
0xd1: {  	v21 =	vmov s20  }
0xd2: {  	v13 =	vsel vm2, $0x1000, v4;
	v12 =	vshll.u32 v21, v6  }
0xd3: {  	v12 =	vor.u32 v13, v12  }
0xd4: {  	v12 =	vbroadcast v12, $0x0;
	[tilespmem:$0x4320] =	vst v9  }
0xd5: {  	v9 =	vld.idx.msk [tilespmem:v20+s8+$0x0], $0xffff  }
0xd6: {  	v22 =	vor.u32 v0, v12;
	_ =	sdelay $0x3  }
0xd7: {  	[tilespmem:$0x4330] =	vst v9  }
0xd8: {  	v23 =	vor.u32 $0x40, v11;
	v10 =	vld.idx.msk [tilespmem:v22+s8+$0x0], $0xffff  }
0xd9: {  	v24 =	vor.u32 v1, v12;
	_ =	sdelay $0x3  }
0xda: {  	v9 =	vld.idx.msk [tilespmem:v23+s8+$0x0], $0xffff;
	[tilespmem:$0x4380] =	vst v10  }
0xdb: {  	v10 =	vld.idx.msk [tilespmem:v24+s8+$0x0], $0xffff  }
0xdc: {  	v25 =	vor.u32 v2, v12;
	_ =	sdelay $0x3  }
0xdd: {  	[tilespmem:$0x4390] =	vst v10  }
0xde: {  	v10 =	vld.idx.msk [tilespmem:v25+s8+$0x0], $0xffff  }
0xdf: {  	s19 =	sand.u32 $0x7, s19;
	v26 =	vor.u32 v3, v12  }
0xe0: {  	v27 =	vmov s19  }
0xe1: {  	v14 =	vsel vm2, $0x1400, v4;
	v13 =	vshll.u32 v27, v6  }
0xe2: {  	v13 =	vor.u32 v14, v13  }
0xe3: {  	v13 =	vbroadcast v13, $0x0;
	[tilespmem:$0x43A0] =	vst v10  }
0xe4: {  	v10 =	vld.idx.msk [tilespmem:v26+s8+$0x0], $0xffff  }
0xe5: {  	v28 =	vor.u32 v0, v13;
	_ =	sdelay $0x3  }
0xe6: {  	[tilespmem:$0x43B0] =	vst v10  }
0xe7: {  	v29 =	vor.u32 $0x40, v12;
	v11 =	vld.idx.msk [tilespmem:v28+s8+$0x0], $0xffff  }
0xe8: {  	v30 =	vor.u32 v1, v13;
	_ =	sdelay $0x3  }
0xe9: {  	v10 =	vld.idx.msk [tilespmem:v29+s8+$0x0], $0xffff;
	[tilespmem:$0x4400] =	vst v11  }
0xea: {  	v11 =	vld.idx.msk [tilespmem:v30+s8+$0x0], $0xffff  }
0xeb: {  	v31 =	vor.u32 v2, v13;
	_ =	sdelay $0x3  }
0xec: {  	[tilespmem:$0x4410] =	vst v11  }
0xed: {  	v11 =	vld.idx.msk [tilespmem:v31+s8+$0x0], $0xffff  }
0xee: {  	s18 =	sand.u32 $0x7, s18;
	v32 =	vor.u32 v3, v13  }
0xef: {  	v33 =	vmov s18  }
0xf0: {  	v15 =	vsel vm2, $0x1800, v4;
	v14 =	vshll.u32 v33, v6  }
0xf1: {  	v14 =	vor.u32 v15, v14  }
0xf2: {  	v14 =	vbroadcast v14, $0x0;
	[tilespmem:$0x4420] =	vst v11  }
0xf3: {  	v11 =	vld.idx.msk [tilespmem:v32+s8+$0x0], $0xffff  }
0xf4: {  	v34 =	vor.u32 v0, v14;
	_ =	sdelay $0x3  }
0xf5: {  	[tilespmem:$0x4430] =	vst v11  }
0xf6: {  	v35 =	vor.u32 $0x40, v13;
	v12 =	vld.idx.msk [tilespmem:v34+s8+$0x0], $0xffff  }
0xf7: {  	v36 =	vor.u32 v1, v14;
	_ =	sdelay $0x3  }
0xf8: {  	v11 =	vld.idx.msk [tilespmem:v35+s8+$0x0], $0xffff;
	[tilespmem:$0x4480] =	vst v12  }
0xf9: {  	v12 =	vld.idx.msk [tilespmem:v36+s8+$0x0], $0xffff  }
0xfa: {  	v37 =	vor.u32 v2, v14;
	_ =	sdelay $0x3  }
0xfb: {  	[tilespmem:$0x4490] =	vst v12  }
0xfc: {  	v12 =	vld.idx.msk [tilespmem:v37+s8+$0x0], $0xffff  }
0xfd: {  	s17 =	sand.u32 $0x7, s17;
	v38 =	vor.u32 v3, v14  }
0xfe: {  	v39 =	vmov s17  }
0xff: {  	v15 =	vshll.u32 v39, v6;
	v16 =	vsel vm2, $0x1C00, v4  }
0x100: {  	v15 =	vor.u32 v16, v15  }
0x101: {  	v15 =	vbroadcast v15, $0x0;
	[tilespmem:$0x44A0] =	vst v12  }
0x102: {  	v12 =	vld.idx.msk [tilespmem:v38+s8+$0x0], $0xffff  }
0x103: {  	v40 =	vor.u32 v0, v15;
	_ =	sdelay $0x3  }
0x104: {  	[tilespmem:$0x44B0] =	vst v12  }
0x105: {  	v41 =	vor.u32 $0x40, v14;
	v13 =	vld.idx.msk [tilespmem:v40+s8+$0x0], $0xffff  }
0x106: {  	v42 =	vor.u32 v1, v15;
	_ =	sdelay $0x3  }
0x107: {  	v12 =	vld.idx.msk [tilespmem:v41+s8+$0x0], $0xffff;
	[tilespmem:$0x4500] =	vst v13  }
0x108: {  	v13 =	vld.idx.msk [tilespmem:v42+s8+$0x0], $0xffff  }
0x109: {  	v43 =	vor.u32 v2, v15;
	_ =	sdelay $0x3  }
0x10a: {  	[tilespmem:$0x4510] =	vst v13  }
0x10b: {  	v13 =	vld.idx.msk [tilespmem:v43+s8+$0x0], $0xffff  }
0x10c: {  	s16 =	sand.u32 $0x7, s16;
	v44 =	vor.u32 v3, v15  }
0x10d: {  	v45 =	vmov s16  }
0x10e: {  	v17 =	vsel vm2, $0x2000, v4;
	v16 =	vshll.u32 v45, v6  }
0x10f: {  	v16 =	vor.u32 v17, v16  }
0x110: {  	v16 =	vbroadcast v16, $0x0;
	[tilespmem:$0x4520] =	vst v13  }
0x111: {  	v13 =	vld.idx.msk [tilespmem:v44+s8+$0x0], $0xffff  }
0x112: {  	v46 =	vor.u32 v0, v16;
	_ =	sdelay $0x3  }
0x113: {  	[tilespmem:$0x4530] =	vst v13  }
0x114: {  	v47 =	vor.u32 $0x40, v15;
	v14 =	vld.idx.msk [tilespmem:v46+s8+$0x0], $0xffff  }
0x115: {  	v48 =	vor.u32 v1, v16;
	_ =	sdelay $0x3  }
0x116: {  	v13 =	vld.idx.msk [tilespmem:v47+s8+$0x0], $0xffff;
	[tilespmem:$0x4580] =	vst v14  }
0x117: {  	v14 =	vld.idx.msk [tilespmem:v48+s8+$0x0], $0xffff  }
0x118: {  	v49 =	vor.u32 v2, v16;
	_ =	sdelay $0x3  }
0x119: {  	[tilespmem:$0x4590] =	vst v14  }
0x11a: {  	v14 =	vld.idx.msk [tilespmem:v49+s8+$0x0], $0xffff  }
0x11b: {  	s15 =	sand.u32 $0x7, s15;
	v50 =	vor.u32 v3, v16  }
0x11c: {  	v51 =	vmov s15  }
0x11d: {  	v17 =	vshll.u32 v51, v6;
	v18 =	vsel vm2, $0x2400, v4  }
0x11e: {  	v17 =	vor.u32 v18, v17  }
0x11f: {  	v17 =	vbroadcast v17, $0x0;
	[tilespmem:$0x45A0] =	vst v14  }
0x120: {  	v14 =	vld.idx.msk [tilespmem:v50+s8+$0x0], $0xffff  }
0x121: {  	v52 =	vor.u32 v0, v17;
	_ =	sdelay $0x3  }
0x122: {  	[tilespmem:$0x45B0] =	vst v14  }
0x123: {  	v53 =	vor.u32 $0x40, v16;
	v15 =	vld.idx.msk [tilespmem:v52+s8+$0x0], $0xffff  }
0x124: {  	v54 =	vor.u32 v1, v17;
	_ =	sdelay $0x3  }
0x125: {  	v14 =	vld.idx.msk [tilespmem:v53+s8+$0x0], $0xffff;
	[tilespmem:$0x4600] =	vst v15  }
0x126: {  	v15 =	vld.idx.msk [tilespmem:v54+s8+$0x0], $0xffff  }
0x127: {  	v55 =	vor.u32 v2, v17;
	_ =	sdelay $0x3  }
0x128: {  	[tilespmem:$0x4610] =	vst v15  }
0x129: {  	v15 =	vld.idx.msk [tilespmem:v55+s8+$0x0], $0xffff  }
0x12a: {  	s14 =	sand.u32 $0x7, s14;
	v56 =	vor.u32 v3, v17  }
0x12b: {  	v57 =	vmov s14  }
0x12c: {  	v18 =	vshll.u32 v57, v6;
	v19 =	vsel vm2, $0x2800, v4  }
0x12d: {  	v18 =	vor.u32 v19, v18  }
0x12e: {  	v58 =	vbroadcast v18, $0x0;
	[tilespmem:$0x4620] =	vst v15  }
0x12f: {  	v16 =	vld.idx.msk [tilespmem:v56+s8+$0x0], $0xffff  }
0x130: {  	v18 =	vor.u32 v0, v58;
	_ =	sdelay $0x3  }
0x131: {  	[tilespmem:$0x4630] =	vst v16  }
0x132: {  	v59 =	vor.u32 $0x40, v17;
	v60 =	vld.idx.msk [tilespmem:v18+s8+$0x0], $0xffff  }
0x133: {  	v61 =	vor.u32 v1, v58;
	_ =	sdelay $0x3  }
0x134: {  	v16 =	vld.idx.msk [tilespmem:v59+s8+$0x0], $0xffff;
	[tilespmem:$0x4680] =	vst v60  }
0x135: {  	v17 =	vld.idx.msk [tilespmem:v61+s8+$0x0], $0xffff  }
0x136: {  	v62 =	vor.u32 v2, v58;
	_ =	sdelay $0x3  }
0x137: {  	[tilespmem:$0x4690] =	vst v17  }
0x138: {  	v17 =	vld.idx.msk [tilespmem:v62+s8+$0x0], $0xffff  }
0x139: {  	s13 =	sand.u32 $0x7, s13;
	v63 =	vor.u32 v3, v58  }
0x13a: {  	v23 =	vmov s13  }
0x13b: {  	v20 =	vsel vm2, $0x2C00, v4;
	v19 =	vshll.u32 v23, v6  }
0x13c: {  	v19 =	vor.u32 v20, v19  }
0x13d: {  	v24 =	vbroadcast v19, $0x0;
	[tilespmem:$0x46A0] =	vst v17  }
0x13e: {  	v18 =	vld.idx.msk [tilespmem:v63+s8+$0x0], $0xffff  }
0x13f: {  	v19 =	vor.u32 v0, v24;
	_ =	sdelay $0x3  }
0x140: {  	[tilespmem:$0x46B0] =	vst v18  }
0x141: {  	v15 =	vor.u32 $0x40, v58;
	v18 =	vld.idx.msk [tilespmem:v19+s8+$0x0], $0xffff  }
0x142: {  	v25 =	vor.u32 v1, v24;
	_ =	sdelay $0x3  }
0x143: {  	v15 =	vld.idx.msk [tilespmem:v15+s8+$0x0], $0xffff;
	[tilespmem:$0x4700] =	vst v18  }
0x144: {  	v18 =	vld.idx.msk [tilespmem:v25+s8+$0x0], $0xffff  }
0x145: {  	v26 =	vor.u32 v2, v24;
	_ =	sdelay $0x3  }
0x146: {  	[tilespmem:$0x4710] =	vst v18  }
0x147: {  	v18 =	vld.idx.msk [tilespmem:v26+s8+$0x0], $0xffff  }
0x148: {  	s12 =	sand.u32 $0x7, s12;
	v27 =	vor.u32 v3, v24  }
0x149: {  	v28 =	vmov s12  }
0x14a: {  	v21 =	vsel vm2, $0x3000, v4;
	v20 =	vshll.u32 v28, v6  }
0x14b: {  	v20 =	vor.u32 v21, v20  }
0x14c: {  	v29 =	vbroadcast v20, $0x0;
	[tilespmem:$0x4720] =	vst v18  }
0x14d: {  	v19 =	vld.idx.msk [tilespmem:v27+s8+$0x0], $0xffff  }
0x14e: {  	v20 =	vor.u32 v0, v29;
	_ =	sdelay $0x3  }
0x14f: {  	[tilespmem:$0x4730] =	vst v19  }
0x150: {  	v17 =	vor.u32 $0x40, v24;
	v19 =	vld.idx.msk [tilespmem:v20+s8+$0x0], $0xffff  }
0x151: {  	v30 =	vor.u32 v1, v29;
	_ =	sdelay $0x3  }
0x152: {  	v17 =	vld.idx.msk [tilespmem:v17+s8+$0x0], $0xffff;
	[tilespmem:$0x4780] =	vst v19  }
0x153: {  	v19 =	vld.idx.msk [tilespmem:v30+s8+$0x0], $0xffff  }
0x154: {  	v31 =	vor.u32 v2, v29;
	_ =	sdelay $0x3  }
0x155: {  	[tilespmem:$0x4790] =	vst v19  }
0x156: {  	v19 =	vld.idx.msk [tilespmem:v31+s8+$0x0], $0xffff  }
0x157: {  	s11 =	sand.u32 $0x7, s11;
	v32 =	vor.u32 v3, v29  }
0x158: {  	v33 =	vmov s11  }
0x159: {  	v22 =	vsel vm2, $0x3400, v4;
	v21 =	vshll.u32 v33, v6  }
0x15a: {  	v21 =	vor.u32 v22, v21  }
0x15b: {  	v34 =	vbroadcast v21, $0x0;
	[tilespmem:$0x47A0] =	vst v19  }
0x15c: {  	v20 =	vld.idx.msk [tilespmem:v32+s8+$0x0], $0xffff  }
0x15d: {  	v21 =	vor.u32 v0, v34;
	_ =	sdelay $0x3  }
0x15e: {  	[tilespmem:$0x47B0] =	vst v20  }
0x15f: {  	v18 =	vor.u32 $0x40, v29;
	v20 =	vld.idx.msk [tilespmem:v21+s8+$0x0], $0xffff  }
0x160: {  	v35 =	vor.u32 v1, v34;
	_ =	sdelay $0x3  }
0x161: {  	v18 =	vld.idx.msk [tilespmem:v18+s8+$0x0], $0xffff;
	[tilespmem:$0x4800] =	vst v20  }
0x162: {  	v20 =	vld.idx.msk [tilespmem:v35+s8+$0x0], $0xffff  }
0x163: {  	v36 =	vor.u32 v2, v34;
	_ =	sdelay $0x3  }
0x164: {  	[tilespmem:$0x4810] =	vst v20  }
0x165: {  	v20 =	vld.idx.msk [tilespmem:v36+s8+$0x0], $0xffff  }
0x166: {  	s10 =	sand.u32 $0x7, s10;
	v37 =	vor.u32 v3, v34  }
0x167: {  	v38 =	vmov s10  }
0x168: {  	v23 =	vsel vm2, $0x3800, v4;
	v22 =	vshll.u32 v38, v6  }
0x169: {  	v22 =	vor.u32 v23, v22  }
0x16a: {  	v39 =	vbroadcast v22, $0x0;
	[tilespmem:$0x4820] =	vst v20  }
0x16b: {  	v21 =	vld.idx.msk [tilespmem:v37+s8+$0x0], $0xffff  }
0x16c: {  	v22 =	vor.u32 v0, v39;
	_ =	sdelay $0x3  }
0x16d: {  	[tilespmem:$0x4830] =	vst v21  }
0x16e: {  	v19 =	vor.u32 $0x40, v34;
	v21 =	vld.idx.msk [tilespmem:v22+s8+$0x0], $0xffff  }
0x16f: {  	v40 =	vor.u32 v1, v39;
	_ =	sdelay $0x3  }
0x170: {  	v19 =	vld.idx.msk [tilespmem:v19+s8+$0x0], $0xffff;
	[tilespmem:$0x4880] =	vst v21  }
0x171: {  	v21 =	vld.idx.msk [tilespmem:v40+s8+$0x0], $0xffff  }
0x172: {  	v41 =	vor.u32 v2, v39;
	_ =	sdelay $0x3  }
0x173: {  	[tilespmem:$0x4890] =	vst v21  }
0x174: {  	v21 =	vld.idx.msk [tilespmem:v41+s8+$0x0], $0xffff  }
0x175: {  	s9 =	sand.u32 $0x7, s28;
	v42 =	vor.u32 v3, v39  }
0x176: {  	v43 =	vmov s9  }
0x177: {  	v4 =	vsel vm2, $0x3C00, v4;
	v6 =	vshll.u32 v43, v6  }
0x178: {  	v4 =	vor.u32 v4, v6  }
0x179: {  	v4 =	vbroadcast v4, $0x0;
	[tilespmem:$0x48A0] =	vst v21  }
0x17a: {  	v44 =	vld.idx.msk [tilespmem:v42+s8+$0x0], $0xffff  }
0x17b: {  	v0 =	vor.u32 v0, v4;
	_ =	sdelay $0x3  }
0x17c: {  	[tilespmem:$0x48B0] =	vst v44  }
0x17d: {  	v45 =	vor.u32 $0x40, v39;
	v0 =	vld.idx.msk [tilespmem:v0+s8+$0x0], $0xffff  }
0x17e: {  	v1 =	vor.u32 v1, v4;
	_ =	sdelay $0x3  }
0x17f: {  	v6 =	vld.idx.msk [tilespmem:v45+s8+$0x0], $0xffff;
	[tilespmem:$0x4900] =	vst v0  }
0x180: {  	v0 =	vld.idx.msk [tilespmem:v1+s8+$0x0], $0xffff  }
0x181: {  	v46 =	vor.u32 v2, v4;
	_ =	sdelay $0x3  }
0x182: {  	[tilespmem:$0x4910] =	vst v0  }
0x183: {  	v0 =	vld.idx.msk [tilespmem:v46+s8+$0x0], $0xffff  }
0x184: {  	v47 =	vor.u32 v3, v4;
	_ =	sdelay $0x1  }
0x185: {  	vm15 =	vmmov $0x3;
	v48 =	vsel vm0, v5, v7  }
0x186: {  	vm4 =	vmmov $0x7;
	v2 =	vsel vm15, v48, v8  }
0x187: {  	vm5 =	vmmov $0xf;
	v2 =	vsel vm4, v2, v9;
	[tilespmem:$0x4920] =	vst v0  }
0x188: {  	vm6 =	vmmov $0x1f;
	v49 =	vsel vm5, v2, v10;
	v1 =	vld.idx.msk [tilespmem:v47+s8+$0x0], $0xffff  }
0x189: {  	vm7 =	vmmov $0x3f;
	v50 =	vor.u32 $0x40, v4;
	v0 =	vsel vm6, v49, v11  }
0x18a: {  	vm8 =	vmmov $0x7f;
	v0 =	vsel vm7, v0, v12  }
0x18b: {  	vm9 =	vmmov $0xff;
	v0 =	vsel vm8, v0, v13  }
0x18c: {  	vm10 =	vmmov $0x1ff;
	v0 =	vsel vm9, v0, v14  }
0x18d: {  	vm11 =	vmmov $0x3ff;
	v0 =	vsel vm10, v0, v16;
	[tilespmem:$0x4930] =	vst v1  }
0x18e: {  	vm12 =	vmmov $0x7ff;
	v0 =	vsel vm11, v0, v15;
	v1 =	vld.idx.msk [tilespmem:v50+s8+$0x0], $0xffff  }
0x18f: {  	vm13 =	vmmov $0xfff;
	v0 =	vsel vm12, v0, v17  }
0x190: {  	vm14 =	vmmov $0x1fff;
	v0 =	vsel vm13, v0, v18  }
0x191: {  	vm15 =	vmmov $0x3fff;
	v0 =	vsel vm14, v0, v19  }
0x192: {  	s23 =	sshll.u32 s7, $0x4;
	v0 =	vsel vm15, v0, v6  }
0x193: {  	s8 =	sadd.s32 s23, s5;
	v0 =	vsel vm1, v0, v1  }
0x194: {  	s24 =	simm.s32 $0x4180;
	s8 =	sadd.s32 $0x10C9600, s8;
	[tilespmem:$0x4A80] =	vst v0  }
0x195: {  	[hbm4b:s8+s3] =	stream.linear.scatter [tilespmem:s24], [sflag:$0x2], $0x800, $0x38;
	[tilespmem:$0x8C80] =	vst v63  }
0x196: {  	s25 =	sshrl.u32 s7, $0x3;
	_ =	swait.ge [sflag:s4], $0x800  }
0x197: {  	s26 =	sadd.s32 s25, s5;
	[sflag:s4] =	ssyncset.done $0x0  }
0x198: {  	s28 =	simm.s32 $0x4A80;
	s5 =	sadd.s32 $0x10CA400, s26;
	[sflag:s4] =	ssyncadd.s32 $0xFFFFF800  }
0x199: {  	[hbm4b:s5+s3] =	stream.linear.scatter [tilespmem:s28], [sflag:$0x2], $0x10, $0x38;
	[tilespmem:$0x8C80] =	vst v63  }
0x19a: {  	_ =	swait.ge [sflag:s4], $0x10  }
0x19b: {  	[sflag:s4] =	ssyncset.done $0x0  }
0x19c: {  	[sflag:s4] =	ssyncadd.s32 $0xFFFFFFF0  }
0x19d: {  	v51 =	vld [tilespmem:$0x4180]  }
0x19e: {  	v52 =	vld [tilespmem:$0x4200]  }
0x19f: {  	v53 =	vld [tilespmem:$0x4280]  }
0x1a0: {  	v54 =	vld [tilespmem:$0x4300]  }
0x1a1: {  	v55 =	vld [tilespmem:$0x4380]  }
0x1a2: {  	v56 =	vld [tilespmem:$0x4400]  }
0x1a3: {  	v57 =	vld [tilespmem:$0x4480]  }
0x1a4: {  	v11 =	vld [tilespmem:$0x4500]  }
0x1a5: {  	v12 =	vld [tilespmem:$0x4580]  }
0x1a6: {  	v13 =	vld [tilespmem:$0x4600]  }
0x1a7: {  	v14 =	vld [tilespmem:$0x4680]  }
0x1a8: {  	v58 =	vld [tilespmem:$0x4190]  }
0x1a9: {  	v59 =	vld [tilespmem:$0x4210]  }
0x1aa: {  	v60 =	vld [tilespmem:$0x4290]  }
0x1ab: {  	v61 =	vld [tilespmem:$0x4310]  }
0x1ac: {  	v62 =	vld [tilespmem:$0x4390]  }
0x1ad: {  	v63 =	vld [tilespmem:$0x4410]  }
0x1ae: {  	v31 =	vld [tilespmem:$0x41A0]  }
0x1af: {  	v32 =	vld [tilespmem:$0x41B0]  }
0x1b0: {  	v33 =	vld [tilespmem:$0x4490]  }
0x1b1: {  	v24 =	vld [tilespmem:$0x4220]  }
0x1b2: {  	v25 =	vld [tilespmem:$0x4230]  }
0x1b3: {  	v26 =	vld [tilespmem:$0x42A0]  }
0x1b4: {  	v27 =	vld [tilespmem:$0x42B0]  }
0x1b5: {  	v28 =	vld [tilespmem:$0x4320]  }
0x1b6: {  	s29 =	ssub.s32 s6, s7;
	v35 =	vld [tilespmem:$0x4330]  }
0x1b7: {  	p1 =	slt.s32 s29, $0x2;
	v29 =	vld [tilespmem:$0x43A0];
	v4 =	vadd.f32 $0.0e+00, v51;
	v15 =	vadd.f32 $0.0e+00, v58  }
0x1b8: {  	v37 =	vld [tilespmem:$0x43B0];
	v21 =	vadd.f32 $0.0e+00, v31;
	v22 =	vadd.f32 $0.0e+00, v32;
	v5 =	vpsel !p1, $0x0, v52  }
0x1b9: {  	p4 =	slt.s32 s29, $0x3;
	p5 =	slt.s32 s29, $0x4;
	v40 =	vld [tilespmem:$0x4420];
	v34 =	vpsel !p1, $0x0, v59;
	v24 =	vpsel !p1, $0x0, v24;
	v25 =	vpsel !p1, $0x0, v25  }
0x1ba: {  	v44 =	vld [tilespmem:$0x44A0];
	v6 =	vpsel !p4, $0x0, v53;
	v36 =	vpsel !p5, $0x0, v54;
	v38 =	vpsel !p4, $0x0, v60  }
0x1bb: {  	p6 =	slt.s32 s29, $0x5;
	v48 =	vld [tilespmem:$0x4510];
	v39 =	vpsel !p4, $0x0, v26;
	v27 =	vpsel !p4, $0x0, v27;
	v41 =	vpsel !p5, $0x0, v61  }
0x1bc: {  	p2 =	slt.s32 s29, $0x6;
	v3 =	vld [tilespmem:$0x4700];
	v43 =	vpsel !p5, $0x0, v28;
	v16 =	vpsel !p5, $0x0, v35;
	v8 =	vpsel !p6, $0x0, v55  }
0x1bd: {  	v30 =	vld [tilespmem:$0x46B0];
	v45 =	vpsel !p2, $0x0, v56;
	v47 =	vpsel !p6, $0x0, v62;
	v29 =	vpsel !p6, $0x0, v29  }
0x1be: {  	p3 =	slt.s32 s29, $0x7;
	v42 =	vld [tilespmem:$0x4430];
	v7 =	vpsel !p6, $0x0, v37;
	v49 =	vpsel !p2, $0x0, v63;
	v50 =	vpsel !p2, $0x0, v40  }
0x1bf: {  	v46 =	vld [tilespmem:$0x44B0];
	v52 =	vpsel !p3, $0x0, v57;
	v54 =	vpsel !p3, $0x0, v33;
	v28 =	vpsel !p3, $0x0, v44;
	p4 =	slt.s32 s29, $0x8;
	p5 =	slt.s32 s29, $0x9  }
0x1c0: {  	p0 =	slt.s32 s29, $0x1;
	v51 =	vld [tilespmem:$0x4520];
	p6 =	slt.s32 s29, $0xA;
	p1 =	slt.s32 s29, $0xB;
	v11 =	vpsel !p4, $0x0, v11;
	v19 =	vpsel !p4, $0x0, v48;
	v12 =	vpsel !p5, $0x0, v12  }
0x1c1: {  	v53 =	vld [tilespmem:$0x4530];
	v13 =	vpsel !p6, $0x0, v13;
	v14 =	vpsel !p1, $0x0, v14;
	v4 =	vpsel !p0, $0x0, v4  }
0x1c2: {  	v55 =	vld [tilespmem:$0x4590];
	v37 =	vpsel !p1, $0x0, v30;
	v15 =	vpsel !p0, $0x0, v15;
	v4 =	vadd.f32 v5, v4  }
0x1c3: {  	v57 =	vld [tilespmem:$0x45A0];
	v21 =	vpsel !p0, $0x0, v21;
	v22 =	vpsel !p0, $0x0, v22;
	v5 =	vadd.f32 v34, v15  }
0x1c4: {  	v59 =	vld [tilespmem:$0x45B0];
	v15 =	vpsel !p2, $0x0, v42;
	v56 =	vadd.f32 v24, v21;
	p2 =	slt.s32 s29, $0xC;
	v4 =	vadd.f32 v6, v4  }
0x1c5: {  	v60 =	vld [tilespmem:$0x4610];
	v58 =	vadd.f32 v25, v22;
	v3 =	vpsel !p2, $0x0, v3;
	v5 =	vadd.f32 v38, v5  }
0x1c6: {  	v63 =	vld [tilespmem:$0x4630];
	v6 =	vpsel !p3, $0x0, v46;
	v61 =	vpsel !p4, $0x0, v51;
	v4 =	vadd.f32 v36, v4  }
0x1c7: {  	v26 =	vld [tilespmem:$0x4690];
	v10 =	vpsel !p4, $0x0, v53;
	v9 =	vadd.f32 v27, v58;
	v5 =	vadd.f32 v41, v5  }
0x1c8: {  	v32 =	vld [tilespmem:$0x4710];
	v25 =	vpsel !p5, $0x0, v55;
	v4 =	vadd.f32 v8, v4;
	v8 =	vadd.f32 v39, v56  }
0x1c9: {  	v2 =	vld [tilespmem:$0x4780];
	v21 =	vpsel !p5, $0x0, v57;
	v27 =	vpsel !p5, $0x0, v59;
	v9 =	vadd.f32 v16, v9  }
0x1ca: {  	v1 =	vld [tilespmem:$0x4800];
	v31 =	vpsel !p6, $0x0, v60;
	v5 =	vadd.f32 v47, v5;
	v8 =	vadd.f32 v43, v8  }
0x1cb: {  	v0 =	vld [tilespmem:$0x4880];
	v18 =	vpsel !p6, $0x0, v63;
	v7 =	vadd.f32 v7, v9;
	v4 =	vadd.f32 v45, v4  }
0x1cc: {  	v35 =	vpsel !p1, $0x0, v26;
	v38 =	vld [tilespmem:$0x47A0];
	v5 =	vadd.f32 v49, v5;
	v8 =	vadd.f32 v29, v8  }
0x1cd: {  	v34 =	vld [tilespmem:$0x4730];
	v40 =	vpsel !p2, $0x0, v32;
	p3 =	slt.s32 s29, $0xD;
	v7 =	vadd.f32 v15, v7;
	v4 =	vadd.f32 v52, v4  }
0x1ce: {  	p4 =	slt.s32 s29, $0xE;
	v2 =	vpsel !p3, $0x0, v2;
	v36 =	vld [tilespmem:$0x4790];
	v5 =	vadd.f32 v54, v5;
	v8 =	vadd.f32 v50, v8  }
0x1cf: {  	v48 =	vld [tilespmem:$0x48B0];
	p5 =	slt.s32 s29, $0xF;
	v1 =	vpsel !p4, $0x0, v1;
	v6 =	vadd.f32 v6, v7;
	v4 =	vadd.f32 v11, v4  }
0x1d0: {  	v62 =	vld [tilespmem:$0x4620];
	v0 =	vpsel !p5, $0x0, v0;
	v5 =	vadd.f32 v19, v5;
	v8 =	vadd.f32 v28, v8  }
0x1d1: {  	v39 =	vld [tilespmem:$0x47B0];
	v9 =	vpsel !p3, $0x0, v38;
	v6 =	vadd.f32 v10, v6;
	v4 =	vadd.f32 v12, v4  }
0x1d2: {  	v15 =	vpsel !p2, $0x0, v34;
	v29 =	vld [tilespmem:$0x46A0];
	v5 =	vadd.f32 v25, v5;
	v8 =	vadd.f32 v61, v8  }
0x1d3: {  	v41 =	vld [tilespmem:$0x4810];
	v44 =	vpsel !p3, $0x0, v36;
	v6 =	vadd.f32 v27, v6;
	v4 =	vadd.f32 v13, v4  }
0x1d4: {  	v33 =	vld [tilespmem:$0x4720];
	v7 =	vpsel !p5, $0x0, v48;
	v5 =	vadd.f32 v31, v5;
	v8 =	vadd.f32 v21, v8  }
0x1d5: {  	v45 =	vld [tilespmem:$0x4890];
	v11 =	vpsel !p6, $0x0, v62;
	v6 =	vadd.f32 v18, v6;
	v4 =	vadd.f32 v14, v4  }
0x1d6: {  	v49 =	vld [tilespmem:$0x4900];
	v10 =	vpsel !p3, $0x0, v39;
	v5 =	vadd.f32 v35, v5;
	v8 =	vadd.f32 v11, v8  }
0x1d7: {  	v43 =	vld [tilespmem:$0x4830];
	v12 =	vpsel !p1, $0x0, v29;
	v6 =	vadd.f32 v37, v6;
	v3 =	vadd.f32 v3, v4  }
0x1d8: {  	v42 =	vld [tilespmem:$0x4820];
	v50 =	vpsel !p4, $0x0, v41;
	v5 =	vadd.f32 v40, v5;
	v46 =	vadd.f32 v12, v8  }
0x1d9: {  	v47 =	vld [tilespmem:$0x48A0];
	v13 =	vpsel !p2, $0x0, v33;
	v6 =	vadd.f32 v15, v6;
	v2 =	vadd.f32 v2, v3  }
0x1da: {  	v51 =	vld [tilespmem:$0x4910];
	p6 =	slt.s32 s29, $0x10;
	v53 =	vpsel !p5, $0x0, v45;
	v5 =	vadd.f32 v44, v5;
	v3 =	vadd.f32 v13, v46  }
0x1db: {  	v54 =	vld [tilespmem:$0x4930];
	v56 =	vpsel !p6, $0x0, v49;
	v6 =	vadd.f32 v10, v6;
	v1 =	vadd.f32 v1, v2  }
0x1dc: {  	v52 =	vld [tilespmem:$0x4920];
	v11 =	vpsel !p4, $0x0, v43;
	v5 =	vadd.f32 v50, v5;
	v3 =	vadd.f32 v9, v3  }
0x1dd: {  	v4 =	vpsel !p4, $0x0, v42;
	v58 =	vadd.f32 v11, v6;
	v0 =	vadd.f32 v0, v1  }
0x1de: {  	v8 =	vpsel !p5, $0x0, v47;
	v57 =	vadd.f32 v53, v5;
	v55 =	vadd.f32 v4, v3  }
0x1df: {  	v2 =	vpsel !p6, $0x0, v51;
	v60 =	vadd.f32 v7, v58;
	v0 =	vadd.f32 v56, v0  }
0x1e0: {  	v61 =	vpsel !p6, $0x0, v54;
	v2 =	vadd.f32 v2, v57;
	v1 =	vadd.f32 v8, v55  }
0x1e1: {  	v59 =	vpsel !p6, $0x0, v52;
	v63 =	vadd.f32 v61, v60;
	[tilespmem:$0x4A00] =	vst v0  }
0x1e2: {  	[tilespmem:$0x4A10] =	vst v2;
	v62 =	vadd.f32 v59, v1  }
0x1e3: {  	s30 =	sshll.u32 s1, $0x7;
	[tilespmem:$0x4A30] =	vst v63  }
.Ltmp2:
0x1e4: {  	s2 =	sadd.s32 s2, s30;
	s31 =	simm.s32 $0x4A00;
	[tilespmem:$0x4A20] =	vst v62;
	(pc) =	sbr.rel .LBB2_3-.Ltmp2, $4  }
0x1e5: {  	[hbm4b:s2+s3] =	stream.linear.scatter [tilespmem:s31], [sflag:$0x2], $0x80, $0x38;
	[tilespmem:$0x8C80] =	vst v63  }
0x1e6: {  	_ =	swait.ge [sflag:s4], $0x80  }
0x1e7: {  	[sflag:s4] =	ssyncset.done $0x0  }
0x1e8: {  	[sflag:s4] =	ssyncadd.s32 $0xFFFFFF80  }
.LBB2_4:
0x1e9: {  	p0 =	sne.s32 s1, $0xD  }
.Ltmp3:
0x1ea: {  	_ = 	snop;
	(pc) =	sbr.rel @p0 .LBB2_3-.Ltmp3, $1  }
0x1eb: {  	_ =	sdelay $0x3  }
0x1ec: {  	s4 =	simm.s32 $0x0;
	s10 =	simm.s32 $0x100;
	v0 =	vimm.s32 $0x1;
	s20 =	simm.s32 $0x2  }
0x1ed: {  	[tilespmem:s10], [sflag:$0x2] =	stream.linear.gather [hbm4b:s6+s4], $0x80, $0x38;
	[tilespmem:$0x8C80] =	vst v63  }
0x1ee: {  	_ =	swait.ge [sflag:s20], $0x80  }
0x1ef: {  	[sflag:s20] =	ssyncset.done $0x0  }
0x1f0: {  	[sflag:s20] =	ssyncadd.s32 $0xFFFFFF80  }
0x1f1: {  	v0 =	vld.idx.msk [tilespmem:v0+s10+$0x0], $0xffff;
	_ =	sdelay $0x4  }
0x1f2: {  	v0 =	vxor.u32 $0x80000000, v0  }
0x1f3: {  	(xrf0) =	vmax.scan.msk.u32 $0xffff, v0;
	_ =	sdelay $0x5  }
0x1f4: {  	v0, _, _ =	vpop (xrf0)  }
0x1f5: {  	(v2sf) =	vpush v0, $0xF;
	_ =	sdelay $0xe  }
0x1f6: {  	s21 =	spop (v2sf)  }
0x1f7: {  	s11 =	sshll.u32 s21, $0x4  }
0x1f8: {  	s12 =	sadd.s32 $0x187200, s5;
	s11 =	sand.u32 $0xFFFFF80, s11  }
0x1f9: {  	s22 =	simm.s32 $0x180;
	s11 =	sadd.s32 s12, s11  }
0x1fa: {  	[tilespmem:s22], [sflag:$0x1] =	stream.linear.gather [hbm4b:s11+s4], $0x400, $0x38;
	[tilespmem:$0x8C80] =	vst v63  }
0x1fb: {  	s23 =	simm.s32 $0x4980  }
0x1fc: {  	[tilespmem:s23], [sflag:$0x2] =	stream.linear.gather [hbm4b:s9+s4], $0x80, $0x38;
	[tilespmem:$0x8C80] =	vst v63  }
0x1fd: {  	_ =	swait.ge [sflag:s20], $0x80  }
0x1fe: {  	[sflag:s20] =	ssyncset.done $0x0  }
0x1ff: {  	s24 =	simm.s32 $0x1;
	[sflag:s20] =	ssyncadd.s32 $0xFFFFFF80  }
0x200: {  	_ =	swait.ge [sflag:s24], $0x400  }
0x201: {  	[sflag:s24] =	ssyncset.done $0x0  }
0x202: {  	s25 =	sand.u32 $0x7, s21;
	[sflag:s24] =	ssyncadd.s32 $0xFFFFFC00  }
0x203: {  	v1 =	vlaneseq.u32;
	s9 =	sshll.u32 s25, $0x7;
	v45 =	vld [tilespmem:$0x4980]  }
0x204: {  	v2 =	vor.u32 s9, v1;
	_ =	sdelay $0x3  }
0x205: {  	v46 =	vld [tilespmem:$0x4990];
	[tilespmem:$0x4B80] =	vst v45  }
0x206: {  	v3 =	vor.u32 $0x10, v1;
	v0 =	vld.idx.msk [tilespmem:v2+s22+$0x0], $0xffff  }
0x207: {  	v3 =	vor.u32 s9, v3;
	_ =	sdelay $0x2  }
0x208: {  	[tilespmem:$0x4B90] =	vst v46  }
0x209: {  	v47 =	vld [tilespmem:$0x49A0];
	[tilespmem:$0x4C00] =	vst v0  }
0x20a: {  	v48 =	vor.u32 $0x20, v1;
	v0 =	vld.idx.msk [tilespmem:v3+s22+$0x0], $0xffff  }
0x20b: {  	v3 =	vor.u32 s9, v48;
	_ =	sdelay $0x2  }
0x20c: {  	[tilespmem:$0x4BA0] =	vst v47  }
0x20d: {  	v49 =	vld [tilespmem:$0x49B0];
	[tilespmem:$0x4C10] =	vst v0  }
0x20e: {  	v1 =	vor.u32 $0x30, v1;
	v0 =	vld.idx.msk [tilespmem:v3+s22+$0x0], $0xffff  }
0x20f: {  	v1 =	vor.u32 s9, v1;
	_ =	sdelay $0x2  }
0x210: {  	[tilespmem:$0x4BB0] =	vst v49  }
0x211: {  	[tilespmem:$0x4C20] =	vst v0  }
0x212: {  	v0 =	vld.idx.msk [tilespmem:v1+s22+$0x0], $0xffff;
	_ =	sdelay $0x4  }
0x213: {  	s26 =	simm.s32 $0x4B80;
	v51 =	vimm.s32 $0x40;
	v50 =	vmov s9;
	[tilespmem:$0x4C30] =	vst v0  }
0x214: {  	v1 =	vor.u32 $0x40, v50;
	[hbm4b:s8+s4] =	stream.linear.scatter [tilespmem:s26], [sflag:$0x2], $0x100, $0x38;
	[tilespmem:$0x8C80] =	vst v63  }
0x215: {  	_ =	swait.ge [sflag:s20], $0x100  }
0x216: {  	[sflag:s20] =	ssyncset.done $0x0  }
0x217: {  	[sflag:s20] =	ssyncadd.s32 $0xFFFFFF00  }
0x218: {  	v0 =	vld.idx.msk [tilespmem:v51+s23+$0x0], $0xffff  }
0x219: {  	v1 =	vld.idx.msk [tilespmem:v1+s22+$0x0], $0xffff;
	_ =	sdelay $0x3  }
0x21a: {  	vm0 =	vmmov $0x1  }
0x21b: {  	v0 =	vsel vm0, v0, v1  }
0x21c: {  	s28 =	sadd.s32 $0x10CA600, s5;
	s29 =	simm.s32 $0x4A80;
	[tilespmem:$0x4A80] =	vst v0  }
0x21d: {  	[hbm4b:s28+s4] =	stream.linear.scatter [tilespmem:s29], [sflag:$0x2], $0x2, $0x38;
	[tilespmem:$0x8C80] =	vst v63  }
0x21e: {  	_ =	swait.ge [sflag:s20], $0x2  }
0x21f: {  	[sflag:s20] =	ssyncset.done $0x0  }
0x220: {  	[sflag:s20] =	ssyncadd.s32 $0xFFFFFFFE  }
0x221: {  	s30 =	simm.s32 $0x4C80;
	[bflag:$0x0] =	sbarrier.arrive $0xFFFF  }
0x222: {  	[tilespmem:s30], [sflag:$0x2] =	stream.linear.gather [hbm4b:s2+s4], $0x4000, $0x38;
	[tilespmem:$0x8C80] =	vst v63  }
0x223: {  	_ =	swait.ge [sflag:s20], $0x4000  }
0x224: {  	[sflag:s20] =	ssyncset.done $0x0  }
0x225: {  	s31 =	simm.s32 $0x4B00;
	[sflag:s20] =	ssyncadd.s32 $0xFFFFC000  }
0x226: {  	[tilespmem:s31], [sflag:$0x2] =	stream.linear.gather [hbm4b:s7+s4], $0x1, $0x38;
	[tilespmem:$0x8C80] =	vst v63  }
0x227: {  	_ =	swait.ge [sflag:s20], $0x1  }
0x228: {  	[sflag:s20] =	ssyncset.done $0x0  }
0x229: {  	[sflag:s20] =	ssyncadd.s32 $0xFFFFFFFF  }
0x22a: {  	v52 =	vld [tilespmem:$0x4C80]  }
0x22b: {  	v53 =	vld [tilespmem:$0x5080]  }
0x22c: {  	v54 =	vld [tilespmem:$0x5480]  }
0x22d: {  	v55 =	vld [tilespmem:$0x5880]  }
0x22e: {  	v4 =	vld [tilespmem:$0x5C80]  }
0x22f: {  	v5 =	vld [tilespmem:$0x6080]  }
0x230: {  	v6 =	vld [tilespmem:$0x6480]  }
0x231: {  	v7 =	vld [tilespmem:$0x6880]  }
0x232: {  	v8 =	vld [tilespmem:$0x6C80]  }
0x233: {  	v9 =	vld [tilespmem:$0x7080]  }
0x234: {  	v10 =	vld [tilespmem:$0x7480]  }
0x235: {  	v11 =	vld [tilespmem:$0x7880]  }
0x236: {  	v12 =	vld [tilespmem:$0x7C80]  }
0x237: {  	v13 =	vld [tilespmem:$0x4B80]  }
0x238: {  	v14 =	vld [tilespmem:$0x4C00]  }
0x239: {  	v15 =	vld [tilespmem:$0x4C90]  }
0x23a: {  	v16 =	vld [tilespmem:$0x5090]  }
0x23b: {  	v17 =	vld [tilespmem:$0x5490]  }
0x23c: {  	v18 =	vld [tilespmem:$0x5890]  }
0x23d: {  	v19 =	vld [tilespmem:$0x5C90]  }
0x23e: {  	v20 =	vld [tilespmem:$0x6090]  }
0x23f: {  	v21 =	vld [tilespmem:$0x6490]  }
0x240: {  	v22 =	vld [tilespmem:$0x6890]  }
0x241: {  	v23 =	vld [tilespmem:$0x6C90]  }
0x242: {  	v56 =	vld [tilespmem:$0x7090]  }
0x243: {  	v24 =	vld [tilespmem:$0x7490]  }
0x244: {  	v57 =	vld [tilespmem:$0x7890]  }
0x245: {  	v25 =	vld [tilespmem:$0x7C90];
	v0 =	vadd.f32 $0.0e+00, v52  }
0x246: {  	v58 =	vld [tilespmem:$0x4B90]  }
0x247: {  	v26 =	vld [tilespmem:$0x4C10];
	v0 =	vadd.f32 v53, v0  }
0x248: {  	v59 =	vld [tilespmem:$0x4CA0]  }
0x249: {  	v60 =	vld [tilespmem:$0x50A0];
	v15 =	vadd.f32 $0.0e+00, v15;
	v0 =	vadd.f32 v54, v0  }
0x24a: {  	v61 =	vld [tilespmem:$0x54A0]  }
0x24b: {  	v62 =	vld [tilespmem:$0x58A0];
	v15 =	vadd.f32 v16, v15;
	v0 =	vadd.f32 v55, v0  }
0x24c: {  	v63 =	vld [tilespmem:$0x5CA0]  }
0x24d: {  	v27 =	vld [tilespmem:$0x4CB0];
	v15 =	vadd.f32 v17, v15;
	v0 =	vadd.f32 v4, v0  }
0x24e: {  	v28 =	vld [tilespmem:$0x60A0];
	v42 =	vmul.f32 v14, v13;
	v13 =	vadd.f32 v14, v13;
	v4 =	vadd.f32 $0.0e+00, v59  }
0x24f: {  	v29 =	vld [tilespmem:$0x50B0];
	v15 =	vadd.f32 v18, v15;
	v0 =	vadd.f32 v5, v0  }
0x250: {  	v30 =	vld [tilespmem:$0x64A0];
	v3 =	vadd.f32 v26, v58;
	v4 =	vadd.f32 v60, v4  }
0x251: {  	v31 =	vld [tilespmem:$0x54B0];
	v15 =	vadd.f32 v19, v15;
	v0 =	vadd.f32 v6, v0  }
0x252: {  	v32 =	vld [tilespmem:$0x68A0];
	v18 =	vadd.f32 $0.0e+00, v27;
	v4 =	vadd.f32 v61, v4  }
0x253: {  	v33 =	vld [tilespmem:$0x58B0];
	v15 =	vadd.f32 v20, v15;
	v0 =	vadd.f32 v7, v0  }
0x254: {  	v35 =	vld [tilespmem:$0x6CA0];
	v34 =	vadd.f32 v29, v18;
	v4 =	vadd.f32 v62, v4  }
0x255: {  	v36 =	vld [tilespmem:$0x5CB0];
	v15 =	vadd.f32 v21, v15;
	v0 =	vadd.f32 v8, v0  }
0x256: {  	v37 =	vld [tilespmem:$0x70A0];
	v5 =	vadd.f32 v31, v34;
	v4 =	vadd.f32 v63, v4  }
0x257: {  	v39 =	vld [tilespmem:$0x60B0];
	v15 =	vadd.f32 v22, v15;
	v0 =	vadd.f32 v9, v0  }
0x258: {  	v40 =	vld [tilespmem:$0x74A0];
	v5 =	vadd.f32 v33, v5;
	v4 =	vadd.f32 v28, v4  }
0x259: {  	v41 =	vld [tilespmem:$0x64B0];
	v38 =	vadd.f32 v23, v15;
	v0 =	vadd.f32 v10, v0  }
0x25a: {  	v43 =	vld [tilespmem:$0x78A0];
	v5 =	vadd.f32 v36, v5;
	v4 =	vadd.f32 v30, v4  }
0x25b: {  	v44 =	vld [tilespmem:$0x68B0];
	v1 =	vadd.f32 v56, v38;
	v0 =	vadd.f32 v11, v0  }
0x25c: {  	v45 =	vld [tilespmem:$0x7CA0];
	v5 =	vadd.f32 v39, v5;
	v4 =	vadd.f32 v32, v4  }
0x25d: {  	v47 =	vld [tilespmem:$0x6CB0];
	v1 =	vadd.f32 v24, v1;
	v0 =	vadd.f32 v12, v0  }
0x25e: {  	v48 =	vld [tilespmem:$0x4BA0];
	v5 =	vadd.f32 v41, v5;
	v46 =	vadd.f32 v35, v4  }
0x25f: {  	v49 =	vld [tilespmem:$0x70B0];
	v11 =	vadd.f32 $0.0e+00, v42;
	v1 =	vadd.f32 v57, v1;
	v0 =	vmul.f32 v13, v0  }
0x260: {  	v51 =	vld [tilespmem:$0x4C20];
	v5 =	vadd.f32 v44, v5;
	v2 =	vadd.f32 v37, v46  }
0x261: {  	v50 =	vmul.f32 v26, v58;
	v52 =	vld [tilespmem:$0x74B0];
	v1 =	vadd.f32 v25, v1;
	v0 =	vadd.f32 v0, v11  }
0x262: {  	v54 =	vld [tilespmem:$0x78B0];
	v53 =	vadd.f32 v47, v5;
	v2 =	vadd.f32 v40, v2  }
0x263: {  	v60 =	vld [tilespmem:$0x4C30];
	v1 =	vmul.f32 v3, v1;
	v0 =	vadd.f32 v50, v0  }
0x264: {  	v57 =	vld [tilespmem:$0x4BB0];
	v56 =	vadd.f32 v49, v53;
	v2 =	vadd.f32 v43, v2  }
0x265: {  	v55 =	vld [tilespmem:$0x7CB0];
	v59 =	vadd.f32 v51, v48;
	v0 =	vadd.f32 v1, v0  }
0x266: {  	v58 =	vmul.f32 v51, v48;
	v2 =	vadd.f32 v45, v2;
	v1 =	vadd.f32 v52, v56;
	_ =	sdelay $0x1  }
0x267: {  	v0 =	vadd.f32 v58, v0;
	v2 =	vmul.f32 v59, v2;
	v1 =	vadd.f32 v54, v1  }
0x268: {  	v3 =	vadd.f32 v60, v57  }
0x269: {  	v61 =	vmul.f32 v60, v57;
	v0 =	vadd.f32 v2, v0;
	v1 =	vadd.f32 v55, v1;
	_ =	sdelay $0x1  }
0x26a: {  	v0 =	vadd.f32 v61, v0;
	v1 =	vmul.f32 v3, v1;
	_ =	sdelay $0x1  }
0x26b: {  	v0 =	vadd.f32 v1, v0;
	_ =	sdelay $0x1  }
0x26c: {  	(xrf2) =	vadd.scan.msk.f32 $0xffff, v0;
	_ =	sdelay $0x7  }
0x26d: {  	v62 =	vld.msk [tilespmem:s31+$0x0], $0xffff;
	_ =	sdelay $0x1  }
0x26e: {  	v63, _, _ =	vpop (xrf2)  }
0x26f: {  	v1 =	vbroadcast v63, $0xF;
	_ =	sdelay $0x1  }
0x270: {  	v0 =	vadd.f32 v1, v62;
	_ =	sdelay $0x1  }
.Ltmp4:
0x271: {  	[tilespmem:$0x4B00] =	vst v0;
	(pc) =	sbr.rel .LBB2_6-.Ltmp4, $4  }
0x272: {  	[hbm4b:s3+s4] =	stream.linear.scatter [tilespmem:s31], [sflag:$0x2], $0x1, $0x38;
	[tilespmem:$0x8C80] =	vst v63  }
0x273: {  	_ =	swait.ge [sflag:s20], $0x1  }
0x274: {  	[sflag:s20] =	ssyncset.done $0x0  }
0x275: {  	[sflag:s20] =	ssyncadd.s32 $0xFFFFFFFF  }
.LBB2_3:
0x276: {  	[bflag:$0x0] =	sbarrier.arrive $0xFFFF  }
.LBB2_6:
0x277: {  	_ =	sfence.sel $0x180000  }
0x278: {  	[bflag:$0x0] =	sbarrier.arrive $0xFFFF  }
0x279: {  	p0 =	sne.s32 s1, $0x0;
	_ =	strace $0x90000047  }
0x27a: {  	s0 =	sadd.s32 @!p0 $0x100000, s0;
	[bflag:$0x2] =	sbarrier.arrive $0xFFFF  }
0x27b: {  	[sflag:s0] =	ssyncadd.tile.s32 @!p0 $0x1;
	_ =	shalt  }
.Lfunc_end2:
_tile_overlayer_lowered:
.L_overlay_start_2:
0x27c: {  	(tag) =	ssettag $0x2  }
0x27d: {  	s0 =	rddreg [dreg:$0x0];
	s2 =	stileid.u32  }
0x27e: {  	s1 =	rddreg [dreg:$0x1];
	p0 =	sne.s32 s2, $0x0  }
0x27f: {  	s3 =	rddreg [dreg:$0x2];
	[bflag:$0x3] =	sbarrier.arrive $0xFFFF;
	s2 =	simm.s32 @!p0 $0x1C02  }
0x280: {  	[timem:s3], [sflag:s2] =	dma.local @!p0 [hbm:s0], s1  }
0x281: {  	s0 =	simm.s32 @!p0 $0x2  }
0x282: {  	_ =	swait.ge @!p0 [sflag:s0], s1  }
0x283: {  	s1 =	ssub.s32 @!p0 $0x0, s1;
	[sflag:s0] =	ssyncset.done @!p0 $0x0  }
0x284: {  	[sflag:s0] =	ssyncadd.s32 @!p0 s1  }
0x285: {  	[bflag:$0x3] =	sbarrier.arrive $0xFFFF  }
0x286: {  	_ =	shalt  }

</sc_bundles>
